<compile_context>
chip_gen: v7x
topology: tpu7x:2x2x1
jax: 0.10.2.dev20260603
libtpu: 0.0.44.dev20260713+nightly
codegen_flags: <defaults>
</compile_context>

<pallas_src>
import functools

import jax
import jax.numpy as jnp
from jax import lax
from jax.experimental import pallas as pl
from jax.experimental.pallas import tpu as pltpu
from jax.experimental.pallas import tpu_sc as plsc

B, N, H = 64, 128, 32
NP1 = N + 1
NUM_ITEMS = B * N
NUM_WORKERS = 32
ITEMS_PER_WORKER = NUM_ITEMS // NUM_WORKERS


def _sc_gather_body(spat_tab, edge_tab, sp_idx_hbm, aet_idx_hbm,
                    inner_hbm,
                    sp_idx0, sp_idx1, aet_idx0, aet_idx1,
                    spat_rows0, spat_rows1, edge_rows0, edge_rows1,
                    out_buf0, out_buf1,
                    sem_i0, sem_i1, sem_g0, sem_g1, sem_o0, sem_o1):
    wid = lax.axis_index("s") * 2 + lax.axis_index("c")
    base = wid * ITEMS_PER_WORKER
    n = ITEMS_PER_WORKER
    sp_idx = (sp_idx0, sp_idx1)
    aet_idx = (aet_idx0, aet_idx1)
    spat_rows = (spat_rows0, spat_rows1)
    edge_rows = (edge_rows0, edge_rows1)
    out_buf = (out_buf0, out_buf1)
    sem_i = (sem_i0, sem_i1)
    sem_g = (sem_g0, sem_g1)
    sem_o = (sem_o0, sem_o1)

    def start_idx(item, p):
        pltpu.async_copy(sp_idx_hbm.at[item], sp_idx[p], sem_i[p])
        pltpu.async_copy(aet_idx_hbm.at[item], aet_idx[p], sem_i[p])

    def wait_idx(p):
        pltpu.make_async_copy(sp_idx_hbm.at[0], sp_idx[p], sem_i[p]).wait()
        pltpu.make_async_copy(aet_idx_hbm.at[0], aet_idx[p], sem_i[p]).wait()

    def start_gathers(p):
        pltpu.async_copy(spat_tab.at[sp_idx[p]], spat_rows[p], sem_g[p])
        for r in range(3):
            pltpu.async_copy(edge_tab.at[aet_idx[p].at[pl.ds(r * N, N)]],
                             edge_rows[p].at[pl.ds(r * N, N)], sem_g[p])

    def wait_gathers(p):
        pltpu.make_async_copy(
            spat_tab.at[sp_idx[p]], spat_rows[p], sem_g[p]).wait()
        for r in range(3):
            pltpu.make_async_copy(
                edge_tab.at[aet_idx[p].at[pl.ds(r * N, N)]],
                edge_rows[p].at[pl.ds(r * N, N)], sem_g[p]).wait()

    def start_out(it, p):
        b = 2 * wid + (it // N)
        i = it % N
        pltpu.async_copy(out_buf[p], inner_hbm.at[b, i], sem_o[p])

    def wait_out(p):
        pltpu.make_async_copy(
            out_buf[p], inner_hbm.at[0, 0], sem_o[p]).wait()

    pltpu.sync_copy(sp_idx_hbm.at[base], sp_idx[0])
    pltpu.sync_copy(aet_idx_hbm.at[base], aet_idx[0])
    start_gathers(0)
    start_idx(base + 1, 1)

    rows16 = lax.iota(jnp.int32, 16)
    cols0 = jnp.broadcast_to(jnp.int32(0), (16,))

    def per_pair(it2, carry):
        for p in (0, 1):
            q = 1 - p
            it = 2 * it2 + p
            item = base + it
            wait_gathers(p)

            @pl.when(it + 2 < n)
            def _():
                start_idx(item + 2, p)

            @pl.when(it + 1 < n)
            def _():
                wait_idx(q)
                start_gathers(q)

            @pl.when(it >= 2)
            def _():
                wait_out(p)

            def per_cell(c, cols):
                sr, er, ob = spat_rows[p], edge_rows[p], out_buf[p]
                ws = sr[c]
                w0 = er[3 * c]
                w1 = er[3 * c + 1]
                w2 = er[3 * c + 2]

                def f32v(w):
                    return plsc.bitcast(w, jnp.float32)

                lo = (f32v(ws << 16) + f32v(w0 << 16)) + (
                    f32v(w1 << 16) + f32v(w2 << 16))
                hi = (f32v(ws) + f32v(w0)) + (f32v(w1) + f32v(w2))
                u_lo = lax.shift_right_logical(
                    plsc.bitcast(lo, jnp.int32), 16)
                u_hi = plsc.bitcast(hi, jnp.int32) & jnp.int32(-65536)
                w_out = u_hi | u_lo
                plsc.store_scatter(ob, [rows16, cols], w_out)
                return cols + 1

            lax.fori_loop(0, N, per_cell, cols0, unroll=16)
            start_out(it, p)
        return carry

    lax.fori_loop(0, n // 2, per_pair, 0)
    wait_out(0)
    wait_out(1)


def _sc_gather(spat_tab_f32, edge_tab_f32, sp_idx, aet_idx):
    mesh = plsc.VectorSubcoreMesh(core_axis_name="c", subcore_axis_name="s")
    return pl.kernel(
        _sc_gather_body,
        out_type=jax.ShapeDtypeStruct((B, N, H // 2, N), jnp.int32),
        mesh=mesh,
        scratch_types=[
            pltpu.VMEM((N,), jnp.int32),
            pltpu.VMEM((N,), jnp.int32),
            pltpu.VMEM((3 * N,), jnp.int32),
            pltpu.VMEM((3 * N,), jnp.int32),
            pltpu.VMEM((N, H // 2), jnp.int32),
            pltpu.VMEM((N, H // 2), jnp.int32),
            pltpu.VMEM((3 * N, H // 2), jnp.int32),
            pltpu.VMEM((3 * N, H // 2), jnp.int32),
            pltpu.VMEM((H // 2, N), jnp.int32),
            pltpu.VMEM((H // 2, N), jnp.int32),
            pltpu.SemaphoreType.DMA,
            pltpu.SemaphoreType.DMA,
            pltpu.SemaphoreType.DMA,
            pltpu.SemaphoreType.DMA,
            pltpu.SemaphoreType.DMA,
            pltpu.SemaphoreType.DMA,
        ],
        compiler_params=pltpu.CompilerParams(
            use_tc_tiling_on_sc=False, needs_layout_passes=False),
    )(spat_tab_f32, edge_tab_f32, sp_idx, aet_idx)


def _tc_assemble_body(ab_ref, mid_ref, t_ref, out_ref):
    tv = t_ref[0]
    ab_row0 = ab_ref[0, 0, :] * 2.0
    out_ref[0, 0, :, :] = ab_row0[None, :] + tv[:, None]
    ab2 = ab_ref[0, 1:, :] * 2.0
    w = mid_ref[0]
    lo = lax.bitcast_convert_type(w << 16, jnp.float32)
    hi = lax.bitcast_convert_type(
        w & jnp.int32(-65536), jnp.float32)
    halves = jnp.concatenate([lo, hi], axis=1)
    tcol = jnp.broadcast_to(tv[None, :, None], (N, H, 1))
    bias = jnp.concatenate([tcol, halves], axis=2)
    out_ref[0, 1:, :, :] = ab2[:, None, :] + bias


def _tc_assemble(attn_bias, mid, t):
    return pl.pallas_call(
        _tc_assemble_body,
        grid=(B,),
        in_specs=[
            pl.BlockSpec((1, NP1, NP1), lambda b: (b, 0, 0)),
            pl.BlockSpec((1, N, H // 2, N), lambda b: (b, 0, 0, 0)),
            pl.BlockSpec((1, H), lambda b: (0, 0)),
        ],
        out_specs=pl.BlockSpec((1, NP1, H, NP1), lambda b: (b, 0, 0, 0)),
        out_shape=jax.ShapeDtypeStruct((B, NP1, H, NP1), jnp.float32),
    )(attn_bias, mid, t)


@jax.jit
def _run(attn_bias, spatial_pos, attn_edge_type,
         edge_encoder_weight, spatial_pos_encoder_weight,
         graph_token_virtual_distance_weight):
    def _pack_tab(tab_f32):
        tb = tab_f32.astype(jnp.bfloat16)
        lo = lax.bitcast_convert_type(tb[:, :16], jnp.uint16)
        hi = lax.bitcast_convert_type(tb[:, 16:], jnp.uint16)
        w = lo.astype(jnp.uint32) | (hi.astype(jnp.uint32) << 16)
        return lax.bitcast_convert_type(w, jnp.int32)

    spat_tab = _pack_tab(spatial_pos_encoder_weight)
    edge_tab = _pack_tab(edge_encoder_weight * (1.0 / 3.0))
    sp_idx = spatial_pos.reshape(NUM_ITEMS, N)
    aet_idx = attn_edge_type.reshape(NUM_ITEMS, 3 * N)
    mid = _sc_gather(spat_tab, edge_tab, sp_idx, aet_idx)
    out_phys = _tc_assemble(attn_bias, mid,
                            graph_token_virtual_distance_weight)
    return jnp.transpose(out_phys, (0, 2, 1, 3))


def kernel(attn_bias, spatial_pos, x, edge_input, attn_edge_type,
           edge_encoder_weight, spatial_pos_encoder_weight,
           graph_token_virtual_distance_weight):
    del x, edge_input
    return _run(attn_bias, spatial_pos, attn_edge_type,
                edge_encoder_weight, spatial_pos_encoder_weight,
                graph_token_virtual_distance_weight)

# --- scband reference (transcript-rebuilt; emitter-appended) ---
"""Pipeline reference for scband-graph-attn-bias-51531017617623 (READ-ONLY COPY).

The authoritative reference and input builder live on the scoring server;
editing this copy changes nothing except your own understanding.
"""

import jax, jax.numpy as jnp
import numpy as np

B, N, H = 64, 128, 32
NUM_EDGES = 1536
NUM_SPATIAL = 512


def setup_inputs(seed: int = 0) -> dict:
    key = jax.random.key(seed)
    k = jax.random.split(key, 8)
    attn_bias = jax.random.normal(k[0], (B, N + 1, N + 1), dtype=jnp.float32)
    spatial_pos = jax.random.randint(k[1], (B, N, N), 0, NUM_SPATIAL)
    x = jax.random.randint(k[2], (B, N, 9), 0, 512)
    edge_input = jax.random.randint(k[3], (B, N, N, 5, 3), 0, NUM_EDGES)
    attn_edge_type = jax.random.randint(k[4], (B, N, N, 3), 0, NUM_EDGES)
    edge_encoder_weight = jax.random.normal(k[5], (NUM_EDGES + 1, H), dtype=jnp.float32) * 0.02
    edge_encoder_weight = edge_encoder_weight.at[0].set(0.0)  # padding_idx=0
    spatial_pos_encoder_weight = jax.random.normal(k[6], (NUM_SPATIAL + 10, H), dtype=jnp.float32) * 0.02
    spatial_pos_encoder_weight = spatial_pos_encoder_weight.at[0].set(0.0)  # padding_idx=0
    graph_token_virtual_distance_weight = jax.random.normal(k[7], (1, H), dtype=jnp.float32) * 0.02
    return {
        "attn_bias": attn_bias,
        "spatial_pos": spatial_pos,
        "x": x,
        "edge_input": edge_input,
        "attn_edge_type": attn_edge_type,
        "edge_encoder_weight": edge_encoder_weight,
        "spatial_pos_encoder_weight": spatial_pos_encoder_weight,
        "graph_token_virtual_distance_weight": graph_token_virtual_distance_weight,
    }


def reference(attn_bias, spatial_pos, x, edge_input, attn_edge_type,
              edge_encoder_weight, spatial_pos_encoder_weight,
              graph_token_virtual_distance_weight):
    # args.ft=True, no_2d=False, edge_type != 'multi_hop', mask_2d=None
    n_graph, n_node = x.shape[0], x.shape[1]
    num_heads = graph_token_virtual_distance_weight.shape[1]

    # graph_attn_bias = attn_bias.unsqueeze(1).repeat(1, H, 1, 1)
    gab = jnp.broadcast_to(attn_bias[:, None, :, :], (n_graph, num_heads, n_node + 1, n_node + 1))

    # spatial position bias: embedding gather [B,N,N] -> [B,N,N,H] -> [B,H,N,N]
    spatial_pos_bias = jnp.take(spatial_pos_encoder_weight, spatial_pos, axis=0)
    spatial_pos_bias = jnp.transpose(spatial_pos_bias, (0, 3, 1, 2))
    gab = gab.at[:, :, 1:, 1:].add(spatial_pos_bias)

    # virtual graph token distance
    t = graph_token_virtual_distance_weight.reshape(1, num_heads, 1)
    gab = gab.at[:, :, 1:, 0].add(t)
    gab = gab.at[:, :, 0, :].add(t)

    # edge feature bias: embedding gather [B,N,N,3] -> [B,N,N,3,H] -> mean -> [B,H,N,N]
    edge_feat = jnp.take(edge_encoder_weight, attn_edge_type, axis=0).mean(axis=-2)
    edge_feat = jnp.transpose(edge_feat, (0, 3, 1, 2))
    gab = gab.at[:, :, 1:, 1:].add(edge_feat)

    # reset / residual add of original attn_bias
    gab = gab + attn_bias[:, None, :, :]
    return gab

if __name__ == "__main__":
    import jax
    _d = setup_inputs()
    print(jax.jit(kernel)(*tuple(_d.values())))

</pallas_src>

<mosaic_0001>
#map = affine_map<(d0, d1) -> (0, 0)>
#map1 = affine_map<(d0, d1) -> (0, 0, 0, 0)>
module attributes {stable_mosaic.version = 14 : i64} {
  func.func @_sc_gather_body(%arg0: i32, %arg1: i32, %arg2: memref<522x16xi32, #tpu.memory_space<hbm>>, %arg3: memref<1537x16xi32, #tpu.memory_space<hbm>>, %arg4: memref<8192x128xi32, #tpu.memory_space<hbm>>, %arg5: memref<8192x384xi32, #tpu.memory_space<hbm>>, %arg6: memref<64x128x16x128xi32, #tpu.memory_space<hbm>>, %arg7: memref<128xi32, #tpu.memory_space<vmem>>, %arg8: memref<128xi32, #tpu.memory_space<vmem>>, %arg9: memref<384xi32, #tpu.memory_space<vmem>>, %arg10: memref<384xi32, #tpu.memory_space<vmem>>, %arg11: memref<128x16xi32, #tpu.memory_space<vmem>>, %arg12: memref<128x16xi32, #tpu.memory_space<vmem>>, %arg13: memref<384x16xi32, #tpu.memory_space<vmem>>, %arg14: memref<384x16xi32, #tpu.memory_space<vmem>>, %arg15: memref<16x128xi32, #tpu.memory_space<vmem>>, %arg16: memref<16x128xi32, #tpu.memory_space<vmem>>, %arg17: memref<!tpu.dma_semaphore, #tpu.memory_space<semaphore_mem>>, %arg18: memref<!tpu.dma_semaphore, #tpu.memory_space<semaphore_mem>>, %arg19: memref<!tpu.dma_semaphore, #tpu.memory_space<semaphore_mem>>, %arg20: memref<!tpu.dma_semaphore, #tpu.memory_space<semaphore_mem>>, %arg21: memref<!tpu.dma_semaphore, #tpu.memory_space<semaphore_mem>>, %arg22: memref<!tpu.dma_semaphore, #tpu.memory_space<semaphore_mem>>) attributes {dimension_semantics = [#tpu.dimension_semantics<core_parallel>, #tpu.dimension_semantics<subcore_parallel>], iteration_bounds = array<i64: 2, 16>, scalar_prefetch = 0 : i64, scratch_operands = 16 : i64, tpu.core_type = #tpu.core_type<sc_vector_subcore>, window_params = [{transform_indices = #map}, {transform_indices = #map}, {transform_indices = #map}, {transform_indices = #map}, {transform_indices = #map1}]} {
    %mul3A = arith.constant 2 : i32
    %mul3A_0 = arith.muli %arg1, %mul3A : i32
    %add3A = arith.addi %mul3A_0, %arg0 : i32
    %mul3A_1 = arith.constant 256 : i32
    %mul3A_2 = arith.muli %add3A, %mul3A_1 : i32
    "tpu.region"() ({
      %run_scoped3A = tpu.sem_alloc : memref<!tpu.dma_semaphore, #tpu.memory_space<semaphore_mem>>
      %dma_start3A_68 = arith.constant 0 : i32
      %dma_start3A_69 = tpu.memref_slice %arg4[%mul3A_2, %dma_start3A_68] : memref<8192x128xi32, #tpu.memory_space<hbm>> -> memref<1x128xi32, #tpu.memory_space<hbm>>
      %dma_start3A_70 = tpu.memref_squeeze %dma_start3A_69 : memref<1x128xi32, #tpu.memory_space<hbm>> -> memref<128xi32, #tpu.memory_space<hbm>>
      %dma_start3A_71 = arith.constant 0 : i32
      %dma_start3A_72 = tpu.memref_slice %arg4[%mul3A_2, %dma_start3A_71] : memref<8192x128xi32, #tpu.memory_space<hbm>> -> memref<1x128xi32, #tpu.memory_space<hbm>>
      %dma_start3A_73 = tpu.memref_squeeze %dma_start3A_72 : memref<1x128xi32, #tpu.memory_space<hbm>> -> memref<128xi32, #tpu.memory_space<hbm>>
      tpu.enqueue_dma source(%dma_start3A_73 : memref<128xi32, #tpu.memory_space<hbm>>) target(%arg7 : memref<128xi32, #tpu.memory_space<vmem>>) target_semaphore(%run_scoped3A : memref<!tpu.dma_semaphore, #tpu.memory_space<semaphore_mem>>)
      %dma_wait3A_74 = arith.constant 0 : i32
      %dma_wait3A_75 = tpu.memref_slice %arg4[%mul3A_2, %dma_wait3A_74] : memref<8192x128xi32, #tpu.memory_space<hbm>> -> memref<1x128xi32, #tpu.memory_space<hbm>>
      %dma_wait3A_76 = tpu.memref_squeeze %dma_wait3A_75 : memref<1x128xi32, #tpu.memory_space<hbm>> -> memref<128xi32, #tpu.memory_space<hbm>>
      %dma_wait3A_77 = arith.constant 0 : i32
      %dma_wait3A_78 = tpu.memref_slice %arg4[%mul3A_2, %dma_wait3A_77] : memref<8192x128xi32, #tpu.memory_space<hbm>> -> memref<1x128xi32, #tpu.memory_space<hbm>>
      %dma_wait3A_79 = tpu.memref_squeeze %dma_wait3A_78 : memref<1x128xi32, #tpu.memory_space<hbm>> -> memref<128xi32, #tpu.memory_space<hbm>>
      tpu.wait_dma2 semaphore(%run_scoped3A : memref<!tpu.dma_semaphore, #tpu.memory_space<semaphore_mem>>) src(%dma_wait3A_79 : memref<128xi32, #tpu.memory_space<hbm>>) dst(%arg7 : memref<128xi32, #tpu.memory_space<vmem>>)
      tpu.yield
    }) : () -> ()
    "tpu.region"() ({
      %run_scoped3A = tpu.sem_alloc : memref<!tpu.dma_semaphore, #tpu.memory_space<semaphore_mem>>
      %dma_start3A_68 = arith.constant 0 : i32
      %dma_start3A_69 = tpu.memref_slice %arg5[%mul3A_2, %dma_start3A_68] : memref<8192x384xi32, #tpu.memory_space<hbm>> -> memref<1x384xi32, #tpu.memory_space<hbm>>
      %dma_start3A_70 = tpu.memref_squeeze %dma_start3A_69 : memref<1x384xi32, #tpu.memory_space<hbm>> -> memref<384xi32, #tpu.memory_space<hbm>>
      %dma_start3A_71 = arith.constant 0 : i32
      %dma_start3A_72 = tpu.memref_slice %arg5[%mul3A_2, %dma_start3A_71] : memref<8192x384xi32, #tpu.memory_space<hbm>> -> memref<1x384xi32, #tpu.memory_space<hbm>>
      %dma_start3A_73 = tpu.memref_squeeze %dma_start3A_72 : memref<1x384xi32, #tpu.memory_space<hbm>> -> memref<384xi32, #tpu.memory_space<hbm>>
      tpu.enqueue_dma source(%dma_start3A_73 : memref<384xi32, #tpu.memory_space<hbm>>) target(%arg9 : memref<384xi32, #tpu.memory_space<vmem>>) target_semaphore(%run_scoped3A : memref<!tpu.dma_semaphore, #tpu.memory_space<semaphore_mem>>)
      %dma_wait3A_74 = arith.constant 0 : i32
      %dma_wait3A_75 = tpu.memref_slice %arg5[%mul3A_2, %dma_wait3A_74] : memref<8192x384xi32, #tpu.memory_space<hbm>> -> memref<1x384xi32, #tpu.memory_space<hbm>>
      %dma_wait3A_76 = tpu.memref_squeeze %dma_wait3A_75 : memref<1x384xi32, #tpu.memory_space<hbm>> -> memref<384xi32, #tpu.memory_space<hbm>>
      %dma_wait3A_77 = arith.constant 0 : i32
      %dma_wait3A_78 = tpu.memref_slice %arg5[%mul3A_2, %dma_wait3A_77] : memref<8192x384xi32, #tpu.memory_space<hbm>> -> memref<1x384xi32, #tpu.memory_space<hbm>>
      %dma_wait3A_79 = tpu.memref_squeeze %dma_wait3A_78 : memref<1x384xi32, #tpu.memory_space<hbm>> -> memref<384xi32, #tpu.memory_space<hbm>>
      tpu.wait_dma2 semaphore(%run_scoped3A : memref<!tpu.dma_semaphore, #tpu.memory_space<semaphore_mem>>) src(%dma_wait3A_79 : memref<384xi32, #tpu.memory_space<hbm>>) dst(%arg9 : memref<384xi32, #tpu.memory_space<vmem>>)
      tpu.yield
    }) : () -> ()
    %dma_start3A = arith.constant 0 : i32
    %dma_start3A_3 = arith.constant 0 : i32
    %dma_start3A_4 = tpu.memref_slice %arg2[%dma_start3A, %dma_start3A_3] : memref<522x16xi32, #tpu.memory_space<hbm>> -> memref<522x16xi32, #tpu.memory_space<hbm>>
    tpu.enqueue_indirect_dma source(%dma_start3A_4 : memref<522x16xi32, #tpu.memory_space<hbm>>) target(%arg11 : memref<128x16xi32, #tpu.memory_space<vmem>>) offsets(%arg7 : memref<128xi32, #tpu.memory_space<vmem>>) semaphore(%arg19 : memref<!tpu.dma_semaphore, #tpu.memory_space<semaphore_mem>>)
    %dma_start3A_5 = arith.constant 0 : i32
    %dma_start3A_6 = arith.constant 0 : i32
    %dma_start3A_7 = tpu.memref_slice %arg13[%dma_start3A_5, %dma_start3A_6] : memref<384x16xi32, #tpu.memory_space<vmem>> -> memref<128x16xi32, #tpu.memory_space<vmem>>
    %dma_start3A_8 = arith.constant 0 : i32
    %dma_start3A_9 = tpu.memref_slice %arg9[%dma_start3A_8] : memref<384xi32, #tpu.memory_space<vmem>> -> memref<128xi32, #tpu.memory_space<vmem>>
    %dma_start3A_10 = arith.constant 0 : i32
    %dma_start3A_11 = arith.constant 0 : i32
    %dma_start3A_12 = tpu.memref_slice %arg3[%dma_start3A_10, %dma_start3A_11] : memref<1537x16xi32, #tpu.memory_space<hbm>> -> memref<1537x16xi32, #tpu.memory_space<hbm>>
    tpu.enqueue_indirect_dma source(%dma_start3A_12 : memref<1537x16xi32, #tpu.memory_space<hbm>>) target(%dma_start3A_7 : memref<128x16xi32, #tpu.memory_space<vmem>>) offsets(%dma_start3A_9 : memref<128xi32, #tpu.memory_space<vmem>>) semaphore(%arg19 : memref<!tpu.dma_semaphore, #tpu.memory_space<semaphore_mem>>)
    %dma_start3A_13 = arith.constant 128 : i32
    %dma_start3A_14 = arith.constant 0 : i32
    %dma_start3A_15 = tpu.memref_slice %arg13[%dma_start3A_13, %dma_start3A_14] : memref<384x16xi32, #tpu.memory_space<vmem>> -> memref<128x16xi32, #tpu.memory_space<vmem>>
    %dma_start3A_16 = arith.constant 128 : i32
    %dma_start3A_17 = tpu.memref_slice %arg9[%dma_start3A_16] : memref<384xi32, #tpu.memory_space<vmem>> -> memref<128xi32, #tpu.memory_space<vmem>>
    %dma_start3A_18 = arith.constant 0 : i32
    %dma_start3A_19 = arith.constant 0 : i32
    %dma_start3A_20 = tpu.memref_slice %arg3[%dma_start3A_18, %dma_start3A_19] : memref<1537x16xi32, #tpu.memory_space<hbm>> -> memref<1537x16xi32, #tpu.memory_space<hbm>>
    tpu.enqueue_indirect_dma source(%dma_start3A_20 : memref<1537x16xi32, #tpu.memory_space<hbm>>) target(%dma_start3A_15 : memref<128x16xi32, #tpu.memory_space<vmem>>) offsets(%dma_start3A_17 : memref<128xi32, #tpu.memory_space<vmem>>) semaphore(%arg19 : memref<!tpu.dma_semaphore, #tpu.memory_space<semaphore_mem>>)
    %dma_start3A_21 = arith.constant 256 : i32
    %dma_start3A_22 = arith.constant 0 : i32
    %dma_start3A_23 = tpu.memref_slice %arg13[%dma_start3A_21, %dma_start3A_22] : memref<384x16xi32, #tpu.memory_space<vmem>> -> memref<128x16xi32, #tpu.memory_space<vmem>>
    %dma_start3A_24 = arith.constant 256 : i32
    %dma_start3A_25 = tpu.memref_slice %arg9[%dma_start3A_24] : memref<384xi32, #tpu.memory_space<vmem>> -> memref<128xi32, #tpu.memory_space<vmem>>
    %dma_start3A_26 = arith.constant 0 : i32
    %dma_start3A_27 = arith.constant 0 : i32
    %dma_start3A_28 = tpu.memref_slice %arg3[%dma_start3A_26, %dma_start3A_27] : memref<1537x16xi32, #tpu.memory_space<hbm>> -> memref<1537x16xi32, #tpu.memory_space<hbm>>
    tpu.enqueue_indirect_dma source(%dma_start3A_28 : memref<1537x16xi32, #tpu.memory_space<hbm>>) target(%dma_start3A_23 : memref<128x16xi32, #tpu.memory_space<vmem>>) offsets(%dma_start3A_25 : memref<128xi32, #tpu.memory_space<vmem>>) semaphore(%arg19 : memref<!tpu.dma_semaphore, #tpu.memory_space<semaphore_mem>>)
    %add3A_29 = arith.constant 1 : i32
    %add3A_30 = arith.addi %mul3A_2, %add3A_29 : i32
    %dma_start3A_31 = arith.constant 0 : i32
    %dma_start3A_32 = tpu.memref_slice %arg4[%add3A_30, %dma_start3A_31] : memref<8192x128xi32, #tpu.memory_space<hbm>> -> memref<1x128xi32, #tpu.memory_space<hbm>>
    %dma_start3A_33 = tpu.memref_squeeze %dma_start3A_32 : memref<1x128xi32, #tpu.memory_space<hbm>> -> memref<128xi32, #tpu.memory_space<hbm>>
    %dma_start3A_34 = arith.constant 0 : i32
    %dma_start3A_35 = tpu.memref_slice %arg4[%add3A_30, %dma_start3A_34] : memref<8192x128xi32, #tpu.memory_space<hbm>> -> memref<1x128xi32, #tpu.memory_space<hbm>>
    %dma_start3A_36 = tpu.memref_squeeze %dma_start3A_35 : memref<1x128xi32, #tpu.memory_space<hbm>> -> memref<128xi32, #tpu.memory_space<hbm>>
    tpu.enqueue_dma source(%dma_start3A_36 : memref<128xi32, #tpu.memory_space<hbm>>) target(%arg8 : memref<128xi32, #tpu.memory_space<vmem>>) target_semaphore(%arg18 : memref<!tpu.dma_semaphore, #tpu.memory_space<semaphore_mem>>)
    %dma_start3A_37 = arith.constant 0 : i32
    %dma_start3A_38 = tpu.memref_slice %arg5[%add3A_30, %dma_start3A_37] : memref<8192x384xi32, #tpu.memory_space<hbm>> -> memref<1x384xi32, #tpu.memory_space<hbm>>
    %dma_start3A_39 = tpu.memref_squeeze %dma_start3A_38 : memref<1x384xi32, #tpu.memory_space<hbm>> -> memref<384xi32, #tpu.memory_space<hbm>>
    %dma_start3A_40 = arith.constant 0 : i32
    %dma_start3A_41 = tpu.memref_slice %arg5[%add3A_30, %dma_start3A_40] : memref<8192x384xi32, #tpu.memory_space<hbm>> -> memref<1x384xi32, #tpu.memory_space<hbm>>
    %dma_start3A_42 = tpu.memref_squeeze %dma_start3A_41 : memref<1x384xi32, #tpu.memory_space<hbm>> -> memref<384xi32, #tpu.memory_space<hbm>>
    tpu.enqueue_dma source(%dma_start3A_42 : memref<384xi32, #tpu.memory_space<hbm>>) target(%arg10 : memref<384xi32, #tpu.memory_space<vmem>>) target_semaphore(%arg18 : memref<!tpu.dma_semaphore, #tpu.memory_space<semaphore_mem>>)
    %iota3A = tpu.iota {dimensions = array<i32: 0>} : vector<16xi32>
    %broadcast_in_dim3A = arith.constant 0 : i32
    %broadcast_in_dim3A_43 = vector.broadcast %broadcast_in_dim3A : i32 to vector<16xi32>
    %scan3A = arith.constant 0 : i32
    %scan3A_44 = arith.constant 0 : i32
    %scan3A_45 = arith.constant 128 : i32
    %scan3A_46 = arith.addi %scan3A_44, %scan3A_45 : i32
    %scan3A_47 = arith.constant 1 : i32
    scf.for %scan3A_68 = %scan3A_44 to %scan3A_46 step %scan3A_47  : i32 {
      %mul3A_69 = arith.constant 2 : i32
      %mul3A_70 = arith.muli %mul3A_69, %scan3A_68 : i32
      %add3A_71 = arith.constant 0 : i32
      %add3A_72 = arith.addi %mul3A_70, %add3A_71 : i32
      %add3A_73 = arith.addi %mul3A_2, %add3A_72 : i32
      %dma_wait3A_74 = arith.constant 0 : i32
      %dma_wait3A_75 = arith.constant 0 : i32
      %dma_wait3A_76 = tpu.memref_slice %arg2[%dma_wait3A_74, %dma_wait3A_75] : memref<522x16xi32, #tpu.memory_space<hbm>> -> memref<522x16xi32, #tpu.memory_space<hbm>>
      tpu.wait_indirect_dma semaphore(%arg19 : memref<!tpu.dma_semaphore, #tpu.memory_space<semaphore_mem>>) src(%dma_wait3A_76 : memref<522x16xi32, #tpu.memory_space<hbm>>) dst(%arg11 : memref<128x16xi32, #tpu.memory_space<vmem>>)
      %dma_wait3A_77 = arith.constant 0 : i32
      %dma_wait3A_78 = arith.constant 0 : i32
      %dma_wait3A_79 = tpu.memref_slice %arg13[%dma_wait3A_77, %dma_wait3A_78] : memref<384x16xi32, #tpu.memory_space<vmem>> -> memref<128x16xi32, #tpu.memory_space<vmem>>
      %dma_wait3A_80 = arith.constant 0 : i32
      %dma_wait3A_81 = tpu.memref_slice %arg9[%dma_wait3A_80] : memref<384xi32, #tpu.memory_space<vmem>> -> memref<128xi32, #tpu.memory_space<vmem>>
      %dma_wait3A_82 = arith.constant 0 : i32
      %dma_wait3A_83 = arith.constant 0 : i32
      %dma_wait3A_84 = tpu.memref_slice %arg3[%dma_wait3A_82, %dma_wait3A_83] : memref<1537x16xi32, #tpu.memory_space<hbm>> -> memref<1537x16xi32, #tpu.memory_space<hbm>>
      tpu.wait_indirect_dma semaphore(%arg19 : memref<!tpu.dma_semaphore, #tpu.memory_space<semaphore_mem>>) src(%dma_wait3A_84 : memref<1537x16xi32, #tpu.memory_space<hbm>>) dst(%dma_wait3A_79 : memref<128x16xi32, #tpu.memory_space<vmem>>)
      %dma_wait3A_85 = arith.constant 128 : i32
      %dma_wait3A_86 = arith.constant 0 : i32
      %dma_wait3A_87 = tpu.memref_slice %arg13[%dma_wait3A_85, %dma_wait3A_86] : memref<384x16xi32, #tpu.memory_space<vmem>> -> memref<128x16xi32, #tpu.memory_space<vmem>>
      %dma_wait3A_88 = arith.constant 128 : i32
      %dma_wait3A_89 = tpu.memref_slice %arg9[%dma_wait3A_88] : memref<384xi32, #tpu.memory_space<vmem>> -> memref<128xi32, #tpu.memory_space<vmem>>
      %dma_wait3A_90 = arith.constant 0 : i32
      %dma_wait3A_91 = arith.constant 0 : i32
      %dma_wait3A_92 = tpu.memref_slice %arg3[%dma_wait3A_90, %dma_wait3A_91] : memref<1537x16xi32, #tpu.memory_space<hbm>> -> memref<1537x16xi32, #tpu.memory_space<hbm>>
      tpu.wait_indirect_dma semaphore(%arg19 : memref<!tpu.dma_semaphore, #tpu.memory_space<semaphore_mem>>) src(%dma_wait3A_92 : memref<1537x16xi32, #tpu.memory_space<hbm>>) dst(%dma_wait3A_87 : memref<128x16xi32, #tpu.memory_space<vmem>>)
      %dma_wait3A_93 = arith.constant 256 : i32
      %dma_wait3A_94 = arith.constant 0 : i32
      %dma_wait3A_95 = tpu.memref_slice %arg13[%dma_wait3A_93, %dma_wait3A_94] : memref<384x16xi32, #tpu.memory_space<vmem>> -> memref<128x16xi32, #tpu.memory_space<vmem>>
      %dma_wait3A_96 = arith.constant 256 : i32
      %dma_wait3A_97 = tpu.memref_slice %arg9[%dma_wait3A_96] : memref<384xi32, #tpu.memory_space<vmem>> -> memref<128xi32, #tpu.memory_space<vmem>>
      %dma_wait3A_98 = arith.constant 0 : i32
      %dma_wait3A_99 = arith.constant 0 : i32
      %dma_wait3A_100 = tpu.memref_slice %arg3[%dma_wait3A_98, %dma_wait3A_99] : memref<1537x16xi32, #tpu.memory_space<hbm>> -> memref<1537x16xi32, #tpu.memory_space<hbm>>
      tpu.wait_indirect_dma semaphore(%arg19 : memref<!tpu.dma_semaphore, #tpu.memory_space<semaphore_mem>>) src(%dma_wait3A_100 : memref<1537x16xi32, #tpu.memory_space<hbm>>) dst(%dma_wait3A_95 : memref<128x16xi32, #tpu.memory_space<vmem>>)
      %add3A_101 = arith.constant 2 : i32
      %add3A_102 = arith.addi %add3A_72, %add3A_101 : i32
      %lt3A = arith.constant 256 : i32
      %lt3A_103 = arith.cmpi slt, %add3A_102, %lt3A : i32
      %convert_element_type3A = arith.extui %lt3A_103 : i1 to i32
      %cond3A = arith.constant 0 : i32
      %cond3A_104 = arith.cmpi ne, %convert_element_type3A, %cond3A : i32
      scf.if %cond3A_104 {
        %add3A_272 = arith.constant 2 : i32
        %add3A_273 = arith.addi %add3A_73, %add3A_272 : i32
        %dma_start3A_274 = arith.constant 0 : i32
        %dma_start3A_275 = tpu.memref_slice %arg4[%add3A_273, %dma_start3A_274] : memref<8192x128xi32, #tpu.memory_space<hbm>> -> memref<1x128xi32, #tpu.memory_space<hbm>>
        %dma_start3A_276 = tpu.memref_squeeze %dma_start3A_275 : memref<1x128xi32, #tpu.memory_space<hbm>> -> memref<128xi32, #tpu.memory_space<hbm>>
        %dma_start3A_277 = arith.constant 0 : i32
        %dma_start3A_278 = tpu.memref_slice %arg4[%add3A_273, %dma_start3A_277] : memref<8192x128xi32, #tpu.memory_space<hbm>> -> memref<1x128xi32, #tpu.memory_space<hbm>>
        %dma_start3A_279 = tpu.memref_squeeze %dma_start3A_278 : memref<1x128xi32, #tpu.memory_space<hbm>> -> memref<128xi32, #tpu.memory_space<hbm>>
        tpu.enqueue_dma source(%dma_start3A_279 : memref<128xi32, #tpu.memory_space<hbm>>) target(%arg7 : memref<128xi32, #tpu.memory_space<vmem>>) target_semaphore(%arg17 : memref<!tpu.dma_semaphore, #tpu.memory_space<semaphore_mem>>)
        %dma_start3A_280 = arith.constant 0 : i32
        %dma_start3A_281 = tpu.memref_slice %arg5[%add3A_273, %dma_start3A_280] : memref<8192x384xi32, #tpu.memory_space<hbm>> -> memref<1x384xi32, #tpu.memory_space<hbm>>
        %dma_start3A_282 = tpu.memref_squeeze %dma_start3A_281 : memref<1x384xi32, #tpu.memory_space<hbm>> -> memref<384xi32, #tpu.memory_space<hbm>>
        %dma_start3A_283 = arith.constant 0 : i32
        %dma_start3A_284 = tpu.memref_slice %arg5[%add3A_273, %dma_start3A_283] : memref<8192x384xi32, #tpu.memory_space<hbm>> -> memref<1x384xi32, #tpu.memory_space<hbm>>
        %dma_start3A_285 = tpu.memref_squeeze %dma_start3A_284 : memref<1x384xi32, #tpu.memory_space<hbm>> -> memref<384xi32, #tpu.memory_space<hbm>>
        tpu.enqueue_dma source(%dma_start3A_285 : memref<384xi32, #tpu.memory_space<hbm>>) target(%arg9 : memref<384xi32, #tpu.memory_space<vmem>>) target_semaphore(%arg17 : memref<!tpu.dma_semaphore, #tpu.memory_space<semaphore_mem>>)
      } else {
      }
      %add3A_105 = arith.constant 1 : i32
      %add3A_106 = arith.addi %add3A_72, %add3A_105 : i32
      %lt3A_107 = arith.constant 256 : i32
      %lt3A_108 = arith.cmpi slt, %add3A_106, %lt3A_107 : i32
      %convert_element_type3A_109 = arith.extui %lt3A_108 : i1 to i32
      %cond3A_110 = arith.constant 0 : i32
      %cond3A_111 = arith.cmpi ne, %convert_element_type3A_109, %cond3A_110 : i32
      scf.if %cond3A_111 {
        %dma_wait3A_272 = arith.constant 0 : i32
        %dma_wait3A_273 = arith.constant 0 : i32
        %dma_wait3A_274 = tpu.memref_slice %arg4[%dma_wait3A_272, %dma_wait3A_273] : memref<8192x128xi32, #tpu.memory_space<hbm>> -> memref<1x128xi32, #tpu.memory_space<hbm>>
        %dma_wait3A_275 = tpu.memref_squeeze %dma_wait3A_274 : memref<1x128xi32, #tpu.memory_space<hbm>> -> memref<128xi32, #tpu.memory_space<hbm>>
        %dma_wait3A_276 = arith.constant 0 : i32
        %dma_wait3A_277 = tpu.memref_slice %arg4[%dma_wait3A_272, %dma_wait3A_276] : memref<8192x128xi32, #tpu.memory_space<hbm>> -> memref<1x128xi32, #tpu.memory_space<hbm>>
        %dma_wait3A_278 = tpu.memref_squeeze %dma_wait3A_277 : memref<1x128xi32, #tpu.memory_space<hbm>> -> memref<128xi32, #tpu.memory_space<hbm>>
        tpu.wait_dma2 semaphore(%arg18 : memref<!tpu.dma_semaphore, #tpu.memory_space<semaphore_mem>>) src(%dma_wait3A_278 : memref<128xi32, #tpu.memory_space<hbm>>) dst(%arg8 : memref<128xi32, #tpu.memory_space<vmem>>)
        %dma_wait3A_279 = arith.constant 0 : i32
        %dma_wait3A_280 = arith.constant 0 : i32
        %dma_wait3A_281 = tpu.memref_slice %arg5[%dma_wait3A_279, %dma_wait3A_280] : memref<8192x384xi32, #tpu.memory_space<hbm>> -> memref<1x384xi32, #tpu.memory_space<hbm>>
        %dma_wait3A_282 = tpu.memref_squeeze %dma_wait3A_281 : memref<1x384xi32, #tpu.memory_space<hbm>> -> memref<384xi32, #tpu.memory_space<hbm>>
        %dma_wait3A_283 = arith.constant 0 : i32
        %dma_wait3A_284 = tpu.memref_slice %arg5[%dma_wait3A_279, %dma_wait3A_283] : memref<8192x384xi32, #tpu.memory_space<hbm>> -> memref<1x384xi32, #tpu.memory_space<hbm>>
        %dma_wait3A_285 = tpu.memref_squeeze %dma_wait3A_284 : memref<1x384xi32, #tpu.memory_space<hbm>> -> memref<384xi32, #tpu.memory_space<hbm>>
        tpu.wait_dma2 semaphore(%arg18 : memref<!tpu.dma_semaphore, #tpu.memory_space<semaphore_mem>>) src(%dma_wait3A_285 : memref<384xi32, #tpu.memory_space<hbm>>) dst(%arg10 : memref<384xi32, #tpu.memory_space<vmem>>)
        %dma_start3A_286 = arith.constant 0 : i32
        %dma_start3A_287 = arith.constant 0 : i32
        %dma_start3A_288 = tpu.memref_slice %arg2[%dma_start3A_286, %dma_start3A_287] : memref<522x16xi32, #tpu.memory_space<hbm>> -> memref<522x16xi32, #tpu.memory_space<hbm>>
        tpu.enqueue_indirect_dma source(%dma_start3A_288 : memref<522x16xi32, #tpu.memory_space<hbm>>) target(%arg12 : memref<128x16xi32, #tpu.memory_space<vmem>>) offsets(%arg8 : memref<128xi32, #tpu.memory_space<vmem>>) semaphore(%arg20 : memref<!tpu.dma_semaphore, #tpu.memory_space<semaphore_mem>>)
        %dma_start3A_289 = arith.constant 0 : i32
        %dma_start3A_290 = arith.constant 0 : i32
        %dma_start3A_291 = tpu.memref_slice %arg14[%dma_start3A_289, %dma_start3A_290] : memref<384x16xi32, #tpu.memory_space<vmem>> -> memref<128x16xi32, #tpu.memory_space<vmem>>
        %dma_start3A_292 = arith.constant 0 : i32
        %dma_start3A_293 = tpu.memref_slice %arg10[%dma_start3A_292] : memref<384xi32, #tpu.memory_space<vmem>> -> memref<128xi32, #tpu.memory_space<vmem>>
        %dma_start3A_294 = arith.constant 0 : i32
        %dma_start3A_295 = arith.constant 0 : i32
        %dma_start3A_296 = tpu.memref_slice %arg3[%dma_start3A_294, %dma_start3A_295] : memref<1537x16xi32, #tpu.memory_space<hbm>> -> memref<1537x16xi32, #tpu.memory_space<hbm>>
        tpu.enqueue_indirect_dma source(%dma_start3A_296 : memref<1537x16xi32, #tpu.memory_space<hbm>>) target(%dma_start3A_291 : memref<128x16xi32, #tpu.memory_space<vmem>>) offsets(%dma_start3A_293 : memref<128xi32, #tpu.memory_space<vmem>>) semaphore(%arg20 : memref<!tpu.dma_semaphore, #tpu.memory_space<semaphore_mem>>)
        %dma_start3A_297 = arith.constant 128 : i32
        %dma_start3A_298 = arith.constant 0 : i32
        %dma_start3A_299 = tpu.memref_slice %arg14[%dma_start3A_297, %dma_start3A_298] : memref<384x16xi32, #tpu.memory_space<vmem>> -> memref<128x16xi32, #tpu.memory_space<vmem>>
        %dma_start3A_300 = arith.constant 128 : i32
        %dma_start3A_301 = tpu.memref_slice %arg10[%dma_start3A_300] : memref<384xi32, #tpu.memory_space<vmem>> -> memref<128xi32, #tpu.memory_space<vmem>>
        %dma_start3A_302 = arith.constant 0 : i32
        %dma_start3A_303 = arith.constant 0 : i32
        %dma_start3A_304 = tpu.memref_slice %arg3[%dma_start3A_302, %dma_start3A_303] : memref<1537x16xi32, #tpu.memory_space<hbm>> -> memref<1537x16xi32, #tpu.memory_space<hbm>>
        tpu.enqueue_indirect_dma source(%dma_start3A_304 : memref<1537x16xi32, #tpu.memory_space<hbm>>) target(%dma_start3A_299 : memref<128x16xi32, #tpu.memory_space<vmem>>) offsets(%dma_start3A_301 : memref<128xi32, #tpu.memory_space<vmem>>) semaphore(%arg20 : memref<!tpu.dma_semaphore, #tpu.memory_space<semaphore_mem>>)
        %dma_start3A_305 = arith.constant 256 : i32
        %dma_start3A_306 = arith.constant 0 : i32
        %dma_start3A_307 = tpu.memref_slice %arg14[%dma_start3A_305, %dma_start3A_306] : memref<384x16xi32, #tpu.memory_space<vmem>> -> memref<128x16xi32, #tpu.memory_space<vmem>>
        %dma_start3A_308 = arith.constant 256 : i32
        %dma_start3A_309 = tpu.memref_slice %arg10[%dma_start3A_308] : memref<384xi32, #tpu.memory_space<vmem>> -> memref<128xi32, #tpu.memory_space<vmem>>
        %dma_start3A_310 = arith.constant 0 : i32
        %dma_start3A_311 = arith.constant 0 : i32
        %dma_start3A_312 = tpu.memref_slice %arg3[%dma_start3A_310, %dma_start3A_311] : memref<1537x16xi32, #tpu.memory_space<hbm>> -> memref<1537x16xi32, #tpu.memory_space<hbm>>
        tpu.enqueue_indirect_dma source(%dma_start3A_312 : memref<1537x16xi32, #tpu.memory_space<hbm>>) target(%dma_start3A_307 : memref<128x16xi32, #tpu.memory_space<vmem>>) offsets(%dma_start3A_309 : memref<128xi32, #tpu.memory_space<vmem>>) semaphore(%arg20 : memref<!tpu.dma_semaphore, #tpu.memory_space<semaphore_mem>>)
      } else {
      }
      %ge3A = arith.constant 2 : i32
      %ge3A_112 = arith.cmpi sge, %add3A_72, %ge3A : i32
      %convert_element_type3A_113 = arith.extui %ge3A_112 : i1 to i32
      %cond3A_114 = arith.constant 0 : i32
      %cond3A_115 = arith.cmpi ne, %convert_element_type3A_113, %cond3A_114 : i32
      scf.if %cond3A_115 {
        %dma_wait3A_272 = arith.constant 0 : i32
        %dma_wait3A_273 = arith.constant 0 : i32
        %dma_wait3A_274 = arith.constant 0 : i32
        %dma_wait3A_275 = arith.constant 0 : i32
        %dma_wait3A_276 = tpu.memref_slice %arg6[%dma_wait3A_272, %dma_wait3A_273, %dma_wait3A_274, %dma_wait3A_275] : memref<64x128x16x128xi32, #tpu.memory_space<hbm>> -> memref<1x1x16x128xi32, #tpu.memory_space<hbm>>
        %dma_wait3A_277 = tpu.memref_squeeze %dma_wait3A_276 : memref<1x1x16x128xi32, #tpu.memory_space<hbm>> -> memref<16x128xi32, #tpu.memory_space<hbm>>
        %dma_wait3A_278 = arith.constant 0 : i32
        %dma_wait3A_279 = arith.constant 0 : i32
        %dma_wait3A_280 = tpu.memref_slice %arg6[%dma_wait3A_272, %dma_wait3A_273, %dma_wait3A_278, %dma_wait3A_279] : memref<64x128x16x128xi32, #tpu.memory_space<hbm>> -> memref<1x1x16x128xi32, #tpu.memory_space<hbm>>
        %dma_wait3A_281 = tpu.memref_squeeze %dma_wait3A_280 : memref<1x1x16x128xi32, #tpu.memory_space<hbm>> -> memref<16x128xi32, #tpu.memory_space<hbm>>
        tpu.wait_dma2 semaphore(%arg21 : memref<!tpu.dma_semaphore, #tpu.memory_space<semaphore_mem>>) src(%arg15 : memref<16x128xi32, #tpu.memory_space<vmem>>) dst(%dma_wait3A_281 : memref<16x128xi32, #tpu.memory_space<hbm>>)
      } else {
      }
      %scan3A_116 = arith.constant 0 : i32
      %scan3A_117 = arith.constant 128 : i32
      %scan3A_118 = arith.addi %scan3A_116, %scan3A_117 : i32
      %scan3A_119 = arith.constant 16 : i32
      %scan3A_120 = scf.for %scan3A_272 = %scan3A_116 to %scan3A_118 step %scan3A_119 iter_args(%scan3A_273 = %broadcast_in_dim3A_43) -> (vector<16xi32>)  : i32 {
        %get3A = arith.index_cast %scan3A_272 : i32 to index
        %get3A_274 = arith.constant 0 : index
        %get3A_275 = tpu.vector_load %arg11[%get3A, %get3A_274] {strides = array<i32>} : memref<128x16xi32, #tpu.memory_space<vmem>>, vector<16xi32>,
        %mul3A_276 = arith.constant 3 : i32
        %mul3A_277 = arith.muli %mul3A_276, %scan3A_272 : i32
        %get3A_278 = arith.index_cast %mul3A_277 : i32 to index
        %get3A_279 = arith.constant 0 : index
        %get3A_280 = tpu.vector_load %arg13[%get3A_278, %get3A_279] {strides = array<i32>} : memref<384x16xi32, #tpu.memory_space<vmem>>, vector<16xi32>,
        %mul3A_281 = arith.constant 3 : i32
        %mul3A_282 = arith.muli %mul3A_281, %scan3A_272 : i32
        %add3A_283 = arith.constant 1 : i32
        %add3A_284 = arith.addi %mul3A_282, %add3A_283 : i32
        %get3A_285 = arith.index_cast %add3A_284 : i32 to index
        %get3A_286 = arith.constant 0 : index
        %get3A_287 = tpu.vector_load %arg13[%get3A_285, %get3A_286] {strides = array<i32>} : memref<384x16xi32, #tpu.memory_space<vmem>>, vector<16xi32>,
        %mul3A_288 = arith.constant 3 : i32
        %mul3A_289 = arith.muli %mul3A_288, %scan3A_272 : i32
        %add3A_290 = arith.constant 2 : i32
        %add3A_291 = arith.addi %mul3A_289, %add3A_290 : i32
        %get3A_292 = arith.index_cast %add3A_291 : i32 to index
        %get3A_293 = arith.constant 0 : index
        %get3A_294 = tpu.vector_load %arg13[%get3A_292, %get3A_293] {strides = array<i32>} : memref<384x16xi32, #tpu.memory_space<vmem>>, vector<16xi32>,
        %shift_left3A = arith.constant 16 : i32
        %shift_left3A_295 = vector.broadcast %shift_left3A : i32 to vector<16xi32>
        %shift_left3A_296 = arith.shli %get3A_275, %shift_left3A_295 : vector<16xi32>
        %bitcast3A = vector.bitcast %shift_left3A_296 : vector<16xi32> to vector<16xf32>
        %shift_left3A_297 = arith.constant 16 : i32
        %shift_left3A_298 = vector.broadcast %shift_left3A_297 : i32 to vector<16xi32>
        %shift_left3A_299 = arith.shli %get3A_280, %shift_left3A_298 : vector<16xi32>
        %bitcast3A_300 = vector.bitcast %shift_left3A_299 : vector<16xi32> to vector<16xf32>
        %add3A_301 = arith.addf %bitcast3A, %bitcast3A_300 : vector<16xf32>
        %shift_left3A_302 = arith.constant 16 : i32
        %shift_left3A_303 = vector.broadcast %shift_left3A_302 : i32 to vector<16xi32>
        %shift_left3A_304 = arith.shli %get3A_287, %shift_left3A_303 : vector<16xi32>
        %bitcast3A_305 = vector.bitcast %shift_left3A_304 : vector<16xi32> to vector<16xf32>
        %shift_left3A_306 = arith.constant 16 : i32
        %shift_left3A_307 = vector.broadcast %shift_left3A_306 : i32 to vector<16xi32>
        %shift_left3A_308 = arith.shli %get3A_294, %shift_left3A_307 : vector<16xi32>
        %bitcast3A_309 = vector.bitcast %shift_left3A_308 : vector<16xi32> to vector<16xf32>
        %add3A_310 = arith.addf %bitcast3A_305, %bitcast3A_309 : vector<16xf32>
        %add3A_311 = arith.addf %add3A_301, %add3A_310 : vector<16xf32>
        %bitcast3A_312 = vector.bitcast %get3A_275 : vector<16xi32> to vector<16xf32>
        %bitcast3A_313 = vector.bitcast %get3A_280 : vector<16xi32> to vector<16xf32>
        %add3A_314 = arith.addf %bitcast3A_312, %bitcast3A_313 : vector<16xf32>
        %bitcast3A_315 = vector.bitcast %get3A_287 : vector<16xi32> to vector<16xf32>
        %bitcast3A_316 = vector.bitcast %get3A_294 : vector<16xi32> to vector<16xf32>
        %add3A_317 = arith.addf %bitcast3A_315, %bitcast3A_316 : vector<16xf32>
        %add3A_318 = arith.addf %add3A_314, %add3A_317 : vector<16xf32>
        %bitcast3A_319 = vector.bitcast %add3A_311 : vector<16xf32> to vector<16xi32>
        %shift_right_logical3A = arith.constant 16 : i32
        %shift_right_logical3A_320 = vector.broadcast %shift_right_logical3A : i32 to vector<16xi32>
        %shift_right_logical3A_321 = arith.shrui %bitcast3A_319, %shift_right_logical3A_320 : vector<16xi32>
        %bitcast3A_322 = vector.bitcast %add3A_318 : vector<16xf32> to vector<16xi32>
        %and3A_323 = arith.constant -65536 : i32
        %and3A_324 = vector.broadcast %and3A_323 : i32 to vector<16xi32>
        %and3A_325 = arith.andi %bitcast3A_322, %and3A_324 : vector<16xi32>
        %or3A = arith.ori %and3A_325, %shift_right_logical3A_321 : vector<16xi32>
        tpu.vector_store_idx %arg15[%iota3A, %scan3A_273], %or3A : memref<16x128xi32, #tpu.memory_space<vmem>>[vector<16xi32>, vector<16xi32>], vector<16xi32>,
        %add3A_326 = arith.constant 1 : i32
        %add3A_327 = vector.broadcast %add3A_326 : i32 to vector<16xi32>
        %add3A_328 = arith.addi %scan3A_273, %add3A_327 : vector<16xi32>
        %scan3A_329 = arith.constant 1 : i32
        %scan3A_330 = arith.addi %scan3A_272, %scan3A_329 : i32
        %get3A_331 = arith.index_cast %scan3A_330 : i32 to index
        %get3A_332 = arith.constant 0 : index
        %get3A_333 = tpu.vector_load %arg11[%get3A_331, %get3A_332] {strides = array<i32>} : memref<128x16xi32, #tpu.memory_space<vmem>>, vector<16xi32>,
        %mul3A_334 = arith.constant 3 : i32
        %mul3A_335 = arith.muli %mul3A_334, %scan3A_330 : i32
        %get3A_336 = arith.index_cast %mul3A_335 : i32 to index
        %get3A_337 = arith.constant 0 : index
        %get3A_338 = tpu.vector_load %arg13[%get3A_336, %get3A_337] {strides = array<i32>} : memref<384x16xi32, #tpu.memory_space<vmem>>, vector<16xi32>,
        %mul3A_339 = arith.constant 3 : i32
        %mul3A_340 = arith.muli %mul3A_339, %scan3A_330 : i32
        %add3A_341 = arith.constant 1 : i32
        %add3A_342 = arith.addi %mul3A_340, %add3A_341 : i32
        %get3A_343 = arith.index_cast %add3A_342 : i32 to index
        %get3A_344 = arith.constant 0 : index
        %get3A_345 = tpu.vector_load %arg13[%get3A_343, %get3A_344] {strides = array<i32>} : memref<384x16xi32, #tpu.memory_space<vmem>>, vector<16xi32>,
        %mul3A_346 = arith.constant 3 : i32
        %mul3A_347 = arith.muli %mul3A_346, %scan3A_330 : i32
        %add3A_348 = arith.constant 2 : i32
        %add3A_349 = arith.addi %mul3A_347, %add3A_348 : i32
        %get3A_350 = arith.index_cast %add3A_349 : i32 to index
        %get3A_351 = arith.constant 0 : index
        %get3A_352 = tpu.vector_load %arg13[%get3A_350, %get3A_351] {strides = array<i32>} : memref<384x16xi32, #tpu.memory_space<vmem>>, vector<16xi32>,
        %shift_left3A_353 = arith.constant 16 : i32
        %shift_left3A_354 = vector.broadcast %shift_left3A_353 : i32 to vector<16xi32>
        %shift_left3A_355 = arith.shli %get3A_333, %shift_left3A_354 : vector<16xi32>
        %bitcast3A_356 = vector.bitcast %shift_left3A_355 : vector<16xi32> to vector<16xf32>
        %shift_left3A_357 = arith.constant 16 : i32
        %shift_left3A_358 = vector.broadcast %shift_left3A_357 : i32 to vector<16xi32>
        %shift_left3A_359 = arith.shli %get3A_338, %shift_left3A_358 : vector<16xi32>
        %bitcast3A_360 = vector.bitcast %shift_left3A_359 : vector<16xi32> to vector<16xf32>
        %add3A_361 = arith.addf %bitcast3A_356, %bitcast3A_360 : vector<16xf32>
        %shift_left3A_362 = arith.constant 16 : i32
        %shift_left3A_363 = vector.broadcast %shift_left3A_362 : i32 to vector<16xi32>
        %shift_left3A_364 = arith.shli %get3A_345, %shift_left3A_363 : vector<16xi32>
        %bitcast3A_365 = vector.bitcast %shift_left3A_364 : vector<16xi32> to vector<16xf32>
        %shift_left3A_366 = arith.constant 16 : i32
        %shift_left3A_367 = vector.broadcast %shift_left3A_366 : i32 to vector<16xi32>
        %shift_left3A_368 = arith.shli %get3A_352, %shift_left3A_367 : vector<16xi32>
        %bitcast3A_369 = vector.bitcast %shift_left3A_368 : vector<16xi32> to vector<16xf32>
        %add3A_370 = arith.addf %bitcast3A_365, %bitcast3A_369 : vector<16xf32>
        %add3A_371 = arith.addf %add3A_361, %add3A_370 : vector<16xf32>
        %bitcast3A_372 = vector.bitcast %get3A_333 : vector<16xi32> to vector<16xf32>
        %bitcast3A_373 = vector.bitcast %get3A_338 : vector<16xi32> to vector<16xf32>
        %add3A_374 = arith.addf %bitcast3A_372, %bitcast3A_373 : vector<16xf32>
        %bitcast3A_375 = vector.bitcast %get3A_345 : vector<16xi32> to vector<16xf32>
        %bitcast3A_376 = vector.bitcast %get3A_352 : vector<16xi32> to vector<16xf32>
        %add3A_377 = arith.addf %bitcast3A_375, %bitcast3A_376 : vector<16xf32>
        %add3A_378 = arith.addf %add3A_374, %add3A_377 : vector<16xf32>
        %bitcast3A_379 = vector.bitcast %add3A_371 : vector<16xf32> to vector<16xi32>
        %shift_right_logical3A_380 = arith.constant 16 : i32
        %shift_right_logical3A_381 = vector.broadcast %shift_right_logical3A_380 : i32 to vector<16xi32>
        %shift_right_logical3A_382 = arith.shrui %bitcast3A_379, %shift_right_logical3A_381 : vector<16xi32>
        %bitcast3A_383 = vector.bitcast %add3A_378 : vector<16xf32> to vector<16xi32>
        %and3A_384 = arith.constant -65536 : i32
        %and3A_385 = vector.broadcast %and3A_384 : i32 to vector<16xi32>
        %and3A_386 = arith.andi %bitcast3A_383, %and3A_385 : vector<16xi32>
        %or3A_387 = arith.ori %and3A_386, %shift_right_logical3A_382 : vector<16xi32>
        tpu.vector_store_idx %arg15[%iota3A, %add3A_328], %or3A_387 : memref<16x128xi32, #tpu.memory_space<vmem>>[vector<16xi32>, vector<16xi32>], vector<16xi32>,
        %add3A_388 = arith.constant 1 : i32
        %add3A_389 = vector.broadcast %add3A_388 : i32 to vector<16xi32>
        %add3A_390 = arith.addi %add3A_328, %add3A_389 : vector<16xi32>
        %scan3A_391 = arith.constant 2 : i32
        %scan3A_392 = arith.addi %scan3A_272, %scan3A_391 : i32
        %get3A_393 = arith.index_cast %scan3A_392 : i32 to index
        %get3A_394 = arith.constant 0 : index
        %get3A_395 = tpu.vector_load %arg11[%get3A_393, %get3A_394] {strides = array<i32>} : memref<128x16xi32, #tpu.memory_space<vmem>>, vector<16xi32>,
        %mul3A_396 = arith.constant 3 : i32
        %mul3A_397 = arith.muli %mul3A_396, %scan3A_392 : i32
        %get3A_398 = arith.index_cast %mul3A_397 : i32 to index
        %get3A_399 = arith.constant 0 : index
        %get3A_400 = tpu.vector_load %arg13[%get3A_398, %get3A_399] {strides = array<i32>} : memref<384x16xi32, #tpu.memory_space<vmem>>, vector<16xi32>,
        %mul3A_401 = arith.constant 3 : i32
        %mul3A_402 = arith.muli %mul3A_401, %scan3A_392 : i32
        %add3A_403 = arith.constant 1 : i32
        %add3A_404 = arith.addi %mul3A_402, %add3A_403 : i32
        %get3A_405 = arith.index_cast %add3A_404 : i32 to index
        %get3A_406 = arith.constant 0 : index
        %get3A_407 = tpu.vector_load %arg13[%get3A_405, %get3A_406] {strides = array<i32>} : memref<384x16xi32, #tpu.memory_space<vmem>>, vector<16xi32>,
        %mul3A_408 = arith.constant 3 : i32
        %mul3A_409 = arith.muli %mul3A_408, %scan3A_392 : i32
        %add3A_410 = arith.constant 2 : i32
        %add3A_411 = arith.addi %mul3A_409, %add3A_410 : i32
        %get3A_412 = arith.index_cast %add3A_411 : i32 to index
        %get3A_413 = arith.constant 0 : index
        %get3A_414 = tpu.vector_load %arg13[%get3A_412, %get3A_413] {strides = array<i32>} : memref<384x16xi32, #tpu.memory_space<vmem>>, vector<16xi32>,
        %shift_left3A_415 = arith.constant 16 : i32
        %shift_left3A_416 = vector.broadcast %shift_left3A_415 : i32 to vector<16xi32>
        %shift_left3A_417 = arith.shli %get3A_395, %shift_left3A_416 : vector<16xi32>
        %bitcast3A_418 = vector.bitcast %shift_left3A_417 : vector<16xi32> to vector<16xf32>
        %shift_left3A_419 = arith.constant 16 : i32
        %shift_left3A_420 = vector.broadcast %shift_left3A_419 : i32 to vector<16xi32>
        %shift_left3A_421 = arith.shli %get3A_400, %shift_left3A_420 : vector<16xi32>
        %bitcast3A_422 = vector.bitcast %shift_left3A_421 : vector<16xi32> to vector<16xf32>
        %add3A_423 = arith.addf %bitcast3A_418, %bitcast3A_422 : vector<16xf32>
        %shift_left3A_424 = arith.constant 16 : i32
        %shift_left3A_425 = vector.broadcast %shift_left3A_424 : i32 to vector<16xi32>
        %shift_left3A_426 = arith.shli %get3A_407, %shift_left3A_425 : vector<16xi32>
        %bitcast3A_427 = vector.bitcast %shift_left3A_426 : vector<16xi32> to vector<16xf32>
        %shift_left3A_428 = arith.constant 16 : i32
        %shift_left3A_429 = vector.broadcast %shift_left3A_428 : i32 to vector<16xi32>
        %shift_left3A_430 = arith.shli %get3A_414, %shift_left3A_429 : vector<16xi32>
        %bitcast3A_431 = vector.bitcast %shift_left3A_430 : vector<16xi32> to vector<16xf32>
        %add3A_432 = arith.addf %bitcast3A_427, %bitcast3A_431 : vector<16xf32>
        %add3A_433 = arith.addf %add3A_423, %add3A_432 : vector<16xf32>
        %bitcast3A_434 = vector.bitcast %get3A_395 : vector<16xi32> to vector<16xf32>
        %bitcast3A_435 = vector.bitcast %get3A_400 : vector<16xi32> to vector<16xf32>
        %add3A_436 = arith.addf %bitcast3A_434, %bitcast3A_435 : vector<16xf32>
        %bitcast3A_437 = vector.bitcast %get3A_407 : vector<16xi32> to vector<16xf32>
        %bitcast3A_438 = vector.bitcast %get3A_414 : vector<16xi32> to vector<16xf32>
        %add3A_439 = arith.addf %bitcast3A_437, %bitcast3A_438 : vector<16xf32>
        %add3A_440 = arith.addf %add3A_436, %add3A_439 : vector<16xf32>
        %bitcast3A_441 = vector.bitcast %add3A_433 : vector<16xf32> to vector<16xi32>
        %shift_right_logical3A_442 = arith.constant 16 : i32
        %shift_right_logical3A_443 = vector.broadcast %shift_right_logical3A_442 : i32 to vector<16xi32>
        %shift_right_logical3A_444 = arith.shrui %bitcast3A_441, %shift_right_logical3A_443 : vector<16xi32>
        %bitcast3A_445 = vector.bitcast %add3A_440 : vector<16xf32> to vector<16xi32>
        %and3A_446 = arith.constant -65536 : i32
        %and3A_447 = vector.broadcast %and3A_446 : i32 to vector<16xi32>
        %and3A_448 = arith.andi %bitcast3A_445, %and3A_447 : vector<16xi32>
        %or3A_449 = arith.ori %and3A_448, %shift_right_logical3A_444 : vector<16xi32>
        tpu.vector_store_idx %arg15[%iota3A, %add3A_390], %or3A_449 : memref<16x128xi32, #tpu.memory_space<vmem>>[vector<16xi32>, vector<16xi32>], vector<16xi32>,
        %add3A_450 = arith.constant 1 : i32
        %add3A_451 = vector.broadcast %add3A_450 : i32 to vector<16xi32>
        %add3A_452 = arith.addi %add3A_390, %add3A_451 : vector<16xi32>
        %scan3A_453 = arith.constant 3 : i32
        %scan3A_454 = arith.addi %scan3A_272, %scan3A_453 : i32
        %get3A_455 = arith.index_cast %scan3A_454 : i32 to index
        %get3A_456 = arith.constant 0 : index
        %get3A_457 = tpu.vector_load %arg11[%get3A_455, %get3A_456] {strides = array<i32>} : memref<128x16xi32, #tpu.memory_space<vmem>>, vector<16xi32>,
        %mul3A_458 = arith.constant 3 : i32
        %mul3A_459 = arith.muli %mul3A_458, %scan3A_454 : i32
        %get3A_460 = arith.index_cast %mul3A_459 : i32 to index
        %get3A_461 = arith.constant 0 : index
        %get3A_462 = tpu.vector_load %arg13[%get3A_460, %get3A_461] {strides = array<i32>} : memref<384x16xi32, #tpu.memory_space<vmem>>, vector<16xi32>,
        %mul3A_463 = arith.constant 3 : i32
        %mul3A_464 = arith.muli %mul3A_463, %scan3A_454 : i32
        %add3A_465 = arith.constant 1 : i32
        %add3A_466 = arith.addi %mul3A_464, %add3A_465 : i32
        %get3A_467 = arith.index_cast %add3A_466 : i32 to index
        %get3A_468 = arith.constant 0 : index
        %get3A_469 = tpu.vector_load %arg13[%get3A_467, %get3A_468] {strides = array<i32>} : memref<384x16xi32, #tpu.memory_space<vmem>>, vector<16xi32>,
        %mul3A_470 = arith.constant 3 : i32
        %mul3A_471 = arith.muli %mul3A_470, %scan3A_454 : i32
        %add3A_472 = arith.constant 2 : i32
        %add3A_473 = arith.addi %mul3A_471, %add3A_472 : i32
        %get3A_474 = arith.index_cast %add3A_473 : i32 to index
        %get3A_475 = arith.constant 0 : index
        %get3A_476 = tpu.vector_load %arg13[%get3A_474, %get3A_475] {strides = array<i32>} : memref<384x16xi32, #tpu.memory_space<vmem>>, vector<16xi32>,
        %shift_left3A_477 = arith.constant 16 : i32
        %shift_left3A_478 = vector.broadcast %shift_left3A_477 : i32 to vector<16xi32>
        %shift_left3A_479 = arith.shli %get3A_457, %shift_left3A_478 : vector<16xi32>
        %bitcast3A_480 = vector.bitcast %shift_left3A_479 : vector<16xi32> to vector<16xf32>
        %shift_left3A_481 = arith.constant 16 : i32
        %shift_left3A_482 = vector.broadcast %shift_left3A_481 : i32 to vector<16xi32>
        %shift_left3A_483 = arith.shli %get3A_462, %shift_left3A_482 : vector<16xi32>
        %bitcast3A_484 = vector.bitcast %shift_left3A_483 : vector<16xi32> to vector<16xf32>
        %add3A_485 = arith.addf %bitcast3A_480, %bitcast3A_484 : vector<16xf32>
        %shift_left3A_486 = arith.constant 16 : i32
        %shift_left3A_487 = vector.broadcast %shift_left3A_486 : i32 to vector<16xi32>
        %shift_left3A_488 = arith.shli %get3A_469, %shift_left3A_487 : vector<16xi32>
        %bitcast3A_489 = vector.bitcast %shift_left3A_488 : vector<16xi32> to vector<16xf32>
        %shift_left3A_490 = arith.constant 16 : i32
        %shift_left3A_491 = vector.broadcast %shift_left3A_490 : i32 to vector<16xi32>
        %shift_left3A_492 = arith.shli %get3A_476, %shift_left3A_491 : vector<16xi32>
        %bitcast3A_493 = vector.bitcast %shift_left3A_492 : vector<16xi32> to vector<16xf32>
        %add3A_494 = arith.addf %bitcast3A_489, %bitcast3A_493 : vector<16xf32>
        %add3A_495 = arith.addf %add3A_485, %add3A_494 : vector<16xf32>
        %bitcast3A_496 = vector.bitcast %get3A_457 : vector<16xi32> to vector<16xf32>
        %bitcast3A_497 = vector.bitcast %get3A_462 : vector<16xi32> to vector<16xf32>
        %add3A_498 = arith.addf %bitcast3A_496, %bitcast3A_497 : vector<16xf32>
        %bitcast3A_499 = vector.bitcast %get3A_469 : vector<16xi32> to vector<16xf32>
        %bitcast3A_500 = vector.bitcast %get3A_476 : vector<16xi32> to vector<16xf32>
        %add3A_501 = arith.addf %bitcast3A_499, %bitcast3A_500 : vector<16xf32>
        %add3A_502 = arith.addf %add3A_498, %add3A_501 : vector<16xf32>
        %bitcast3A_503 = vector.bitcast %add3A_495 : vector<16xf32> to vector<16xi32>
        %shift_right_logical3A_504 = arith.constant 16 : i32
        %shift_right_logical3A_505 = vector.broadcast %shift_right_logical3A_504 : i32 to vector<16xi32>
        %shift_right_logical3A_506 = arith.shrui %bitcast3A_503, %shift_right_logical3A_505 : vector<16xi32>
        %bitcast3A_507 = vector.bitcast %add3A_502 : vector<16xf32> to vector<16xi32>
        %and3A_508 = arith.constant -65536 : i32
        %and3A_509 = vector.broadcast %and3A_508 : i32 to vector<16xi32>
        %and3A_510 = arith.andi %bitcast3A_507, %and3A_509 : vector<16xi32>
        %or3A_511 = arith.ori %and3A_510, %shift_right_logical3A_506 : vector<16xi32>
        tpu.vector_store_idx %arg15[%iota3A, %add3A_452], %or3A_511 : memref<16x128xi32, #tpu.memory_space<vmem>>[vector<16xi32>, vector<16xi32>], vector<16xi32>,
        %add3A_512 = arith.constant 1 : i32
        %add3A_513 = vector.broadcast %add3A_512 : i32 to vector<16xi32>
        %add3A_514 = arith.addi %add3A_452, %add3A_513 : vector<16xi32>
        %scan3A_515 = arith.constant 4 : i32
        %scan3A_516 = arith.addi %scan3A_272, %scan3A_515 : i32
        %get3A_517 = arith.index_cast %scan3A_516 : i32 to index
        %get3A_518 = arith.constant 0 : index
        %get3A_519 = tpu.vector_load %arg11[%get3A_517, %get3A_518] {strides = array<i32>} : memref<128x16xi32, #tpu.memory_space<vmem>>, vector<16xi32>,
        %mul3A_520 = arith.constant 3 : i32
        %mul3A_521 = arith.muli %mul3A_520, %scan3A_516 : i32
        %get3A_522 = arith.index_cast %mul3A_521 : i32 to index
        %get3A_523 = arith.constant 0 : index
        %get3A_524 = tpu.vector_load %arg13[%get3A_522, %get3A_523] {strides = array<i32>} : memref<384x16xi32, #tpu.memory_space<vmem>>, vector<16xi32>,
        %mul3A_525 = arith.constant 3 : i32
        %mul3A_526 = arith.muli %mul3A_525, %scan3A_516 : i32
        %add3A_527 = arith.constant 1 : i32
        %add3A_528 = arith.addi %mul3A_526, %add3A_527 : i32
        %get3A_529 = arith.index_cast %add3A_528 : i32 to index
        %get3A_530 = arith.constant 0 : index
        %get3A_531 = tpu.vector_load %arg13[%get3A_529, %get3A_530] {strides = array<i32>} : memref<384x16xi32, #tpu.memory_space<vmem>>, vector<16xi32>,
        %mul3A_532 = arith.constant 3 : i32
        %mul3A_533 = arith.muli %mul3A_532, %scan3A_516 : i32
        %add3A_534 = arith.constant 2 : i32
        %add3A_535 = arith.addi %mul3A_533, %add3A_534 : i32
        %get3A_536 = arith.index_cast %add3A_535 : i32 to index
        %get3A_537 = arith.constant 0 : index
        %get3A_538 = tpu.vector_load %arg13[%get3A_536, %get3A_537] {strides = array<i32>} : memref<384x16xi32, #tpu.memory_space<vmem>>, vector<16xi32>,
        %shift_left3A_539 = arith.constant 16 : i32
        %shift_left3A_540 = vector.broadcast %shift_left3A_539 : i32 to vector<16xi32>
        %shift_left3A_541 = arith.shli %get3A_519, %shift_left3A_540 : vector<16xi32>
        %bitcast3A_542 = vector.bitcast %shift_left3A_541 : vector<16xi32> to vector<16xf32>
        %shift_left3A_543 = arith.constant 16 : i32
        %shift_left3A_544 = vector.broadcast %shift_left3A_543 : i32 to vector<16xi32>
        %shift_left3A_545 = arith.shli %get3A_524, %shift_left3A_544 : vector<16xi32>
        %bitcast3A_546 = vector.bitcast %shift_left3A_545 : vector<16xi32> to vector<16xf32>
        %add3A_547 = arith.addf %bitcast3A_542, %bitcast3A_546 : vector<16xf32>
        %shift_left3A_548 = arith.constant 16 : i32
        %shift_left3A_549 = vector.broadcast %shift_left3A_548 : i32 to vector<16xi32>
        %shift_left3A_550 = arith.shli %get3A_531, %shift_left3A_549 : vector<16xi32>
        %bitcast3A_551 = vector.bitcast %shift_left3A_550 : vector<16xi32> to vector<16xf32>
        %shift_left3A_552 = arith.constant 16 : i32
        %shift_left3A_553 = vector.broadcast %shift_left3A_552 : i32 to vector<16xi32>
        %shift_left3A_554 = arith.shli %get3A_538, %shift_left3A_553 : vector<16xi32>
        %bitcast3A_555 = vector.bitcast %shift_left3A_554 : vector<16xi32> to vector<16xf32>
        %add3A_556 = arith.addf %bitcast3A_551, %bitcast3A_555 : vector<16xf32>
        %add3A_557 = arith.addf %add3A_547, %add3A_556 : vector<16xf32>
        %bitcast3A_558 = vector.bitcast %get3A_519 : vector<16xi32> to vector<16xf32>
        %bitcast3A_559 = vector.bitcast %get3A_524 : vector<16xi32> to vector<16xf32>
        %add3A_560 = arith.addf %bitcast3A_558, %bitcast3A_559 : vector<16xf32>
        %bitcast3A_561 = vector.bitcast %get3A_531 : vector<16xi32> to vector<16xf32>
        %bitcast3A_562 = vector.bitcast %get3A_538 : vector<16xi32> to vector<16xf32>
        %add3A_563 = arith.addf %bitcast3A_561, %bitcast3A_562 : vector<16xf32>
        %add3A_564 = arith.addf %add3A_560, %add3A_563 : vector<16xf32>
        %bitcast3A_565 = vector.bitcast %add3A_557 : vector<16xf32> to vector<16xi32>
        %shift_right_logical3A_566 = arith.constant 16 : i32
        %shift_right_logical3A_567 = vector.broadcast %shift_right_logical3A_566 : i32 to vector<16xi32>
        %shift_right_logical3A_568 = arith.shrui %bitcast3A_565, %shift_right_logical3A_567 : vector<16xi32>
        %bitcast3A_569 = vector.bitcast %add3A_564 : vector<16xf32> to vector<16xi32>
        %and3A_570 = arith.constant -65536 : i32
        %and3A_571 = vector.broadcast %and3A_570 : i32 to vector<16xi32>
        %and3A_572 = arith.andi %bitcast3A_569, %and3A_571 : vector<16xi32>
        %or3A_573 = arith.ori %and3A_572, %shift_right_logical3A_568 : vector<16xi32>
        tpu.vector_store_idx %arg15[%iota3A, %add3A_514], %or3A_573 : memref<16x128xi32, #tpu.memory_space<vmem>>[vector<16xi32>, vector<16xi32>], vector<16xi32>,
        %add3A_574 = arith.constant 1 : i32
        %add3A_575 = vector.broadcast %add3A_574 : i32 to vector<16xi32>
        %add3A_576 = arith.addi %add3A_514, %add3A_575 : vector<16xi32>
        %scan3A_577 = arith.constant 5 : i32
        %scan3A_578 = arith.addi %scan3A_272, %scan3A_577 : i32
        %get3A_579 = arith.index_cast %scan3A_578 : i32 to index
        %get3A_580 = arith.constant 0 : index
        %get3A_581 = tpu.vector_load %arg11[%get3A_579, %get3A_580] {strides = array<i32>} : memref<128x16xi32, #tpu.memory_space<vmem>>, vector<16xi32>,
        %mul3A_582 = arith.constant 3 : i32
        %mul3A_583 = arith.muli %mul3A_582, %scan3A_578 : i32
        %get3A_584 = arith.index_cast %mul3A_583 : i32 to index
        %get3A_585 = arith.constant 0 : index
        %get3A_586 = tpu.vector_load %arg13[%get3A_584, %get3A_585] {strides = array<i32>} : memref<384x16xi32, #tpu.memory_space<vmem>>, vector<16xi32>,
        %mul3A_587 = arith.constant 3 : i32
        %mul3A_588 = arith.muli %mul3A_587, %scan3A_578 : i32
        %add3A_589 = arith.constant 1 : i32
        %add3A_590 = arith.addi %mul3A_588, %add3A_589 : i32
        %get3A_591 = arith.index_cast %add3A_590 : i32 to index
        %get3A_592 = arith.constant 0 : index
        %get3A_593 = tpu.vector_load %arg13[%get3A_591, %get3A_592] {strides = array<i32>} : memref<384x16xi32, #tpu.memory_space<vmem>>, vector<16xi32>,
        %mul3A_594 = arith.constant 3 : i32
        %mul3A_595 = arith.muli %mul3A_594, %scan3A_578 : i32
        %add3A_596 = arith.constant 2 : i32
        %add3A_597 = arith.addi %mul3A_595, %add3A_596 : i32
        %get3A_598 = arith.index_cast %add3A_597 : i32 to index
        %get3A_599 = arith.constant 0 : index
        %get3A_600 = tpu.vector_load %arg13[%get3A_598, %get3A_599] {strides = array<i32>} : memref<384x16xi32, #tpu.memory_space<vmem>>, vector<16xi32>,
        %shift_left3A_601 = arith.constant 16 : i32
        %shift_left3A_602 = vector.broadcast %shift_left3A_601 : i32 to vector<16xi32>
        %shift_left3A_603 = arith.shli %get3A_581, %shift_left3A_602 : vector<16xi32>
        %bitcast3A_604 = vector.bitcast %shift_left3A_603 : vector<16xi32> to vector<16xf32>
        %shift_left3A_605 = arith.constant 16 : i32
        %shift_left3A_606 = vector.broadcast %shift_left3A_605 : i32 to vector<16xi32>
        %shift_left3A_607 = arith.shli %get3A_586, %shift_left3A_606 : vector<16xi32>
        %bitcast3A_608 = vector.bitcast %shift_left3A_607 : vector<16xi32> to vector<16xf32>
        %add3A_609 = arith.addf %bitcast3A_604, %bitcast3A_608 : vector<16xf32>
        %shift_left3A_610 = arith.constant 16 : i32
        %shift_left3A_611 = vector.broadcast %shift_left3A_610 : i32 to vector<16xi32>
        %shift_left3A_612 = arith.shli %get3A_593, %shift_left3A_611 : vector<16xi32>
        %bitcast3A_613 = vector.bitcast %shift_left3A_612 : vector<16xi32> to vector<16xf32>
        %shift_left3A_614 = arith.constant 16 : i32
        %shift_left3A_615 = vector.broadcast %shift_left3A_614 : i32 to vector<16xi32>
        %shift_left3A_616 = arith.shli %get3A_600, %shift_left3A_615 : vector<16xi32>
        %bitcast3A_617 = vector.bitcast %shift_left3A_616 : vector<16xi32> to vector<16xf32>
        %add3A_618 = arith.addf %bitcast3A_613, %bitcast3A_617 : vector<16xf32>
        %add3A_619 = arith.addf %add3A_609, %add3A_618 : vector<16xf32>
        %bitcast3A_620 = vector.bitcast %get3A_581 : vector<16xi32> to vector<16xf32>
        %bitcast3A_621 = vector.bitcast %get3A_586 : vector<16xi32> to vector<16xf32>
        %add3A_622 = arith.addf %bitcast3A_620, %bitcast3A_621 : vector<16xf32>
        %bitcast3A_623 = vector.bitcast %get3A_593 : vector<16xi32> to vector<16xf32>
        %bitcast3A_624 = vector.bitcast %get3A_600 : vector<16xi32> to vector<16xf32>
        %add3A_625 = arith.addf %bitcast3A_623, %bitcast3A_624 : vector<16xf32>
        %add3A_626 = arith.addf %add3A_622, %add3A_625 : vector<16xf32>
        %bitcast3A_627 = vector.bitcast %add3A_619 : vector<16xf32> to vector<16xi32>
        %shift_right_logical3A_628 = arith.constant 16 : i32
        %shift_right_logical3A_629 = vector.broadcast %shift_right_logical3A_628 : i32 to vector<16xi32>
        %shift_right_logical3A_630 = arith.shrui %bitcast3A_627, %shift_right_logical3A_629 : vector<16xi32>
        %bitcast3A_631 = vector.bitcast %add3A_626 : vector<16xf32> to vector<16xi32>
        %and3A_632 = arith.constant -65536 : i32
        %and3A_633 = vector.broadcast %and3A_632 : i32 to vector<16xi32>
        %and3A_634 = arith.andi %bitcast3A_631, %and3A_633 : vector<16xi32>
        %or3A_635 = arith.ori %and3A_634, %shift_right_logical3A_630 : vector<16xi32>
        tpu.vector_store_idx %arg15[%iota3A, %add3A_576], %or3A_635 : memref<16x128xi32, #tpu.memory_space<vmem>>[vector<16xi32>, vector<16xi32>], vector<16xi32>,
        %add3A_636 = arith.constant 1 : i32
        %add3A_637 = vector.broadcast %add3A_636 : i32 to vector<16xi32>
        %add3A_638 = arith.addi %add3A_576, %add3A_637 : vector<16xi32>
        %scan3A_639 = arith.constant 6 : i32
        %scan3A_640 = arith.addi %scan3A_272, %scan3A_639 : i32
        %get3A_641 = arith.index_cast %scan3A_640 : i32 to index
        %get3A_642 = arith.constant 0 : index
        %get3A_643 = tpu.vector_load %arg11[%get3A_641, %get3A_642] {strides = array<i32>} : memref<128x16xi32, #tpu.memory_space<vmem>>, vector<16xi32>,
        %mul3A_644 = arith.constant 3 : i32
        %mul3A_645 = arith.muli %mul3A_644, %scan3A_640 : i32
        %get3A_646 = arith.index_cast %mul3A_645 : i32 to index
        %get3A_647 = arith.constant 0 : index
        %get3A_648 = tpu.vector_load %arg13[%get3A_646, %get3A_647] {strides = array<i32>} : memref<384x16xi32, #tpu.memory_space<vmem>>, vector<16xi32>,
        %mul3A_649 = arith.constant 3 : i32
        %mul3A_650 = arith.muli %mul3A_649, %scan3A_640 : i32
        %add3A_651 = arith.constant 1 : i32
        %add3A_652 = arith.addi %mul3A_650, %add3A_651 : i32
        %get3A_653 = arith.index_cast %add3A_652 : i32 to index
        %get3A_654 = arith.constant 0 : index
        %get3A_655 = tpu.vector_load %arg13[%get3A_653, %get3A_654] {strides = array<i32>} : memref<384x16xi32, #tpu.memory_space<vmem>>, vector<16xi32>,
        %mul3A_656 = arith.constant 3 : i32
        %mul3A_657 = arith.muli %mul3A_656, %scan3A_640 : i32
        %add3A_658 = arith.constant 2 : i32
        %add3A_659 = arith.addi %mul3A_657, %add3A_658 : i32
        %get3A_660 = arith.index_cast %add3A_659 : i32 to index
        %get3A_661 = arith.constant 0 : index
        %get3A_662 = tpu.vector_load %arg13[%get3A_660, %get3A_661] {strides = array<i32>} : memref<384x16xi32, #tpu.memory_space<vmem>>, vector<16xi32>,
        %shift_left3A_663 = arith.constant 16 : i32
        %shift_left3A_664 = vector.broadcast %shift_left3A_663 : i32 to vector<16xi32>
        %shift_left3A_665 = arith.shli %get3A_643, %shift_left3A_664 : vector<16xi32>
        %bitcast3A_666 = vector.bitcast %shift_left3A_665 : vector<16xi32> to vector<16xf32>
        %shift_left3A_667 = arith.constant 16 : i32
        %shift_left3A_668 = vector.broadcast %shift_left3A_667 : i32 to vector<16xi32>
        %shift_left3A_669 = arith.shli %get3A_648, %shift_left3A_668 : vector<16xi32>
        %bitcast3A_670 = vector.bitcast %shift_left3A_669 : vector<16xi32> to vector<16xf32>
        %add3A_671 = arith.addf %bitcast3A_666, %bitcast3A_670 : vector<16xf32>
        %shift_left3A_672 = arith.constant 16 : i32
        %shift_left3A_673 = vector.broadcast %shift_left3A_672 : i32 to vector<16xi32>
        %shift_left3A_674 = arith.shli %get3A_655, %shift_left3A_673 : vector<16xi32>
        %bitcast3A_675 = vector.bitcast %shift_left3A_674 : vector<16xi32> to vector<16xf32>
        %shift_left3A_676 = arith.constant 16 : i32
        %shift_left3A_677 = vector.broadcast %shift_left3A_676 : i32 to vector<16xi32>
        %shift_left3A_678 = arith.shli %get3A_662, %shift_left3A_677 : vector<16xi32>
        %bitcast3A_679 = vector.bitcast %shift_left3A_678 : vector<16xi32> to vector<16xf32>
        %add3A_680 = arith.addf %bitcast3A_675, %bitcast3A_679 : vector<16xf32>
        %add3A_681 = arith.addf %add3A_671, %add3A_680 : vector<16xf32>
        %bitcast3A_682 = vector.bitcast %get3A_643 : vector<16xi32> to vector<16xf32>
        %bitcast3A_683 = vector.bitcast %get3A_648 : vector<16xi32> to vector<16xf32>
        %add3A_684 = arith.addf %bitcast3A_682, %bitcast3A_683 : vector<16xf32>
        %bitcast3A_685 = vector.bitcast %get3A_655 : vector<16xi32> to vector<16xf32>
        %bitcast3A_686 = vector.bitcast %get3A_662 : vector<16xi32> to vector<16xf32>
        %add3A_687 = arith.addf %bitcast3A_685, %bitcast3A_686 : vector<16xf32>
        %add3A_688 = arith.addf %add3A_684, %add3A_687 : vector<16xf32>
        %bitcast3A_689 = vector.bitcast %add3A_681 : vector<16xf32> to vector<16xi32>
        %shift_right_logical3A_690 = arith.constant 16 : i32
        %shift_right_logical3A_691 = vector.broadcast %shift_right_logical3A_690 : i32 to vector<16xi32>
        %shift_right_logical3A_692 = arith.shrui %bitcast3A_689, %shift_right_logical3A_691 : vector<16xi32>
        %bitcast3A_693 = vector.bitcast %add3A_688 : vector<16xf32> to vector<16xi32>
        %and3A_694 = arith.constant -65536 : i32
        %and3A_695 = vector.broadcast %and3A_694 : i32 to vector<16xi32>
        %and3A_696 = arith.andi %bitcast3A_693, %and3A_695 : vector<16xi32>
        %or3A_697 = arith.ori %and3A_696, %shift_right_logical3A_692 : vector<16xi32>
        tpu.vector_store_idx %arg15[%iota3A, %add3A_638], %or3A_697 : memref<16x128xi32, #tpu.memory_space<vmem>>[vector<16xi32>, vector<16xi32>], vector<16xi32>,
        %add3A_698 = arith.constant 1 : i32
        %add3A_699 = vector.broadcast %add3A_698 : i32 to vector<16xi32>
        %add3A_700 = arith.addi %add3A_638, %add3A_699 : vector<16xi32>
        %scan3A_701 = arith.constant 7 : i32
        %scan3A_702 = arith.addi %scan3A_272, %scan3A_701 : i32
        %get3A_703 = arith.index_cast %scan3A_702 : i32 to index
        %get3A_704 = arith.constant 0 : index
        %get3A_705 = tpu.vector_load %arg11[%get3A_703, %get3A_704] {strides = array<i32>} : memref<128x16xi32, #tpu.memory_space<vmem>>, vector<16xi32>,
        %mul3A_706 = arith.constant 3 : i32
        %mul3A_707 = arith.muli %mul3A_706, %scan3A_702 : i32
        %get3A_708 = arith.index_cast %mul3A_707 : i32 to index
        %get3A_709 = arith.constant 0 : index
        %get3A_710 = tpu.vector_load %arg13[%get3A_708, %get3A_709] {strides = array<i32>} : memref<384x16xi32, #tpu.memory_space<vmem>>, vector<16xi32>,
        %mul3A_711 = arith.constant 3 : i32
        %mul3A_712 = arith.muli %mul3A_711, %scan3A_702 : i32
        %add3A_713 = arith.constant 1 : i32
        %add3A_714 = arith.addi %mul3A_712, %add3A_713 : i32
        %get3A_715 = arith.index_cast %add3A_714 : i32 to index
        %get3A_716 = arith.constant 0 : index
        %get3A_717 = tpu.vector_load %arg13[%get3A_715, %get3A_716] {strides = array<i32>} : memref<384x16xi32, #tpu.memory_space<vmem>>, vector<16xi32>,
        %mul3A_718 = arith.constant 3 : i32
        %mul3A_719 = arith.muli %mul3A_718, %scan3A_702 : i32
        %add3A_720 = arith.constant 2 : i32
        %add3A_721 = arith.addi %mul3A_719, %add3A_720 : i32
        %get3A_722 = arith.index_cast %add3A_721 : i32 to index
        %get3A_723 = arith.constant 0 : index
        %get3A_724 = tpu.vector_load %arg13[%get3A_722, %get3A_723] {strides = array<i32>} : memref<384x16xi32, #tpu.memory_space<vmem>>, vector<16xi32>,
        %shift_left3A_725 = arith.constant 16 : i32
        %shift_left3A_726 = vector.broadcast %shift_left3A_725 : i32 to vector<16xi32>
        %shift_left3A_727 = arith.shli %get3A_705, %shift_left3A_726 : vector<16xi32>
        %bitcast3A_728 = vector.bitcast %shift_left3A_727 : vector<16xi32> to vector<16xf32>
        %shift_left3A_729 = arith.constant 16 : i32
        %shift_left3A_730 = vector.broadcast %shift_left3A_729 : i32 to vector<16xi32>
        %shift_left3A_731 = arith.shli %get3A_710, %shift_left3A_730 : vector<16xi32>
        %bitcast3A_732 = vector.bitcast %shift_left3A_731 : vector<16xi32> to vector<16xf32>
        %add3A_733 = arith.addf %bitcast3A_728, %bitcast3A_732 : vector<16xf32>
        %shift_left3A_734 = arith.constant 16 : i32
        %shift_left3A_735 = vector.broadcast %shift_left3A_734 : i32 to vector<16xi32>
        %shift_left3A_736 = arith.shli %get3A_717, %shift_left3A_735 : vector<16xi32>
        %bitcast3A_737 = vector.bitcast %shift_left3A_736 : vector<16xi32> to vector<16xf32>
        %shift_left3A_738 = arith.constant 16 : i32
        %shift_left3A_739 = vector.broadcast %shift_left3A_738 : i32 to vector<16xi32>
        %shift_left3A_740 = arith.shli %get3A_724, %shift_left3A_739 : vector<16xi32>
        %bitcast3A_741 = vector.bitcast %shift_left3A_740 : vector<16xi32> to vector<16xf32>
        %add3A_742 = arith.addf %bitcast3A_737, %bitcast3A_741 : vector<16xf32>
        %add3A_743 = arith.addf %add3A_733, %add3A_742 : vector<16xf32>
        %bitcast3A_744 = vector.bitcast %get3A_705 : vector<16xi32> to vector<16xf32>
        %bitcast3A_745 = vector.bitcast %get3A_710 : vector<16xi32> to vector<16xf32>
        %add3A_746 = arith.addf %bitcast3A_744, %bitcast3A_745 : vector<16xf32>
        %bitcast3A_747 = vector.bitcast %get3A_717 : vector<16xi32> to vector<16xf32>
        %bitcast3A_748 = vector.bitcast %get3A_724 : vector<16xi32> to vector<16xf32>
        %add3A_749 = arith.addf %bitcast3A_747, %bitcast3A_748 : vector<16xf32>
        %add3A_750 = arith.addf %add3A_746, %add3A_749 : vector<16xf32>
        %bitcast3A_751 = vector.bitcast %add3A_743 : vector<16xf32> to vector<16xi32>
        %shift_right_logical3A_752 = arith.constant 16 : i32
        %shift_right_logical3A_753 = vector.broadcast %shift_right_logical3A_752 : i32 to vector<16xi32>
        %shift_right_logical3A_754 = arith.shrui %bitcast3A_751, %shift_right_logical3A_753 : vector<16xi32>
        %bitcast3A_755 = vector.bitcast %add3A_750 : vector<16xf32> to vector<16xi32>
        %and3A_756 = arith.constant -65536 : i32
        %and3A_757 = vector.broadcast %and3A_756 : i32 to vector<16xi32>
        %and3A_758 = arith.andi %bitcast3A_755, %and3A_757 : vector<16xi32>
        %or3A_759 = arith.ori %and3A_758, %shift_right_logical3A_754 : vector<16xi32>
        tpu.vector_store_idx %arg15[%iota3A, %add3A_700], %or3A_759 : memref<16x128xi32, #tpu.memory_space<vmem>>[vector<16xi32>, vector<16xi32>], vector<16xi32>,
        %add3A_760 = arith.constant 1 : i32
        %add3A_761 = vector.broadcast %add3A_760 : i32 to vector<16xi32>
        %add3A_762 = arith.addi %add3A_700, %add3A_761 : vector<16xi32>
        %scan3A_763 = arith.constant 8 : i32
        %scan3A_764 = arith.addi %scan3A_272, %scan3A_763 : i32
        %get3A_765 = arith.index_cast %scan3A_764 : i32 to index
        %get3A_766 = arith.constant 0 : index
        %get3A_767 = tpu.vector_load %arg11[%get3A_765, %get3A_766] {strides = array<i32>} : memref<128x16xi32, #tpu.memory_space<vmem>>, vector<16xi32>,
        %mul3A_768 = arith.constant 3 : i32
        %mul3A_769 = arith.muli %mul3A_768, %scan3A_764 : i32
        %get3A_770 = arith.index_cast %mul3A_769 : i32 to index
        %get3A_771 = arith.constant 0 : index
        %get3A_772 = tpu.vector_load %arg13[%get3A_770, %get3A_771] {strides = array<i32>} : memref<384x16xi32, #tpu.memory_space<vmem>>, vector<16xi32>,
        %mul3A_773 = arith.constant 3 : i32
        %mul3A_774 = arith.muli %mul3A_773, %scan3A_764 : i32
        %add3A_775 = arith.constant 1 : i32
        %add3A_776 = arith.addi %mul3A_774, %add3A_775 : i32
        %get3A_777 = arith.index_cast %add3A_776 : i32 to index
        %get3A_778 = arith.constant 0 : index
        %get3A_779 = tpu.vector_load %arg13[%get3A_777, %get3A_778] {strides = array<i32>} : memref<384x16xi32, #tpu.memory_space<vmem>>, vector<16xi32>,
        %mul3A_780 = arith.constant 3 : i32
        %mul3A_781 = arith.muli %mul3A_780, %scan3A_764 : i32
        %add3A_782 = arith.constant 2 : i32
        %add3A_783 = arith.addi %mul3A_781, %add3A_782 : i32
        %get3A_784 = arith.index_cast %add3A_783 : i32 to index
        %get3A_785 = arith.constant 0 : index
        %get3A_786 = tpu.vector_load %arg13[%get3A_784, %get3A_785] {strides = array<i32>} : memref<384x16xi32, #tpu.memory_space<vmem>>, vector<16xi32>,
        %shift_left3A_787 = arith.constant 16 : i32
        %shift_left3A_788 = vector.broadcast %shift_left3A_787 : i32 to vector<16xi32>
        %shift_left3A_789 = arith.shli %get3A_767, %shift_left3A_788 : vector<16xi32>
        %bitcast3A_790 = vector.bitcast %shift_left3A_789 : vector<16xi32> to vector<16xf32>
        %shift_left3A_791 = arith.constant 16 : i32
        %shift_left3A_792 = vector.broadcast %shift_left3A_791 : i32 to vector<16xi32>
        %shift_left3A_793 = arith.shli %get3A_772, %shift_left3A_792 : vector<16xi32>
        %bitcast3A_794 = vector.bitcast %shift_left3A_793 : vector<16xi32> to vector<16xf32>
        %add3A_795 = arith.addf %bitcast3A_790, %bitcast3A_794 : vector<16xf32>
        %shift_left3A_796 = arith.constant 16 : i32
        %shift_left3A_797 = vector.broadcast %shift_left3A_796 : i32 to vector<16xi32>
        %shift_left3A_798 = arith.shli %get3A_779, %shift_left3A_797 : vector<16xi32>
        %bitcast3A_799 = vector.bitcast %shift_left3A_798 : vector<16xi32> to vector<16xf32>
        %shift_left3A_800 = arith.constant 16 : i32
        %shift_left3A_801 = vector.broadcast %shift_left3A_800 : i32 to vector<16xi32>
        %shift_left3A_802 = arith.shli %get3A_786, %shift_left3A_801 : vector<16xi32>
        %bitcast3A_803 = vector.bitcast %shift_left3A_802 : vector<16xi32> to vector<16xf32>
        %add3A_804 = arith.addf %bitcast3A_799, %bitcast3A_803 : vector<16xf32>
        %add3A_805 = arith.addf %add3A_795, %add3A_804 : vector<16xf32>
        %bitcast3A_806 = vector.bitcast %get3A_767 : vector<16xi32> to vector<16xf32>
        %bitcast3A_807 = vector.bitcast %get3A_772 : vector<16xi32> to vector<16xf32>
        %add3A_808 = arith.addf %bitcast3A_806, %bitcast3A_807 : vector<16xf32>
        %bitcast3A_809 = vector.bitcast %get3A_779 : vector<16xi32> to vector<16xf32>
        %bitcast3A_810 = vector.bitcast %get3A_786 : vector<16xi32> to vector<16xf32>
        %add3A_811 = arith.addf %bitcast3A_809, %bitcast3A_810 : vector<16xf32>
        %add3A_812 = arith.addf %add3A_808, %add3A_811 : vector<16xf32>
        %bitcast3A_813 = vector.bitcast %add3A_805 : vector<16xf32> to vector<16xi32>
        %shift_right_logical3A_814 = arith.constant 16 : i32
        %shift_right_logical3A_815 = vector.broadcast %shift_right_logical3A_814 : i32 to vector<16xi32>
        %shift_right_logical3A_816 = arith.shrui %bitcast3A_813, %shift_right_logical3A_815 : vector<16xi32>
        %bitcast3A_817 = vector.bitcast %add3A_812 : vector<16xf32> to vector<16xi32>
        %and3A_818 = arith.constant -65536 : i32
        %and3A_819 = vector.broadcast %and3A_818 : i32 to vector<16xi32>
        %and3A_820 = arith.andi %bitcast3A_817, %and3A_819 : vector<16xi32>
        %or3A_821 = arith.ori %and3A_820, %shift_right_logical3A_816 : vector<16xi32>
        tpu.vector_store_idx %arg15[%iota3A, %add3A_762], %or3A_821 : memref<16x128xi32, #tpu.memory_space<vmem>>[vector<16xi32>, vector<16xi32>], vector<16xi32>,
        %add3A_822 = arith.constant 1 : i32
        %add3A_823 = vector.broadcast %add3A_822 : i32 to vector<16xi32>
        %add3A_824 = arith.addi %add3A_762, %add3A_823 : vector<16xi32>
        %scan3A_825 = arith.constant 9 : i32
        %scan3A_826 = arith.addi %scan3A_272, %scan3A_825 : i32
        %get3A_827 = arith.index_cast %scan3A_826 : i32 to index
        %get3A_828 = arith.constant 0 : index
        %get3A_829 = tpu.vector_load %arg11[%get3A_827, %get3A_828] {strides = array<i32>} : memref<128x16xi32, #tpu.memory_space<vmem>>, vector<16xi32>,
        %mul3A_830 = arith.constant 3 : i32
        %mul3A_831 = arith.muli %mul3A_830, %scan3A_826 : i32
        %get3A_832 = arith.index_cast %mul3A_831 : i32 to index
        %get3A_833 = arith.constant 0 : index
        %get3A_834 = tpu.vector_load %arg13[%get3A_832, %get3A_833] {strides = array<i32>} : memref<384x16xi32, #tpu.memory_space<vmem>>, vector<16xi32>,
        %mul3A_835 = arith.constant 3 : i32
        %mul3A_836 = arith.muli %mul3A_835, %scan3A_826 : i32
        %add3A_837 = arith.constant 1 : i32
        %add3A_838 = arith.addi %mul3A_836, %add3A_837 : i32
        %get3A_839 = arith.index_cast %add3A_838 : i32 to index
        %get3A_840 = arith.constant 0 : index
        %get3A_841 = tpu.vector_load %arg13[%get3A_839, %get3A_840] {strides = array<i32>} : memref<384x16xi32, #tpu.memory_space<vmem>>, vector<16xi32>,
        %mul3A_842 = arith.constant 3 : i32
        %mul3A_843 = arith.muli %mul3A_842, %scan3A_826 : i32
        %add3A_844 = arith.constant 2 : i32
        %add3A_845 = arith.addi %mul3A_843, %add3A_844 : i32
        %get3A_846 = arith.index_cast %add3A_845 : i32 to index
        %get3A_847 = arith.constant 0 : index
        %get3A_848 = tpu.vector_load %arg13[%get3A_846, %get3A_847] {strides = array<i32>} : memref<384x16xi32, #tpu.memory_space<vmem>>, vector<16xi32>,
        %shift_left3A_849 = arith.constant 16 : i32
        %shift_left3A_850 = vector.broadcast %shift_left3A_849 : i32 to vector<16xi32>
        %shift_left3A_851 = arith.shli %get3A_829, %shift_left3A_850 : vector<16xi32>
        %bitcast3A_852 = vector.bitcast %shift_left3A_851 : vector<16xi32> to vector<16xf32>
        %shift_left3A_853 = arith.constant 16 : i32
        %shift_left3A_854 = vector.broadcast %shift_left3A_853 : i32 to vector<16xi32>
        %shift_left3A_855 = arith.shli %get3A_834, %shift_left3A_854 : vector<16xi32>
        %bitcast3A_856 = vector.bitcast %shift_left3A_855 : vector<16xi32> to vector<16xf32>
        %add3A_857 = arith.addf %bitcast3A_852, %bitcast3A_856 : vector<16xf32>
        %shift_left3A_858 = arith.constant 16 : i32
        %shift_left3A_859 = vector.broadcast %shift_left3A_858 : i32 to vector<16xi32>
        %shift_left3A_860 = arith.shli %get3A_841, %shift_left3A_859 : vector<16xi32>
        %bitcast3A_861 = vector.bitcast %shift_left3A_860 : vector<16xi32> to vector<16xf32>
        %shift_left3A_862 = arith.constant 16 : i32
        %shift_left3A_863 = vector.broadcast %shift_left3A_862 : i32 to vector<16xi32>
        %shift_left3A_864 = arith.shli %get3A_848, %shift_left3A_863 : vector<16xi32>
        %bitcast3A_865 = vector.bitcast %shift_left3A_864 : vector<16xi32> to vector<16xf32>
        %add3A_866 = arith.addf %bitcast3A_861, %bitcast3A_865 : vector<16xf32>
        %add3A_867 = arith.addf %add3A_857, %add3A_866 : vector<16xf32>
        %bitcast3A_868 = vector.bitcast %get3A_829 : vector<16xi32> to vector<16xf32>
        %bitcast3A_869 = vector.bitcast %get3A_834 : vector<16xi32> to vector<16xf32>
        %add3A_870 = arith.addf %bitcast3A_868, %bitcast3A_869 : vector<16xf32>
        %bitcast3A_871 = vector.bitcast %get3A_841 : vector<16xi32> to vector<16xf32>
        %bitcast3A_872 = vector.bitcast %get3A_848 : vector<16xi32> to vector<16xf32>
        %add3A_873 = arith.addf %bitcast3A_871, %bitcast3A_872 : vector<16xf32>
        %add3A_874 = arith.addf %add3A_870, %add3A_873 : vector<16xf32>
        %bitcast3A_875 = vector.bitcast %add3A_867 : vector<16xf32> to vector<16xi32>
        %shift_right_logical3A_876 = arith.constant 16 : i32
        %shift_right_logical3A_877 = vector.broadcast %shift_right_logical3A_876 : i32 to vector<16xi32>
        %shift_right_logical3A_878 = arith.shrui %bitcast3A_875, %shift_right_logical3A_877 : vector<16xi32>
        %bitcast3A_879 = vector.bitcast %add3A_874 : vector<16xf32> to vector<16xi32>
        %and3A_880 = arith.constant -65536 : i32
        %and3A_881 = vector.broadcast %and3A_880 : i32 to vector<16xi32>
        %and3A_882 = arith.andi %bitcast3A_879, %and3A_881 : vector<16xi32>
        %or3A_883 = arith.ori %and3A_882, %shift_right_logical3A_878 : vector<16xi32>
        tpu.vector_store_idx %arg15[%iota3A, %add3A_824], %or3A_883 : memref<16x128xi32, #tpu.memory_space<vmem>>[vector<16xi32>, vector<16xi32>], vector<16xi32>,
        %add3A_884 = arith.constant 1 : i32
        %add3A_885 = vector.broadcast %add3A_884 : i32 to vector<16xi32>
        %add3A_886 = arith.addi %add3A_824, %add3A_885 : vector<16xi32>
        %scan3A_887 = arith.constant 10 : i32
        %scan3A_888 = arith.addi %scan3A_272, %scan3A_887 : i32
        %get3A_889 = arith.index_cast %scan3A_888 : i32 to index
        %get3A_890 = arith.constant 0 : index
        %get3A_891 = tpu.vector_load %arg11[%get3A_889, %get3A_890] {strides = array<i32>} : memref<128x16xi32, #tpu.memory_space<vmem>>, vector<16xi32>,
        %mul3A_892 = arith.constant 3 : i32
        %mul3A_893 = arith.muli %mul3A_892, %scan3A_888 : i32
        %get3A_894 = arith.index_cast %mul3A_893 : i32 to index
        %get3A_895 = arith.constant 0 : index
        %get3A_896 = tpu.vector_load %arg13[%get3A_894, %get3A_895] {strides = array<i32>} : memref<384x16xi32, #tpu.memory_space<vmem>>, vector<16xi32>,
        %mul3A_897 = arith.constant 3 : i32
        %mul3A_898 = arith.muli %mul3A_897, %scan3A_888 : i32
        %add3A_899 = arith.constant 1 : i32
        %add3A_900 = arith.addi %mul3A_898, %add3A_899 : i32
        %get3A_901 = arith.index_cast %add3A_900 : i32 to index
        %get3A_902 = arith.constant 0 : index
        %get3A_903 = tpu.vector_load %arg13[%get3A_901, %get3A_902] {strides = array<i32>} : memref<384x16xi32, #tpu.memory_space<vmem>>, vector<16xi32>,
        %mul3A_904 = arith.constant 3 : i32
        %mul3A_905 = arith.muli %mul3A_904, %scan3A_888 : i32
        %add3A_906 = arith.constant 2 : i32
        %add3A_907 = arith.addi %mul3A_905, %add3A_906 : i32
        %get3A_908 = arith.index_cast %add3A_907 : i32 to index
        %get3A_909 = arith.constant 0 : index
        %get3A_910 = tpu.vector_load %arg13[%get3A_908, %get3A_909] {strides = array<i32>} : memref<384x16xi32, #tpu.memory_space<vmem>>, vector<16xi32>,
        %shift_left3A_911 = arith.constant 16 : i32
        %shift_left3A_912 = vector.broadcast %shift_left3A_911 : i32 to vector<16xi32>
        %shift_left3A_913 = arith.shli %get3A_891, %shift_left3A_912 : vector<16xi32>
        %bitcast3A_914 = vector.bitcast %shift_left3A_913 : vector<16xi32> to vector<16xf32>
        %shift_left3A_915 = arith.constant 16 : i32
        %shift_left3A_916 = vector.broadcast %shift_left3A_915 : i32 to vector<16xi32>
        %shift_left3A_917 = arith.shli %get3A_896, %shift_left3A_916 : vector<16xi32>
        %bitcast3A_918 = vector.bitcast %shift_left3A_917 : vector<16xi32> to vector<16xf32>
        %add3A_919 = arith.addf %bitcast3A_914, %bitcast3A_918 : vector<16xf32>
        %shift_left3A_920 = arith.constant 16 : i32
        %shift_left3A_921 = vector.broadcast %shift_left3A_920 : i32 to vector<16xi32>
        %shift_left3A_922 = arith.shli %get3A_903, %shift_left3A_921 : vector<16xi32>
        %bitcast3A_923 = vector.bitcast %shift_left3A_922 : vector<16xi32> to vector<16xf32>
        %shift_left3A_924 = arith.constant 16 : i32
        %shift_left3A_925 = vector.broadcast %shift_left3A_924 : i32 to vector<16xi32>
        %shift_left3A_926 = arith.shli %get3A_910, %shift_left3A_925 : vector<16xi32>
        %bitcast3A_927 = vector.bitcast %shift_left3A_926 : vector<16xi32> to vector<16xf32>
        %add3A_928 = arith.addf %bitcast3A_923, %bitcast3A_927 : vector<16xf32>
        %add3A_929 = arith.addf %add3A_919, %add3A_928 : vector<16xf32>
        %bitcast3A_930 = vector.bitcast %get3A_891 : vector<16xi32> to vector<16xf32>
        %bitcast3A_931 = vector.bitcast %get3A_896 : vector<16xi32> to vector<16xf32>
        %add3A_932 = arith.addf %bitcast3A_930, %bitcast3A_931 : vector<16xf32>
        %bitcast3A_933 = vector.bitcast %get3A_903 : vector<16xi32> to vector<16xf32>
        %bitcast3A_934 = vector.bitcast %get3A_910 : vector<16xi32> to vector<16xf32>
        %add3A_935 = arith.addf %bitcast3A_933, %bitcast3A_934 : vector<16xf32>
        %add3A_936 = arith.addf %add3A_932, %add3A_935 : vector<16xf32>
        %bitcast3A_937 = vector.bitcast %add3A_929 : vector<16xf32> to vector<16xi32>
        %shift_right_logical3A_938 = arith.constant 16 : i32
        %shift_right_logical3A_939 = vector.broadcast %shift_right_logical3A_938 : i32 to vector<16xi32>
        %shift_right_logical3A_940 = arith.shrui %bitcast3A_937, %shift_right_logical3A_939 : vector<16xi32>
        %bitcast3A_941 = vector.bitcast %add3A_936 : vector<16xf32> to vector<16xi32>
        %and3A_942 = arith.constant -65536 : i32
        %and3A_943 = vector.broadcast %and3A_942 : i32 to vector<16xi32>
        %and3A_944 = arith.andi %bitcast3A_941, %and3A_943 : vector<16xi32>
        %or3A_945 = arith.ori %and3A_944, %shift_right_logical3A_940 : vector<16xi32>
        tpu.vector_store_idx %arg15[%iota3A, %add3A_886], %or3A_945 : memref<16x128xi32, #tpu.memory_space<vmem>>[vector<16xi32>, vector<16xi32>], vector<16xi32>,
        %add3A_946 = arith.constant 1 : i32
        %add3A_947 = vector.broadcast %add3A_946 : i32 to vector<16xi32>
        %add3A_948 = arith.addi %add3A_886, %add3A_947 : vector<16xi32>
        %scan3A_949 = arith.constant 11 : i32
        %scan3A_950 = arith.addi %scan3A_272, %scan3A_949 : i32
        %get3A_951 = arith.index_cast %scan3A_950 : i32 to index
        %get3A_952 = arith.constant 0 : index
        %get3A_953 = tpu.vector_load %arg11[%get3A_951, %get3A_952] {strides = array<i32>} : memref<128x16xi32, #tpu.memory_space<vmem>>, vector<16xi32>,
        %mul3A_954 = arith.constant 3 : i32
        %mul3A_955 = arith.muli %mul3A_954, %scan3A_950 : i32
        %get3A_956 = arith.index_cast %mul3A_955 : i32 to index
        %get3A_957 = arith.constant 0 : index
        %get3A_958 = tpu.vector_load %arg13[%get3A_956, %get3A_957] {strides = array<i32>} : memref<384x16xi32, #tpu.memory_space<vmem>>, vector<16xi32>,
        %mul3A_959 = arith.constant 3 : i32
        %mul3A_960 = arith.muli %mul3A_959, %scan3A_950 : i32
        %add3A_961 = arith.constant 1 : i32
        %add3A_962 = arith.addi %mul3A_960, %add3A_961 : i32
        %get3A_963 = arith.index_cast %add3A_962 : i32 to index
        %get3A_964 = arith.constant 0 : index
        %get3A_965 = tpu.vector_load %arg13[%get3A_963, %get3A_964] {strides = array<i32>} : memref<384x16xi32, #tpu.memory_space<vmem>>, vector<16xi32>,
        %mul3A_966 = arith.constant 3 : i32
        %mul3A_967 = arith.muli %mul3A_966, %scan3A_950 : i32
        %add3A_968 = arith.constant 2 : i32
        %add3A_969 = arith.addi %mul3A_967, %add3A_968 : i32
        %get3A_970 = arith.index_cast %add3A_969 : i32 to index
        %get3A_971 = arith.constant 0 : index
        %get3A_972 = tpu.vector_load %arg13[%get3A_970, %get3A_971] {strides = array<i32>} : memref<384x16xi32, #tpu.memory_space<vmem>>, vector<16xi32>,
        %shift_left3A_973 = arith.constant 16 : i32
        %shift_left3A_974 = vector.broadcast %shift_left3A_973 : i32 to vector<16xi32>
        %shift_left3A_975 = arith.shli %get3A_953, %shift_left3A_974 : vector<16xi32>
        %bitcast3A_976 = vector.bitcast %shift_left3A_975 : vector<16xi32> to vector<16xf32>
        %shift_left3A_977 = arith.constant 16 : i32
        %shift_left3A_978 = vector.broadcast %shift_left3A_977 : i32 to vector<16xi32>
        %shift_left3A_979 = arith.shli %get3A_958, %shift_left3A_978 : vector<16xi32>
        %bitcast3A_980 = vector.bitcast %shift_left3A_979 : vector<16xi32> to vector<16xf32>
        %add3A_981 = arith.addf %bitcast3A_976, %bitcast3A_980 : vector<16xf32>
        %shift_left3A_982 = arith.constant 16 : i32
        %shift_left3A_983 = vector.broadcast %shift_left3A_982 : i32 to vector<16xi32>
        %shift_left3A_984 = arith.shli %get3A_965, %shift_left3A_983 : vector<16xi32>
        %bitcast3A_985 = vector.bitcast %shift_left3A_984 : vector<16xi32> to vector<16xf32>
        %shift_left3A_986 = arith.constant 16 : i32
        %shift_left3A_987 = vector.broadcast %shift_left3A_986 : i32 to vector<16xi32>
        %shift_left3A_988 = arith.shli %get3A_972, %shift_left3A_987 : vector<16xi32>
        %bitcast3A_989 = vector.bitcast %shift_left3A_988 : vector<16xi32> to vector<16xf32>
        %add3A_990 = arith.addf %bitcast3A_985, %bitcast3A_989 : vector<16xf32>
        %add3A_991 = arith.addf %add3A_981, %add3A_990 : vector<16xf32>
        %bitcast3A_992 = vector.bitcast %get3A_953 : vector<16xi32> to vector<16xf32>
        %bitcast3A_993 = vector.bitcast %get3A_958 : vector<16xi32> to vector<16xf32>
        %add3A_994 = arith.addf %bitcast3A_992, %bitcast3A_993 : vector<16xf32>
        %bitcast3A_995 = vector.bitcast %get3A_965 : vector<16xi32> to vector<16xf32>
        %bitcast3A_996 = vector.bitcast %get3A_972 : vector<16xi32> to vector<16xf32>
        %add3A_997 = arith.addf %bitcast3A_995, %bitcast3A_996 : vector<16xf32>
        %add3A_998 = arith.addf %add3A_994, %add3A_997 : vector<16xf32>
        %bitcast3A_999 = vector.bitcast %add3A_991 : vector<16xf32> to vector<16xi32>
        %shift_right_logical3A_1000 = arith.constant 16 : i32
        %shift_right_logical3A_1001 = vector.broadcast %shift_right_logical3A_1000 : i32 to vector<16xi32>
        %shift_right_logical3A_1002 = arith.shrui %bitcast3A_999, %shift_right_logical3A_1001 : vector<16xi32>
        %bitcast3A_1003 = vector.bitcast %add3A_998 : vector<16xf32> to vector<16xi32>
        %and3A_1004 = arith.constant -65536 : i32
        %and3A_1005 = vector.broadcast %and3A_1004 : i32 to vector<16xi32>
        %and3A_1006 = arith.andi %bitcast3A_1003, %and3A_1005 : vector<16xi32>
        %or3A_1007 = arith.ori %and3A_1006, %shift_right_logical3A_1002 : vector<16xi32>
        tpu.vector_store_idx %arg15[%iota3A, %add3A_948], %or3A_1007 : memref<16x128xi32, #tpu.memory_space<vmem>>[vector<16xi32>, vector<16xi32>], vector<16xi32>,
        %add3A_1008 = arith.constant 1 : i32
        %add3A_1009 = vector.broadcast %add3A_1008 : i32 to vector<16xi32>
        %add3A_1010 = arith.addi %add3A_948, %add3A_1009 : vector<16xi32>
        %scan3A_1011 = arith.constant 12 : i32
        %scan3A_1012 = arith.addi %scan3A_272, %scan3A_1011 : i32
        %get3A_1013 = arith.index_cast %scan3A_1012 : i32 to index
        %get3A_1014 = arith.constant 0 : index
        %get3A_1015 = tpu.vector_load %arg11[%get3A_1013, %get3A_1014] {strides = array<i32>} : memref<128x16xi32, #tpu.memory_space<vmem>>, vector<16xi32>,
        %mul3A_1016 = arith.constant 3 : i32
        %mul3A_1017 = arith.muli %mul3A_1016, %scan3A_1012 : i32
        %get3A_1018 = arith.index_cast %mul3A_1017 : i32 to index
        %get3A_1019 = arith.constant 0 : index
        %get3A_1020 = tpu.vector_load %arg13[%get3A_1018, %get3A_1019] {strides = array<i32>} : memref<384x16xi32, #tpu.memory_space<vmem>>, vector<16xi32>,
        %mul3A_1021 = arith.constant 3 : i32
        %mul3A_1022 = arith.muli %mul3A_1021, %scan3A_1012 : i32
        %add3A_1023 = arith.constant 1 : i32
        %add3A_1024 = arith.addi %mul3A_1022, %add3A_1023 : i32
        %get3A_1025 = arith.index_cast %add3A_1024 : i32 to index
        %get3A_1026 = arith.constant 0 : index
        %get3A_1027 = tpu.vector_load %arg13[%get3A_1025, %get3A_1026] {strides = array<i32>} : memref<384x16xi32, #tpu.memory_space<vmem>>, vector<16xi32>,
        %mul3A_1028 = arith.constant 3 : i32
        %mul3A_1029 = arith.muli %mul3A_1028, %scan3A_1012 : i32
        %add3A_1030 = arith.constant 2 : i32
        %add3A_1031 = arith.addi %mul3A_1029, %add3A_1030 : i32
        %get3A_1032 = arith.index_cast %add3A_1031 : i32 to index
        %get3A_1033 = arith.constant 0 : index
        %get3A_1034 = tpu.vector_load %arg13[%get3A_1032, %get3A_1033] {strides = array<i32>} : memref<384x16xi32, #tpu.memory_space<vmem>>, vector<16xi32>,
        %shift_left3A_1035 = arith.constant 16 : i32
        %shift_left3A_1036 = vector.broadcast %shift_left3A_1035 : i32 to vector<16xi32>
        %shift_left3A_1037 = arith.shli %get3A_1015, %shift_left3A_1036 : vector<16xi32>
        %bitcast3A_1038 = vector.bitcast %shift_left3A_1037 : vector<16xi32> to vector<16xf32>
        %shift_left3A_1039 = arith.constant 16 : i32
        %shift_left3A_1040 = vector.broadcast %shift_left3A_1039 : i32 to vector<16xi32>
        %shift_left3A_1041 = arith.shli %get3A_1020, %shift_left3A_1040 : vector<16xi32>
        %bitcast3A_1042 = vector.bitcast %shift_left3A_1041 : vector<16xi32> to vector<16xf32>
        %add3A_1043 = arith.addf %bitcast3A_1038, %bitcast3A_1042 : vector<16xf32>
        %shift_left3A_1044 = arith.constant 16 : i32
        %shift_left3A_1045 = vector.broadcast %shift_left3A_1044 : i32 to vector<16xi32>
        %shift_left3A_1046 = arith.shli %get3A_1027, %shift_left3A_1045 : vector<16xi32>
        %bitcast3A_1047 = vector.bitcast %shift_left3A_1046 : vector<16xi32> to vector<16xf32>
        %shift_left3A_1048 = arith.constant 16 : i32
        %shift_left3A_1049 = vector.broadcast %shift_left3A_1048 : i32 to vector<16xi32>
        %shift_left3A_1050 = arith.shli %get3A_1034, %shift_left3A_1049 : vector<16xi32>
        %bitcast3A_1051 = vector.bitcast %shift_left3A_1050 : vector<16xi32> to vector<16xf32>
        %add3A_1052 = arith.addf %bitcast3A_1047, %bitcast3A_1051 : vector<16xf32>
        %add3A_1053 = arith.addf %add3A_1043, %add3A_1052 : vector<16xf32>
        %bitcast3A_1054 = vector.bitcast %get3A_1015 : vector<16xi32> to vector<16xf32>
        %bitcast3A_1055 = vector.bitcast %get3A_1020 : vector<16xi32> to vector<16xf32>
        %add3A_1056 = arith.addf %bitcast3A_1054, %bitcast3A_1055 : vector<16xf32>
        %bitcast3A_1057 = vector.bitcast %get3A_1027 : vector<16xi32> to vector<16xf32>
        %bitcast3A_1058 = vector.bitcast %get3A_1034 : vector<16xi32> to vector<16xf32>
        %add3A_1059 = arith.addf %bitcast3A_1057, %bitcast3A_1058 : vector<16xf32>
        %add3A_1060 = arith.addf %add3A_1056, %add3A_1059 : vector<16xf32>
        %bitcast3A_1061 = vector.bitcast %add3A_1053 : vector<16xf32> to vector<16xi32>
        %shift_right_logical3A_1062 = arith.constant 16 : i32
        %shift_right_logical3A_1063 = vector.broadcast %shift_right_logical3A_1062 : i32 to vector<16xi32>
        %shift_right_logical3A_1064 = arith.shrui %bitcast3A_1061, %shift_right_logical3A_1063 : vector<16xi32>
        %bitcast3A_1065 = vector.bitcast %add3A_1060 : vector<16xf32> to vector<16xi32>
        %and3A_1066 = arith.constant -65536 : i32
        %and3A_1067 = vector.broadcast %and3A_1066 : i32 to vector<16xi32>
        %and3A_1068 = arith.andi %bitcast3A_1065, %and3A_1067 : vector<16xi32>
        %or3A_1069 = arith.ori %and3A_1068, %shift_right_logical3A_1064 : vector<16xi32>
        tpu.vector_store_idx %arg15[%iota3A, %add3A_1010], %or3A_1069 : memref<16x128xi32, #tpu.memory_space<vmem>>[vector<16xi32>, vector<16xi32>], vector<16xi32>,
        %add3A_1070 = arith.constant 1 : i32
        %add3A_1071 = vector.broadcast %add3A_1070 : i32 to vector<16xi32>
        %add3A_1072 = arith.addi %add3A_1010, %add3A_1071 : vector<16xi32>
        %scan3A_1073 = arith.constant 13 : i32
        %scan3A_1074 = arith.addi %scan3A_272, %scan3A_1073 : i32
        %get3A_1075 = arith.index_cast %scan3A_1074 : i32 to index
        %get3A_1076 = arith.constant 0 : index
        %get3A_1077 = tpu.vector_load %arg11[%get3A_1075, %get3A_1076] {strides = array<i32>} : memref<128x16xi32, #tpu.memory_space<vmem>>, vector<16xi32>,
        %mul3A_1078 = arith.constant 3 : i32
        %mul3A_1079 = arith.muli %mul3A_1078, %scan3A_1074 : i32
        %get3A_1080 = arith.index_cast %mul3A_1079 : i32 to index
        %get3A_1081 = arith.constant 0 : index
        %get3A_1082 = tpu.vector_load %arg13[%get3A_1080, %get3A_1081] {strides = array<i32>} : memref<384x16xi32, #tpu.memory_space<vmem>>, vector<16xi32>,
        %mul3A_1083 = arith.constant 3 : i32
        %mul3A_1084 = arith.muli %mul3A_1083, %scan3A_1074 : i32
        %add3A_1085 = arith.constant 1 : i32
        %add3A_1086 = arith.addi %mul3A_1084, %add3A_1085 : i32
        %get3A_1087 = arith.index_cast %add3A_1086 : i32 to index
        %get3A_1088 = arith.constant 0 : index
        %get3A_1089 = tpu.vector_load %arg13[%get3A_1087, %get3A_1088] {strides = array<i32>} : memref<384x16xi32, #tpu.memory_space<vmem>>, vector<16xi32>,
        %mul3A_1090 = arith.constant 3 : i32
        %mul3A_1091 = arith.muli %mul3A_1090, %scan3A_1074 : i32
        %add3A_1092 = arith.constant 2 : i32
        %add3A_1093 = arith.addi %mul3A_1091, %add3A_1092 : i32
        %get3A_1094 = arith.index_cast %add3A_1093 : i32 to index
        %get3A_1095 = arith.constant 0 : index
        %get3A_1096 = tpu.vector_load %arg13[%get3A_1094, %get3A_1095] {strides = array<i32>} : memref<384x16xi32, #tpu.memory_space<vmem>>, vector<16xi32>,
        %shift_left3A_1097 = arith.constant 16 : i32
        %shift_left3A_1098 = vector.broadcast %shift_left3A_1097 : i32 to vector<16xi32>
        %shift_left3A_1099 = arith.shli %get3A_1077, %shift_left3A_1098 : vector<16xi32>
        %bitcast3A_1100 = vector.bitcast %shift_left3A_1099 : vector<16xi32> to vector<16xf32>
        %shift_left3A_1101 = arith.constant 16 : i32
        %shift_left3A_1102 = vector.broadcast %shift_left3A_1101 : i32 to vector<16xi32>
        %shift_left3A_1103 = arith.shli %get3A_1082, %shift_left3A_1102 : vector<16xi32>
        %bitcast3A_1104 = vector.bitcast %shift_left3A_1103 : vector<16xi32> to vector<16xf32>
        %add3A_1105 = arith.addf %bitcast3A_1100, %bitcast3A_1104 : vector<16xf32>
        %shift_left3A_1106 = arith.constant 16 : i32
        %shift_left3A_1107 = vector.broadcast %shift_left3A_1106 : i32 to vector<16xi32>
        %shift_left3A_1108 = arith.shli %get3A_1089, %shift_left3A_1107 : vector<16xi32>
        %bitcast3A_1109 = vector.bitcast %shift_left3A_1108 : vector<16xi32> to vector<16xf32>
        %shift_left3A_1110 = arith.constant 16 : i32
        %shift_left3A_1111 = vector.broadcast %shift_left3A_1110 : i32 to vector<16xi32>
        %shift_left3A_1112 = arith.shli %get3A_1096, %shift_left3A_1111 : vector<16xi32>
        %bitcast3A_1113 = vector.bitcast %shift_left3A_1112 : vector<16xi32> to vector<16xf32>
        %add3A_1114 = arith.addf %bitcast3A_1109, %bitcast3A_1113 : vector<16xf32>
        %add3A_1115 = arith.addf %add3A_1105, %add3A_1114 : vector<16xf32>
        %bitcast3A_1116 = vector.bitcast %get3A_1077 : vector<16xi32> to vector<16xf32>
        %bitcast3A_1117 = vector.bitcast %get3A_1082 : vector<16xi32> to vector<16xf32>
        %add3A_1118 = arith.addf %bitcast3A_1116, %bitcast3A_1117 : vector<16xf32>
        %bitcast3A_1119 = vector.bitcast %get3A_1089 : vector<16xi32> to vector<16xf32>
        %bitcast3A_1120 = vector.bitcast %get3A_1096 : vector<16xi32> to vector<16xf32>
        %add3A_1121 = arith.addf %bitcast3A_1119, %bitcast3A_1120 : vector<16xf32>
        %add3A_1122 = arith.addf %add3A_1118, %add3A_1121 : vector<16xf32>
        %bitcast3A_1123 = vector.bitcast %add3A_1115 : vector<16xf32> to vector<16xi32>
        %shift_right_logical3A_1124 = arith.constant 16 : i32
        %shift_right_logical3A_1125 = vector.broadcast %shift_right_logical3A_1124 : i32 to vector<16xi32>
        %shift_right_logical3A_1126 = arith.shrui %bitcast3A_1123, %shift_right_logical3A_1125 : vector<16xi32>
        %bitcast3A_1127 = vector.bitcast %add3A_1122 : vector<16xf32> to vector<16xi32>
        %and3A_1128 = arith.constant -65536 : i32
        %and3A_1129 = vector.broadcast %and3A_1128 : i32 to vector<16xi32>
        %and3A_1130 = arith.andi %bitcast3A_1127, %and3A_1129 : vector<16xi32>
        %or3A_1131 = arith.ori %and3A_1130, %shift_right_logical3A_1126 : vector<16xi32>
        tpu.vector_store_idx %arg15[%iota3A, %add3A_1072], %or3A_1131 : memref<16x128xi32, #tpu.memory_space<vmem>>[vector<16xi32>, vector<16xi32>], vector<16xi32>,
        %add3A_1132 = arith.constant 1 : i32
        %add3A_1133 = vector.broadcast %add3A_1132 : i32 to vector<16xi32>
        %add3A_1134 = arith.addi %add3A_1072, %add3A_1133 : vector<16xi32>
        %scan3A_1135 = arith.constant 14 : i32
        %scan3A_1136 = arith.addi %scan3A_272, %scan3A_1135 : i32
        %get3A_1137 = arith.index_cast %scan3A_1136 : i32 to index
        %get3A_1138 = arith.constant 0 : index
        %get3A_1139 = tpu.vector_load %arg11[%get3A_1137, %get3A_1138] {strides = array<i32>} : memref<128x16xi32, #tpu.memory_space<vmem>>, vector<16xi32>,
        %mul3A_1140 = arith.constant 3 : i32
        %mul3A_1141 = arith.muli %mul3A_1140, %scan3A_1136 : i32
        %get3A_1142 = arith.index_cast %mul3A_1141 : i32 to index
        %get3A_1143 = arith.constant 0 : index
        %get3A_1144 = tpu.vector_load %arg13[%get3A_1142, %get3A_1143] {strides = array<i32>} : memref<384x16xi32, #tpu.memory_space<vmem>>, vector<16xi32>,
        %mul3A_1145 = arith.constant 3 : i32
        %mul3A_1146 = arith.muli %mul3A_1145, %scan3A_1136 : i32
        %add3A_1147 = arith.constant 1 : i32
        %add3A_1148 = arith.addi %mul3A_1146, %add3A_1147 : i32
        %get3A_1149 = arith.index_cast %add3A_1148 : i32 to index
        %get3A_1150 = arith.constant 0 : index
        %get3A_1151 = tpu.vector_load %arg13[%get3A_1149, %get3A_1150] {strides = array<i32>} : memref<384x16xi32, #tpu.memory_space<vmem>>, vector<16xi32>,
        %mul3A_1152 = arith.constant 3 : i32
        %mul3A_1153 = arith.muli %mul3A_1152, %scan3A_1136 : i32
        %add3A_1154 = arith.constant 2 : i32
        %add3A_1155 = arith.addi %mul3A_1153, %add3A_1154 : i32
        %get3A_1156 = arith.index_cast %add3A_1155 : i32 to index
        %get3A_1157 = arith.constant 0 : index
        %get3A_1158 = tpu.vector_load %arg13[%get3A_1156, %get3A_1157] {strides = array<i32>} : memref<384x16xi32, #tpu.memory_space<vmem>>, vector<16xi32>,
        %shift_left3A_1159 = arith.constant 16 : i32
        %shift_left3A_1160 = vector.broadcast %shift_left3A_1159 : i32 to vector<16xi32>
        %shift_left3A_1161 = arith.shli %get3A_1139, %shift_left3A_1160 : vector<16xi32>
        %bitcast3A_1162 = vector.bitcast %shift_left3A_1161 : vector<16xi32> to vector<16xf32>
        %shift_left3A_1163 = arith.constant 16 : i32
        %shift_left3A_1164 = vector.broadcast %shift_left3A_1163 : i32 to vector<16xi32>
        %shift_left3A_1165 = arith.shli %get3A_1144, %shift_left3A_1164 : vector<16xi32>
        %bitcast3A_1166 = vector.bitcast %shift_left3A_1165 : vector<16xi32> to vector<16xf32>
        %add3A_1167 = arith.addf %bitcast3A_1162, %bitcast3A_1166 : vector<16xf32>
        %shift_left3A_1168 = arith.constant 16 : i32
        %shift_left3A_1169 = vector.broadcast %shift_left3A_1168 : i32 to vector<16xi32>
        %shift_left3A_1170 = arith.shli %get3A_1151, %shift_left3A_1169 : vector<16xi32>
        %bitcast3A_1171 = vector.bitcast %shift_left3A_1170 : vector<16xi32> to vector<16xf32>
        %shift_left3A_1172 = arith.constant 16 : i32
        %shift_left3A_1173 = vector.broadcast %shift_left3A_1172 : i32 to vector<16xi32>
        %shift_left3A_1174 = arith.shli %get3A_1158, %shift_left3A_1173 : vector<16xi32>
        %bitcast3A_1175 = vector.bitcast %shift_left3A_1174 : vector<16xi32> to vector<16xf32>
        %add3A_1176 = arith.addf %bitcast3A_1171, %bitcast3A_1175 : vector<16xf32>
        %add3A_1177 = arith.addf %add3A_1167, %add3A_1176 : vector<16xf32>
        %bitcast3A_1178 = vector.bitcast %get3A_1139 : vector<16xi32> to vector<16xf32>
        %bitcast3A_1179 = vector.bitcast %get3A_1144 : vector<16xi32> to vector<16xf32>
        %add3A_1180 = arith.addf %bitcast3A_1178, %bitcast3A_1179 : vector<16xf32>
        %bitcast3A_1181 = vector.bitcast %get3A_1151 : vector<16xi32> to vector<16xf32>
        %bitcast3A_1182 = vector.bitcast %get3A_1158 : vector<16xi32> to vector<16xf32>
        %add3A_1183 = arith.addf %bitcast3A_1181, %bitcast3A_1182 : vector<16xf32>
        %add3A_1184 = arith.addf %add3A_1180, %add3A_1183 : vector<16xf32>
        %bitcast3A_1185 = vector.bitcast %add3A_1177 : vector<16xf32> to vector<16xi32>
        %shift_right_logical3A_1186 = arith.constant 16 : i32
        %shift_right_logical3A_1187 = vector.broadcast %shift_right_logical3A_1186 : i32 to vector<16xi32>
        %shift_right_logical3A_1188 = arith.shrui %bitcast3A_1185, %shift_right_logical3A_1187 : vector<16xi32>
        %bitcast3A_1189 = vector.bitcast %add3A_1184 : vector<16xf32> to vector<16xi32>
        %and3A_1190 = arith.constant -65536 : i32
        %and3A_1191 = vector.broadcast %and3A_1190 : i32 to vector<16xi32>
        %and3A_1192 = arith.andi %bitcast3A_1189, %and3A_1191 : vector<16xi32>
        %or3A_1193 = arith.ori %and3A_1192, %shift_right_logical3A_1188 : vector<16xi32>
        tpu.vector_store_idx %arg15[%iota3A, %add3A_1134], %or3A_1193 : memref<16x128xi32, #tpu.memory_space<vmem>>[vector<16xi32>, vector<16xi32>], vector<16xi32>,
        %add3A_1194 = arith.constant 1 : i32
        %add3A_1195 = vector.broadcast %add3A_1194 : i32 to vector<16xi32>
        %add3A_1196 = arith.addi %add3A_1134, %add3A_1195 : vector<16xi32>
        %scan3A_1197 = arith.constant 15 : i32
        %scan3A_1198 = arith.addi %scan3A_272, %scan3A_1197 : i32
        %get3A_1199 = arith.index_cast %scan3A_1198 : i32 to index
        %get3A_1200 = arith.constant 0 : index
        %get3A_1201 = tpu.vector_load %arg11[%get3A_1199, %get3A_1200] {strides = array<i32>} : memref<128x16xi32, #tpu.memory_space<vmem>>, vector<16xi32>,
        %mul3A_1202 = arith.constant 3 : i32
        %mul3A_1203 = arith.muli %mul3A_1202, %scan3A_1198 : i32
        %get3A_1204 = arith.index_cast %mul3A_1203 : i32 to index
        %get3A_1205 = arith.constant 0 : index
        %get3A_1206 = tpu.vector_load %arg13[%get3A_1204, %get3A_1205] {strides = array<i32>} : memref<384x16xi32, #tpu.memory_space<vmem>>, vector<16xi32>,
        %mul3A_1207 = arith.constant 3 : i32
        %mul3A_1208 = arith.muli %mul3A_1207, %scan3A_1198 : i32
        %add3A_1209 = arith.constant 1 : i32
        %add3A_1210 = arith.addi %mul3A_1208, %add3A_1209 : i32
        %get3A_1211 = arith.index_cast %add3A_1210 : i32 to index
        %get3A_1212 = arith.constant 0 : index
        %get3A_1213 = tpu.vector_load %arg13[%get3A_1211, %get3A_1212] {strides = array<i32>} : memref<384x16xi32, #tpu.memory_space<vmem>>, vector<16xi32>,
        %mul3A_1214 = arith.constant 3 : i32
        %mul3A_1215 = arith.muli %mul3A_1214, %scan3A_1198 : i32
        %add3A_1216 = arith.constant 2 : i32
        %add3A_1217 = arith.addi %mul3A_1215, %add3A_1216 : i32
        %get3A_1218 = arith.index_cast %add3A_1217 : i32 to index
        %get3A_1219 = arith.constant 0 : index
        %get3A_1220 = tpu.vector_load %arg13[%get3A_1218, %get3A_1219] {strides = array<i32>} : memref<384x16xi32, #tpu.memory_space<vmem>>, vector<16xi32>,
        %shift_left3A_1221 = arith.constant 16 : i32
        %shift_left3A_1222 = vector.broadcast %shift_left3A_1221 : i32 to vector<16xi32>
        %shift_left3A_1223 = arith.shli %get3A_1201, %shift_left3A_1222 : vector<16xi32>
        %bitcast3A_1224 = vector.bitcast %shift_left3A_1223 : vector<16xi32> to vector<16xf32>
        %shift_left3A_1225 = arith.constant 16 : i32
        %shift_left3A_1226 = vector.broadcast %shift_left3A_1225 : i32 to vector<16xi32>
        %shift_left3A_1227 = arith.shli %get3A_1206, %shift_left3A_1226 : vector<16xi32>
        %bitcast3A_1228 = vector.bitcast %shift_left3A_1227 : vector<16xi32> to vector<16xf32>
        %add3A_1229 = arith.addf %bitcast3A_1224, %bitcast3A_1228 : vector<16xf32>
        %shift_left3A_1230 = arith.constant 16 : i32
        %shift_left3A_1231 = vector.broadcast %shift_left3A_1230 : i32 to vector<16xi32>
        %shift_left3A_1232 = arith.shli %get3A_1213, %shift_left3A_1231 : vector<16xi32>
        %bitcast3A_1233 = vector.bitcast %shift_left3A_1232 : vector<16xi32> to vector<16xf32>
        %shift_left3A_1234 = arith.constant 16 : i32
        %shift_left3A_1235 = vector.broadcast %shift_left3A_1234 : i32 to vector<16xi32>
        %shift_left3A_1236 = arith.shli %get3A_1220, %shift_left3A_1235 : vector<16xi32>
        %bitcast3A_1237 = vector.bitcast %shift_left3A_1236 : vector<16xi32> to vector<16xf32>
        %add3A_1238 = arith.addf %bitcast3A_1233, %bitcast3A_1237 : vector<16xf32>
        %add3A_1239 = arith.addf %add3A_1229, %add3A_1238 : vector<16xf32>
        %bitcast3A_1240 = vector.bitcast %get3A_1201 : vector<16xi32> to vector<16xf32>
        %bitcast3A_1241 = vector.bitcast %get3A_1206 : vector<16xi32> to vector<16xf32>
        %add3A_1242 = arith.addf %bitcast3A_1240, %bitcast3A_1241 : vector<16xf32>
        %bitcast3A_1243 = vector.bitcast %get3A_1213 : vector<16xi32> to vector<16xf32>
        %bitcast3A_1244 = vector.bitcast %get3A_1220 : vector<16xi32> to vector<16xf32>
        %add3A_1245 = arith.addf %bitcast3A_1243, %bitcast3A_1244 : vector<16xf32>
        %add3A_1246 = arith.addf %add3A_1242, %add3A_1245 : vector<16xf32>
        %bitcast3A_1247 = vector.bitcast %add3A_1239 : vector<16xf32> to vector<16xi32>
        %shift_right_logical3A_1248 = arith.constant 16 : i32
        %shift_right_logical3A_1249 = vector.broadcast %shift_right_logical3A_1248 : i32 to vector<16xi32>
        %shift_right_logical3A_1250 = arith.shrui %bitcast3A_1247, %shift_right_logical3A_1249 : vector<16xi32>
        %bitcast3A_1251 = vector.bitcast %add3A_1246 : vector<16xf32> to vector<16xi32>
        %and3A_1252 = arith.constant -65536 : i32
        %and3A_1253 = vector.broadcast %and3A_1252 : i32 to vector<16xi32>
        %and3A_1254 = arith.andi %bitcast3A_1251, %and3A_1253 : vector<16xi32>
        %or3A_1255 = arith.ori %and3A_1254, %shift_right_logical3A_1250 : vector<16xi32>
        tpu.vector_store_idx %arg15[%iota3A, %add3A_1196], %or3A_1255 : memref<16x128xi32, #tpu.memory_space<vmem>>[vector<16xi32>, vector<16xi32>], vector<16xi32>,
        %add3A_1256 = arith.constant 1 : i32
        %add3A_1257 = vector.broadcast %add3A_1256 : i32 to vector<16xi32>
        %add3A_1258 = arith.addi %add3A_1196, %add3A_1257 : vector<16xi32>
        scf.yield %add3A_1258 : vector<16xi32>
      }
      %scan3A_121 = arith.constant 128 : i32
      %mul3A_122 = arith.constant 2 : i32
      %mul3A_123 = arith.muli %mul3A_122, %add3A : i32
      %jit3A = arith.constant 128 : i32
      %div3A = arith.divsi %add3A_72, %jit3A : i32
      %sign3A = arith.constant 0 : i32
      %sign3A_124 = arith.cmpi sgt, %add3A_72, %sign3A : i32
      %sign3A_125 = arith.extui %sign3A_124 : i1 to i32
      %sign3A_126 = arith.constant 0 : i32
      %sign3A_127 = arith.cmpi slt, %add3A_72, %sign3A_126 : i32
      %sign3A_128 = arith.extui %sign3A_127 : i1 to i32
      %sign3A_129 = arith.subi %sign3A_125, %sign3A_128 : i32
      %sign3A_130 = arith.constant 0 : i32
      %sign3A_131 = arith.cmpi sgt, %jit3A, %sign3A_130 : i32
      %sign3A_132 = arith.extui %sign3A_131 : i1 to i32
      %sign3A_133 = arith.constant 0 : i32
      %sign3A_134 = arith.cmpi slt, %jit3A, %sign3A_133 : i32
      %sign3A_135 = arith.extui %sign3A_134 : i1 to i32
      %sign3A_136 = arith.subi %sign3A_132, %sign3A_135 : i32
      %ne3A = arith.cmpi ne, %sign3A_129, %sign3A_136 : i32
      %rem3A = arith.remsi %add3A_72, %jit3A : i32
      %ne3A_137 = arith.constant 0 : i32
      %ne3A_138 = arith.cmpi ne, %rem3A, %ne3A_137 : i32
      %and3A = arith.andi %ne3A, %ne3A_138 : i1
      %sub3A = arith.constant 1 : i32
      %sub3A_139 = arith.subi %div3A, %sub3A : i32
      %select_n3A = arith.select %and3A, %sub3A_139, %div3A : i32
      %add3A_140 = arith.addi %mul3A_123, %select_n3A : i32
      %jit3A_141 = arith.constant 128 : i32
      %eq3A = arith.constant 0 : i32
      %eq3A_142 = arith.cmpi eq, %jit3A_141, %eq3A : i32
      %jit3A_143 = arith.constant 1 : i32
      %select_n3A_144 = arith.select %eq3A_142, %jit3A_143, %jit3A_141 : i32
      %rem3A_145 = arith.remsi %add3A_72, %select_n3A_144 : i32
      %ne3A_146 = arith.constant 0 : i32
      %ne3A_147 = arith.cmpi ne, %rem3A_145, %ne3A_146 : i32
      %lt3A_148 = arith.constant 0 : i32
      %lt3A_149 = arith.cmpi slt, %rem3A_145, %lt3A_148 : i32
      %lt3A_150 = arith.constant 0 : i32
      %lt3A_151 = arith.cmpi slt, %select_n3A_144, %lt3A_150 : i32
      %ne3A_152 = arith.xori %lt3A_149, %lt3A_151 : i1
      %and3A_153 = arith.andi %ne3A_152, %ne3A_147 : i1
      %add3A_154 = arith.addi %rem3A_145, %select_n3A_144 : i32
      %select_n3A_155 = arith.select %and3A_153, %add3A_154, %rem3A_145 : i32
      %dma_start3A_156 = arith.constant 0 : i32
      %dma_start3A_157 = arith.constant 0 : i32
      %dma_start3A_158 = tpu.memref_slice %arg6[%add3A_140, %select_n3A_155, %dma_start3A_156, %dma_start3A_157] : memref<64x128x16x128xi32, #tpu.memory_space<hbm>> -> memref<1x1x16x128xi32, #tpu.memory_space<hbm>>
      %dma_start3A_159 = tpu.memref_squeeze %dma_start3A_158 : memref<1x1x16x128xi32, #tpu.memory_space<hbm>> -> memref<16x128xi32, #tpu.memory_space<hbm>>
      %dma_start3A_160 = arith.constant 0 : i32
      %dma_start3A_161 = arith.constant 0 : i32
      %dma_start3A_162 = tpu.memref_slice %arg6[%add3A_140, %select_n3A_155, %dma_start3A_160, %dma_start3A_161] : memref<64x128x16x128xi32, #tpu.memory_space<hbm>> -> memref<1x1x16x128xi32, #tpu.memory_space<hbm>>
      %dma_start3A_163 = tpu.memref_squeeze %dma_start3A_162 : memref<1x1x16x128xi32, #tpu.memory_space<hbm>> -> memref<16x128xi32, #tpu.memory_space<hbm>>
      tpu.enqueue_dma source(%arg15 : memref<16x128xi32, #tpu.memory_space<vmem>>) target(%dma_start3A_163 : memref<16x128xi32, #tpu.memory_space<hbm>>) target_semaphore(%arg21 : memref<!tpu.dma_semaphore, #tpu.memory_space<semaphore_mem>>)
      %mul3A_164 = arith.constant 2 : i32
      %mul3A_165 = arith.muli %mul3A_164, %scan3A_68 : i32
      %add3A_166 = arith.constant 1 : i32
      %add3A_167 = arith.addi %mul3A_165, %add3A_166 : i32
      %add3A_168 = arith.addi %mul3A_2, %add3A_167 : i32
      %dma_wait3A_169 = arith.constant 0 : i32
      %dma_wait3A_170 = arith.constant 0 : i32
      %dma_wait3A_171 = tpu.memref_slice %arg2[%dma_wait3A_169, %dma_wait3A_170] : memref<522x16xi32, #tpu.memory_space<hbm>> -> memref<522x16xi32, #tpu.memory_space<hbm>>
      tpu.wait_indirect_dma semaphore(%arg20 : memref<!tpu.dma_semaphore, #tpu.memory_space<semaphore_mem>>) src(%dma_wait3A_171 : memref<522x16xi32, #tpu.memory_space<hbm>>) dst(%arg12 : memref<128x16xi32, #tpu.memory_space<vmem>>)
      %dma_wait3A_172 = arith.constant 0 : i32
      %dma_wait3A_173 = arith.constant 0 : i32
      %dma_wait3A_174 = tpu.memref_slice %arg14[%dma_wait3A_172, %dma_wait3A_173] : memref<384x16xi32, #tpu.memory_space<vmem>> -> memref<128x16xi32, #tpu.memory_space<vmem>>
      %dma_wait3A_175 = arith.constant 0 : i32
      %dma_wait3A_176 = tpu.memref_slice %arg10[%dma_wait3A_175] : memref<384xi32, #tpu.memory_space<vmem>> -> memref<128xi32, #tpu.memory_space<vmem>>
      %dma_wait3A_177 = arith.constant 0 : i32
      %dma_wait3A_178 = arith.constant 0 : i32
      %dma_wait3A_179 = tpu.memref_slice %arg3[%dma_wait3A_177, %dma_wait3A_178] : memref<1537x16xi32, #tpu.memory_space<hbm>> -> memref<1537x16xi32, #tpu.memory_space<hbm>>
      tpu.wait_indirect_dma semaphore(%arg20 : memref<!tpu.dma_semaphore, #tpu.memory_space<semaphore_mem>>) src(%dma_wait3A_179 : memref<1537x16xi32, #tpu.memory_space<hbm>>) dst(%dma_wait3A_174 : memref<128x16xi32, #tpu.memory_space<vmem>>)
      %dma_wait3A_180 = arith.constant 128 : i32
      %dma_wait3A_181 = arith.constant 0 : i32
      %dma_wait3A_182 = tpu.memref_slice %arg14[%dma_wait3A_180, %dma_wait3A_181] : memref<384x16xi32, #tpu.memory_space<vmem>> -> memref<128x16xi32, #tpu.memory_space<vmem>>
      %dma_wait3A_183 = arith.constant 128 : i32
      %dma_wait3A_184 = tpu.memref_slice %arg10[%dma_wait3A_183] : memref<384xi32, #tpu.memory_space<vmem>> -> memref<128xi32, #tpu.memory_space<vmem>>
      %dma_wait3A_185 = arith.constant 0 : i32
      %dma_wait3A_186 = arith.constant 0 : i32
      %dma_wait3A_187 = tpu.memref_slice %arg3[%dma_wait3A_185, %dma_wait3A_186] : memref<1537x16xi32, #tpu.memory_space<hbm>> -> memref<1537x16xi32, #tpu.memory_space<hbm>>
      tpu.wait_indirect_dma semaphore(%arg20 : memref<!tpu.dma_semaphore, #tpu.memory_space<semaphore_mem>>) src(%dma_wait3A_187 : memref<1537x16xi32, #tpu.memory_space<hbm>>) dst(%dma_wait3A_182 : memref<128x16xi32, #tpu.memory_space<vmem>>)
      %dma_wait3A_188 = arith.constant 256 : i32
      %dma_wait3A_189 = arith.constant 0 : i32
      %dma_wait3A_190 = tpu.memref_slice %arg14[%dma_wait3A_188, %dma_wait3A_189] : memref<384x16xi32, #tpu.memory_space<vmem>> -> memref<128x16xi32, #tpu.memory_space<vmem>>
      %dma_wait3A_191 = arith.constant 256 : i32
      %dma_wait3A_192 = tpu.memref_slice %arg10[%dma_wait3A_191] : memref<384xi32, #tpu.memory_space<vmem>> -> memref<128xi32, #tpu.memory_space<vmem>>
      %dma_wait3A_193 = arith.constant 0 : i32
      %dma_wait3A_194 = arith.constant 0 : i32
      %dma_wait3A_195 = tpu.memref_slice %arg3[%dma_wait3A_193, %dma_wait3A_194] : memref<1537x16xi32, #tpu.memory_space<hbm>> -> memref<1537x16xi32, #tpu.memory_space<hbm>>
      tpu.wait_indirect_dma semaphore(%arg20 : memref<!tpu.dma_semaphore, #tpu.memory_space<semaphore_mem>>) src(%dma_wait3A_195 : memref<1537x16xi32, #tpu.memory_space<hbm>>) dst(%dma_wait3A_190 : memref<128x16xi32, #tpu.memory_space<vmem>>)
      %add3A_196 = arith.constant 2 : i32
      %add3A_197 = arith.addi %add3A_167, %add3A_196 : i32
      %lt3A_198 = arith.constant 256 : i32
      %lt3A_199 = arith.cmpi slt, %add3A_197, %lt3A_198 : i32
      %convert_element_type3A_200 = arith.extui %lt3A_199 : i1 to i32
      %cond3A_201 = arith.constant 0 : i32
      %cond3A_202 = arith.cmpi ne, %convert_element_type3A_200, %cond3A_201 : i32
      scf.if %cond3A_202 {
        %add3A_272 = arith.constant 2 : i32
        %add3A_273 = arith.addi %add3A_168, %add3A_272 : i32
        %dma_start3A_274 = arith.constant 0 : i32
        %dma_start3A_275 = tpu.memref_slice %arg4[%add3A_273, %dma_start3A_274] : memref<8192x128xi32, #tpu.memory_space<hbm>> -> memref<1x128xi32, #tpu.memory_space<hbm>>
        %dma_start3A_276 = tpu.memref_squeeze %dma_start3A_275 : memref<1x128xi32, #tpu.memory_space<hbm>> -> memref<128xi32, #tpu.memory_space<hbm>>
        %dma_start3A_277 = arith.constant 0 : i32
        %dma_start3A_278 = tpu.memref_slice %arg4[%add3A_273, %dma_start3A_277] : memref<8192x128xi32, #tpu.memory_space<hbm>> -> memref<1x128xi32, #tpu.memory_space<hbm>>
        %dma_start3A_279 = tpu.memref_squeeze %dma_start3A_278 : memref<1x128xi32, #tpu.memory_space<hbm>> -> memref<128xi32, #tpu.memory_space<hbm>>
        tpu.enqueue_dma source(%dma_start3A_279 : memref<128xi32, #tpu.memory_space<hbm>>) target(%arg8 : memref<128xi32, #tpu.memory_space<vmem>>) target_semaphore(%arg18 : memref<!tpu.dma_semaphore, #tpu.memory_space<semaphore_mem>>)
        %dma_start3A_280 = arith.constant 0 : i32
        %dma_start3A_281 = tpu.memref_slice %arg5[%add3A_273, %dma_start3A_280] : memref<8192x384xi32, #tpu.memory_space<hbm>> -> memref<1x384xi32, #tpu.memory_space<hbm>>
        %dma_start3A_282 = tpu.memref_squeeze %dma_start3A_281 : memref<1x384xi32, #tpu.memory_space<hbm>> -> memref<384xi32, #tpu.memory_space<hbm>>
        %dma_start3A_283 = arith.constant 0 : i32
        %dma_start3A_284 = tpu.memref_slice %arg5[%add3A_273, %dma_start3A_283] : memref<8192x384xi32, #tpu.memory_space<hbm>> -> memref<1x384xi32, #tpu.memory_space<hbm>>
        %dma_start3A_285 = tpu.memref_squeeze %dma_start3A_284 : memref<1x384xi32, #tpu.memory_space<hbm>> -> memref<384xi32, #tpu.memory_space<hbm>>
        tpu.enqueue_dma source(%dma_start3A_285 : memref<384xi32, #tpu.memory_space<hbm>>) target(%arg10 : memref<384xi32, #tpu.memory_space<vmem>>) target_semaphore(%arg18 : memref<!tpu.dma_semaphore, #tpu.memory_space<semaphore_mem>>)
      } else {
      }
      %add3A_203 = arith.constant 1 : i32
      %add3A_204 = arith.addi %add3A_167, %add3A_203 : i32
      %lt3A_205 = arith.constant 256 : i32
      %lt3A_206 = arith.cmpi slt, %add3A_204, %lt3A_205 : i32
      %convert_element_type3A_207 = arith.extui %lt3A_206 : i1 to i32
      %cond3A_208 = arith.constant 0 : i32
      %cond3A_209 = arith.cmpi ne, %convert_element_type3A_207, %cond3A_208 : i32
      scf.if %cond3A_209 {
        %dma_wait3A_272 = arith.constant 0 : i32
        %dma_wait3A_273 = arith.constant 0 : i32
        %dma_wait3A_274 = tpu.memref_slice %arg4[%dma_wait3A_272, %dma_wait3A_273] : memref<8192x128xi32, #tpu.memory_space<hbm>> -> memref<1x128xi32, #tpu.memory_space<hbm>>
        %dma_wait3A_275 = tpu.memref_squeeze %dma_wait3A_274 : memref<1x128xi32, #tpu.memory_space<hbm>> -> memref<128xi32, #tpu.memory_space<hbm>>
        %dma_wait3A_276 = arith.constant 0 : i32
        %dma_wait3A_277 = tpu.memref_slice %arg4[%dma_wait3A_272, %dma_wait3A_276] : memref<8192x128xi32, #tpu.memory_space<hbm>> -> memref<1x128xi32, #tpu.memory_space<hbm>>
        %dma_wait3A_278 = tpu.memref_squeeze %dma_wait3A_277 : memref<1x128xi32, #tpu.memory_space<hbm>> -> memref<128xi32, #tpu.memory_space<hbm>>
        tpu.wait_dma2 semaphore(%arg17 : memref<!tpu.dma_semaphore, #tpu.memory_space<semaphore_mem>>) src(%dma_wait3A_278 : memref<128xi32, #tpu.memory_space<hbm>>) dst(%arg7 : memref<128xi32, #tpu.memory_space<vmem>>)
        %dma_wait3A_279 = arith.constant 0 : i32
        %dma_wait3A_280 = arith.constant 0 : i32
        %dma_wait3A_281 = tpu.memref_slice %arg5[%dma_wait3A_279, %dma_wait3A_280] : memref<8192x384xi32, #tpu.memory_space<hbm>> -> memref<1x384xi32, #tpu.memory_space<hbm>>
        %dma_wait3A_282 = tpu.memref_squeeze %dma_wait3A_281 : memref<1x384xi32, #tpu.memory_space<hbm>> -> memref<384xi32, #tpu.memory_space<hbm>>
        %dma_wait3A_283 = arith.constant 0 : i32
        %dma_wait3A_284 = tpu.memref_slice %arg5[%dma_wait3A_279, %dma_wait3A_283] : memref<8192x384xi32, #tpu.memory_space<hbm>> -> memref<1x384xi32, #tpu.memory_space<hbm>>
        %dma_wait3A_285 = tpu.memref_squeeze %dma_wait3A_284 : memref<1x384xi32, #tpu.memory_space<hbm>> -> memref<384xi32, #tpu.memory_space<hbm>>
        tpu.wait_dma2 semaphore(%arg17 : memref<!tpu.dma_semaphore, #tpu.memory_space<semaphore_mem>>) src(%dma_wait3A_285 : memref<384xi32, #tpu.memory_space<hbm>>) dst(%arg9 : memref<384xi32, #tpu.memory_space<vmem>>)
        %dma_start3A_286 = arith.constant 0 : i32
        %dma_start3A_287 = arith.constant 0 : i32
        %dma_start3A_288 = tpu.memref_slice %arg2[%dma_start3A_286, %dma_start3A_287] : memref<522x16xi32, #tpu.memory_space<hbm>> -> memref<522x16xi32, #tpu.memory_space<hbm>>
        tpu.enqueue_indirect_dma source(%dma_start3A_288 : memref<522x16xi32, #tpu.memory_space<hbm>>) target(%arg11 : memref<128x16xi32, #tpu.memory_space<vmem>>) offsets(%arg7 : memref<128xi32, #tpu.memory_space<vmem>>) semaphore(%arg19 : memref<!tpu.dma_semaphore, #tpu.memory_space<semaphore_mem>>)
        %dma_start3A_289 = arith.constant 0 : i32
        %dma_start3A_290 = arith.constant 0 : i32
        %dma_start3A_291 = tpu.memref_slice %arg13[%dma_start3A_289, %dma_start3A_290] : memref<384x16xi32, #tpu.memory_space<vmem>> -> memref<128x16xi32, #tpu.memory_space<vmem>>
        %dma_start3A_292 = arith.constant 0 : i32
        %dma_start3A_293 = tpu.memref_slice %arg9[%dma_start3A_292] : memref<384xi32, #tpu.memory_space<vmem>> -> memref<128xi32, #tpu.memory_space<vmem>>
        %dma_start3A_294 = arith.constant 0 : i32
        %dma_start3A_295 = arith.constant 0 : i32
        %dma_start3A_296 = tpu.memref_slice %arg3[%dma_start3A_294, %dma_start3A_295] : memref<1537x16xi32, #tpu.memory_space<hbm>> -> memref<1537x16xi32, #tpu.memory_space<hbm>>
        tpu.enqueue_indirect_dma source(%dma_start3A_296 : memref<1537x16xi32, #tpu.memory_space<hbm>>) target(%dma_start3A_291 : memref<128x16xi32, #tpu.memory_space<vmem>>) offsets(%dma_start3A_293 : memref<128xi32, #tpu.memory_space<vmem>>) semaphore(%arg19 : memref<!tpu.dma_semaphore, #tpu.memory_space<semaphore_mem>>)
        %dma_start3A_297 = arith.constant 128 : i32
        %dma_start3A_298 = arith.constant 0 : i32
        %dma_start3A_299 = tpu.memref_slice %arg13[%dma_start3A_297, %dma_start3A_298] : memref<384x16xi32, #tpu.memory_space<vmem>> -> memref<128x16xi32, #tpu.memory_space<vmem>>
        %dma_start3A_300 = arith.constant 128 : i32
        %dma_start3A_301 = tpu.memref_slice %arg9[%dma_start3A_300] : memref<384xi32, #tpu.memory_space<vmem>> -> memref<128xi32, #tpu.memory_space<vmem>>
        %dma_start3A_302 = arith.constant 0 : i32
        %dma_start3A_303 = arith.constant 0 : i32
        %dma_start3A_304 = tpu.memref_slice %arg3[%dma_start3A_302, %dma_start3A_303] : memref<1537x16xi32, #tpu.memory_space<hbm>> -> memref<1537x16xi32, #tpu.memory_space<hbm>>
        tpu.enqueue_indirect_dma source(%dma_start3A_304 : memref<1537x16xi32, #tpu.memory_space<hbm>>) target(%dma_start3A_299 : memref<128x16xi32, #tpu.memory_space<vmem>>) offsets(%dma_start3A_301 : memref<128xi32, #tpu.memory_space<vmem>>) semaphore(%arg19 : memref<!tpu.dma_semaphore, #tpu.memory_space<semaphore_mem>>)
        %dma_start3A_305 = arith.constant 256 : i32
        %dma_start3A_306 = arith.constant 0 : i32
        %dma_start3A_307 = tpu.memref_slice %arg13[%dma_start3A_305, %dma_start3A_306] : memref<384x16xi32, #tpu.memory_space<vmem>> -> memref<128x16xi32, #tpu.memory_space<vmem>>
        %dma_start3A_308 = arith.constant 256 : i32
        %dma_start3A_309 = tpu.memref_slice %arg9[%dma_start3A_308] : memref<384xi32, #tpu.memory_space<vmem>> -> memref<128xi32, #tpu.memory_space<vmem>>
        %dma_start3A_310 = arith.constant 0 : i32
        %dma_start3A_311 = arith.constant 0 : i32
        %dma_start3A_312 = tpu.memref_slice %arg3[%dma_start3A_310, %dma_start3A_311] : memref<1537x16xi32, #tpu.memory_space<hbm>> -> memref<1537x16xi32, #tpu.memory_space<hbm>>
        tpu.enqueue_indirect_dma source(%dma_start3A_312 : memref<1537x16xi32, #tpu.memory_space<hbm>>) target(%dma_start3A_307 : memref<128x16xi32, #tpu.memory_space<vmem>>) offsets(%dma_start3A_309 : memref<128xi32, #tpu.memory_space<vmem>>) semaphore(%arg19 : memref<!tpu.dma_semaphore, #tpu.memory_space<semaphore_mem>>)
      } else {
      }
      %ge3A_210 = arith.constant 2 : i32
      %ge3A_211 = arith.cmpi sge, %add3A_167, %ge3A_210 : i32
      %convert_element_type3A_212 = arith.extui %ge3A_211 : i1 to i32
      %cond3A_213 = arith.constant 0 : i32
      %cond3A_214 = arith.cmpi ne, %convert_element_type3A_212, %cond3A_213 : i32
      scf.if %cond3A_214 {
        %dma_wait3A_272 = arith.constant 0 : i32
        %dma_wait3A_273 = arith.constant 0 : i32
        %dma_wait3A_274 = arith.constant 0 : i32
        %dma_wait3A_275 = arith.constant 0 : i32
        %dma_wait3A_276 = tpu.memref_slice %arg6[%dma_wait3A_272, %dma_wait3A_273, %dma_wait3A_274, %dma_wait3A_275] : memref<64x128x16x128xi32, #tpu.memory_space<hbm>> -> memref<1x1x16x128xi32, #tpu.memory_space<hbm>>
        %dma_wait3A_277 = tpu.memref_squeeze %dma_wait3A_276 : memref<1x1x16x128xi32, #tpu.memory_space<hbm>> -> memref<16x128xi32, #tpu.memory_space<hbm>>
        %dma_wait3A_278 = arith.constant 0 : i32
        %dma_wait3A_279 = arith.constant 0 : i32
        %dma_wait3A_280 = tpu.memref_slice %arg6[%dma_wait3A_272, %dma_wait3A_273, %dma_wait3A_278, %dma_wait3A_279] : memref<64x128x16x128xi32, #tpu.memory_space<hbm>> -> memref<1x1x16x128xi32, #tpu.memory_space<hbm>>
        %dma_wait3A_281 = tpu.memref_squeeze %dma_wait3A_280 : memref<1x1x16x128xi32, #tpu.memory_space<hbm>> -> memref<16x128xi32, #tpu.memory_space<hbm>>
        tpu.wait_dma2 semaphore(%arg22 : memref<!tpu.dma_semaphore, #tpu.memory_space<semaphore_mem>>) src(%arg16 : memref<16x128xi32, #tpu.memory_space<vmem>>) dst(%dma_wait3A_281 : memref<16x128xi32, #tpu.memory_space<hbm>>)
      } else {
      }
      %scan3A_215 = arith.constant 0 : i32
      %scan3A_216 = arith.constant 128 : i32
      %scan3A_217 = arith.addi %scan3A_215, %scan3A_216 : i32
      %scan3A_218 = arith.constant 16 : i32
      %scan3A_219 = scf.for %scan3A_272 = %scan3A_215 to %scan3A_217 step %scan3A_218 iter_args(%scan3A_273 = %broadcast_in_dim3A_43) -> (vector<16xi32>)  : i32 {
        %get3A = arith.index_cast %scan3A_272 : i32 to index
        %get3A_274 = arith.constant 0 : index
        %get3A_275 = tpu.vector_load %arg12[%get3A, %get3A_274] {strides = array<i32>} : memref<128x16xi32, #tpu.memory_space<vmem>>, vector<16xi32>,
        %mul3A_276 = arith.constant 3 : i32
        %mul3A_277 = arith.muli %mul3A_276, %scan3A_272 : i32
        %get3A_278 = arith.index_cast %mul3A_277 : i32 to index
        %get3A_279 = arith.constant 0 : index
        %get3A_280 = tpu.vector_load %arg14[%get3A_278, %get3A_279] {strides = array<i32>} : memref<384x16xi32, #tpu.memory_space<vmem>>, vector<16xi32>,
        %mul3A_281 = arith.constant 3 : i32
        %mul3A_282 = arith.muli %mul3A_281, %scan3A_272 : i32
        %add3A_283 = arith.constant 1 : i32
        %add3A_284 = arith.addi %mul3A_282, %add3A_283 : i32
        %get3A_285 = arith.index_cast %add3A_284 : i32 to index
        %get3A_286 = arith.constant 0 : index
        %get3A_287 = tpu.vector_load %arg14[%get3A_285, %get3A_286] {strides = array<i32>} : memref<384x16xi32, #tpu.memory_space<vmem>>, vector<16xi32>,
        %mul3A_288 = arith.constant 3 : i32
        %mul3A_289 = arith.muli %mul3A_288, %scan3A_272 : i32
        %add3A_290 = arith.constant 2 : i32
        %add3A_291 = arith.addi %mul3A_289, %add3A_290 : i32
        %get3A_292 = arith.index_cast %add3A_291 : i32 to index
        %get3A_293 = arith.constant 0 : index
        %get3A_294 = tpu.vector_load %arg14[%get3A_292, %get3A_293] {strides = array<i32>} : memref<384x16xi32, #tpu.memory_space<vmem>>, vector<16xi32>,
        %shift_left3A = arith.constant 16 : i32
        %shift_left3A_295 = vector.broadcast %shift_left3A : i32 to vector<16xi32>
        %shift_left3A_296 = arith.shli %get3A_275, %shift_left3A_295 : vector<16xi32>
        %bitcast3A = vector.bitcast %shift_left3A_296 : vector<16xi32> to vector<16xf32>
        %shift_left3A_297 = arith.constant 16 : i32
        %shift_left3A_298 = vector.broadcast %shift_left3A_297 : i32 to vector<16xi32>
        %shift_left3A_299 = arith.shli %get3A_280, %shift_left3A_298 : vector<16xi32>
        %bitcast3A_300 = vector.bitcast %shift_left3A_299 : vector<16xi32> to vector<16xf32>
        %add3A_301 = arith.addf %bitcast3A, %bitcast3A_300 : vector<16xf32>
        %shift_left3A_302 = arith.constant 16 : i32
        %shift_left3A_303 = vector.broadcast %shift_left3A_302 : i32 to vector<16xi32>
        %shift_left3A_304 = arith.shli %get3A_287, %shift_left3A_303 : vector<16xi32>
        %bitcast3A_305 = vector.bitcast %shift_left3A_304 : vector<16xi32> to vector<16xf32>
        %shift_left3A_306 = arith.constant 16 : i32
        %shift_left3A_307 = vector.broadcast %shift_left3A_306 : i32 to vector<16xi32>
        %shift_left3A_308 = arith.shli %get3A_294, %shift_left3A_307 : vector<16xi32>
        %bitcast3A_309 = vector.bitcast %shift_left3A_308 : vector<16xi32> to vector<16xf32>
        %add3A_310 = arith.addf %bitcast3A_305, %bitcast3A_309 : vector<16xf32>
        %add3A_311 = arith.addf %add3A_301, %add3A_310 : vector<16xf32>
        %bitcast3A_312 = vector.bitcast %get3A_275 : vector<16xi32> to vector<16xf32>
        %bitcast3A_313 = vector.bitcast %get3A_280 : vector<16xi32> to vector<16xf32>
        %add3A_314 = arith.addf %bitcast3A_312, %bitcast3A_313 : vector<16xf32>
        %bitcast3A_315 = vector.bitcast %get3A_287 : vector<16xi32> to vector<16xf32>
        %bitcast3A_316 = vector.bitcast %get3A_294 : vector<16xi32> to vector<16xf32>
        %add3A_317 = arith.addf %bitcast3A_315, %bitcast3A_316 : vector<16xf32>
        %add3A_318 = arith.addf %add3A_314, %add3A_317 : vector<16xf32>
        %bitcast3A_319 = vector.bitcast %add3A_311 : vector<16xf32> to vector<16xi32>
        %shift_right_logical3A = arith.constant 16 : i32
        %shift_right_logical3A_320 = vector.broadcast %shift_right_logical3A : i32 to vector<16xi32>
        %shift_right_logical3A_321 = arith.shrui %bitcast3A_319, %shift_right_logical3A_320 : vector<16xi32>
        %bitcast3A_322 = vector.bitcast %add3A_318 : vector<16xf32> to vector<16xi32>
        %and3A_323 = arith.constant -65536 : i32
        %and3A_324 = vector.broadcast %and3A_323 : i32 to vector<16xi32>
        %and3A_325 = arith.andi %bitcast3A_322, %and3A_324 : vector<16xi32>
        %or3A = arith.ori %and3A_325, %shift_right_logical3A_321 : vector<16xi32>
        tpu.vector_store_idx %arg16[%iota3A, %scan3A_273], %or3A : memref<16x128xi32, #tpu.memory_space<vmem>>[vector<16xi32>, vector<16xi32>], vector<16xi32>,
        %add3A_326 = arith.constant 1 : i32
        %add3A_327 = vector.broadcast %add3A_326 : i32 to vector<16xi32>
        %add3A_328 = arith.addi %scan3A_273, %add3A_327 : vector<16xi32>
        %scan3A_329 = arith.constant 1 : i32
        %scan3A_330 = arith.addi %scan3A_272, %scan3A_329 : i32
        %get3A_331 = arith.index_cast %scan3A_330 : i32 to index
        %get3A_332 = arith.constant 0 : index
        %get3A_333 = tpu.vector_load %arg12[%get3A_331, %get3A_332] {strides = array<i32>} : memref<128x16xi32, #tpu.memory_space<vmem>>, vector<16xi32>,
        %mul3A_334 = arith.constant 3 : i32
        %mul3A_335 = arith.muli %mul3A_334, %scan3A_330 : i32
        %get3A_336 = arith.index_cast %mul3A_335 : i32 to index
        %get3A_337 = arith.constant 0 : index
        %get3A_338 = tpu.vector_load %arg14[%get3A_336, %get3A_337] {strides = array<i32>} : memref<384x16xi32, #tpu.memory_space<vmem>>, vector<16xi32>,
        %mul3A_339 = arith.constant 3 : i32
        %mul3A_340 = arith.muli %mul3A_339, %scan3A_330 : i32
        %add3A_341 = arith.constant 1 : i32
        %add3A_342 = arith.addi %mul3A_340, %add3A_341 : i32
        %get3A_343 = arith.index_cast %add3A_342 : i32 to index
        %get3A_344 = arith.constant 0 : index
        %get3A_345 = tpu.vector_load %arg14[%get3A_343, %get3A_344] {strides = array<i32>} : memref<384x16xi32, #tpu.memory_space<vmem>>, vector<16xi32>,
        %mul3A_346 = arith.constant 3 : i32
        %mul3A_347 = arith.muli %mul3A_346, %scan3A_330 : i32
        %add3A_348 = arith.constant 2 : i32
        %add3A_349 = arith.addi %mul3A_347, %add3A_348 : i32
        %get3A_350 = arith.index_cast %add3A_349 : i32 to index
        %get3A_351 = arith.constant 0 : index
        %get3A_352 = tpu.vector_load %arg14[%get3A_350, %get3A_351] {strides = array<i32>} : memref<384x16xi32, #tpu.memory_space<vmem>>, vector<16xi32>,
        %shift_left3A_353 = arith.constant 16 : i32
        %shift_left3A_354 = vector.broadcast %shift_left3A_353 : i32 to vector<16xi32>
        %shift_left3A_355 = arith.shli %get3A_333, %shift_left3A_354 : vector<16xi32>
        %bitcast3A_356 = vector.bitcast %shift_left3A_355 : vector<16xi32> to vector<16xf32>
        %shift_left3A_357 = arith.constant 16 : i32
        %shift_left3A_358 = vector.broadcast %shift_left3A_357 : i32 to vector<16xi32>
        %shift_left3A_359 = arith.shli %get3A_338, %shift_left3A_358 : vector<16xi32>
        %bitcast3A_360 = vector.bitcast %shift_left3A_359 : vector<16xi32> to vector<16xf32>
        %add3A_361 = arith.addf %bitcast3A_356, %bitcast3A_360 : vector<16xf32>
        %shift_left3A_362 = arith.constant 16 : i32
        %shift_left3A_363 = vector.broadcast %shift_left3A_362 : i32 to vector<16xi32>
        %shift_left3A_364 = arith.shli %get3A_345, %shift_left3A_363 : vector<16xi32>
        %bitcast3A_365 = vector.bitcast %shift_left3A_364 : vector<16xi32> to vector<16xf32>
        %shift_left3A_366 = arith.constant 16 : i32
        %shift_left3A_367 = vector.broadcast %shift_left3A_366 : i32 to vector<16xi32>
        %shift_left3A_368 = arith.shli %get3A_352, %shift_left3A_367 : vector<16xi32>
        %bitcast3A_369 = vector.bitcast %shift_left3A_368 : vector<16xi32> to vector<16xf32>
        %add3A_370 = arith.addf %bitcast3A_365, %bitcast3A_369 : vector<16xf32>
        %add3A_371 = arith.addf %add3A_361, %add3A_370 : vector<16xf32>
        %bitcast3A_372 = vector.bitcast %get3A_333 : vector<16xi32> to vector<16xf32>
        %bitcast3A_373 = vector.bitcast %get3A_338 : vector<16xi32> to vector<16xf32>
        %add3A_374 = arith.addf %bitcast3A_372, %bitcast3A_373 : vector<16xf32>
        %bitcast3A_375 = vector.bitcast %get3A_345 : vector<16xi32> to vector<16xf32>
        %bitcast3A_376 = vector.bitcast %get3A_352 : vector<16xi32> to vector<16xf32>
        %add3A_377 = arith.addf %bitcast3A_375, %bitcast3A_376 : vector<16xf32>
        %add3A_378 = arith.addf %add3A_374, %add3A_377 : vector<16xf32>
        %bitcast3A_379 = vector.bitcast %add3A_371 : vector<16xf32> to vector<16xi32>
        %shift_right_logical3A_380 = arith.constant 16 : i32
        %shift_right_logical3A_381 = vector.broadcast %shift_right_logical3A_380 : i32 to vector<16xi32>
        %shift_right_logical3A_382 = arith.shrui %bitcast3A_379, %shift_right_logical3A_381 : vector<16xi32>
        %bitcast3A_383 = vector.bitcast %add3A_378 : vector<16xf32> to vector<16xi32>
        %and3A_384 = arith.constant -65536 : i32
        %and3A_385 = vector.broadcast %and3A_384 : i32 to vector<16xi32>
        %and3A_386 = arith.andi %bitcast3A_383, %and3A_385 : vector<16xi32>
        %or3A_387 = arith.ori %and3A_386, %shift_right_logical3A_382 : vector<16xi32>
        tpu.vector_store_idx %arg16[%iota3A, %add3A_328], %or3A_387 : memref<16x128xi32, #tpu.memory_space<vmem>>[vector<16xi32>, vector<16xi32>], vector<16xi32>,
        %add3A_388 = arith.constant 1 : i32
        %add3A_389 = vector.broadcast %add3A_388 : i32 to vector<16xi32>
        %add3A_390 = arith.addi %add3A_328, %add3A_389 : vector<16xi32>
        %scan3A_391 = arith.constant 2 : i32
        %scan3A_392 = arith.addi %scan3A_272, %scan3A_391 : i32
        %get3A_393 = arith.index_cast %scan3A_392 : i32 to index
        %get3A_394 = arith.constant 0 : index
        %get3A_395 = tpu.vector_load %arg12[%get3A_393, %get3A_394] {strides = array<i32>} : memref<128x16xi32, #tpu.memory_space<vmem>>, vector<16xi32>,
        %mul3A_396 = arith.constant 3 : i32
        %mul3A_397 = arith.muli %mul3A_396, %scan3A_392 : i32
        %get3A_398 = arith.index_cast %mul3A_397 : i32 to index
        %get3A_399 = arith.constant 0 : index
        %get3A_400 = tpu.vector_load %arg14[%get3A_398, %get3A_399] {strides = array<i32>} : memref<384x16xi32, #tpu.memory_space<vmem>>, vector<16xi32>,
        %mul3A_401 = arith.constant 3 : i32
        %mul3A_402 = arith.muli %mul3A_401, %scan3A_392 : i32
        %add3A_403 = arith.constant 1 : i32
        %add3A_404 = arith.addi %mul3A_402, %add3A_403 : i32
        %get3A_405 = arith.index_cast %add3A_404 : i32 to index
        %get3A_406 = arith.constant 0 : index
        %get3A_407 = tpu.vector_load %arg14[%get3A_405, %get3A_406] {strides = array<i32>} : memref<384x16xi32, #tpu.memory_space<vmem>>, vector<16xi32>,
        %mul3A_408 = arith.constant 3 : i32
        %mul3A_409 = arith.muli %mul3A_408, %scan3A_392 : i32
        %add3A_410 = arith.constant 2 : i32
        %add3A_411 = arith.addi %mul3A_409, %add3A_410 : i32
        %get3A_412 = arith.index_cast %add3A_411 : i32 to index
        %get3A_413 = arith.constant 0 : index
        %get3A_414 = tpu.vector_load %arg14[%get3A_412, %get3A_413] {strides = array<i32>} : memref<384x16xi32, #tpu.memory_space<vmem>>, vector<16xi32>,
        %shift_left3A_415 = arith.constant 16 : i32
        %shift_left3A_416 = vector.broadcast %shift_left3A_415 : i32 to vector<16xi32>
        %shift_left3A_417 = arith.shli %get3A_395, %shift_left3A_416 : vector<16xi32>
        %bitcast3A_418 = vector.bitcast %shift_left3A_417 : vector<16xi32> to vector<16xf32>
        %shift_left3A_419 = arith.constant 16 : i32
        %shift_left3A_420 = vector.broadcast %shift_left3A_419 : i32 to vector<16xi32>
        %shift_left3A_421 = arith.shli %get3A_400, %shift_left3A_420 : vector<16xi32>
        %bitcast3A_422 = vector.bitcast %shift_left3A_421 : vector<16xi32> to vector<16xf32>
        %add3A_423 = arith.addf %bitcast3A_418, %bitcast3A_422 : vector<16xf32>
        %shift_left3A_424 = arith.constant 16 : i32
        %shift_left3A_425 = vector.broadcast %shift_left3A_424 : i32 to vector<16xi32>
        %shift_left3A_426 = arith.shli %get3A_407, %shift_left3A_425 : vector<16xi32>
        %bitcast3A_427 = vector.bitcast %shift_left3A_426 : vector<16xi32> to vector<16xf32>
        %shift_left3A_428 = arith.constant 16 : i32
        %shift_left3A_429 = vector.broadcast %shift_left3A_428 : i32 to vector<16xi32>
        %shift_left3A_430 = arith.shli %get3A_414, %shift_left3A_429 : vector<16xi32>
        %bitcast3A_431 = vector.bitcast %shift_left3A_430 : vector<16xi32> to vector<16xf32>
        %add3A_432 = arith.addf %bitcast3A_427, %bitcast3A_431 : vector<16xf32>
        %add3A_433 = arith.addf %add3A_423, %add3A_432 : vector<16xf32>
        %bitcast3A_434 = vector.bitcast %get3A_395 : vector<16xi32> to vector<16xf32>
        %bitcast3A_435 = vector.bitcast %get3A_400 : vector<16xi32> to vector<16xf32>
        %add3A_436 = arith.addf %bitcast3A_434, %bitcast3A_435 : vector<16xf32>
        %bitcast3A_437 = vector.bitcast %get3A_407 : vector<16xi32> to vector<16xf32>
        %bitcast3A_438 = vector.bitcast %get3A_414 : vector<16xi32> to vector<16xf32>
        %add3A_439 = arith.addf %bitcast3A_437, %bitcast3A_438 : vector<16xf32>
        %add3A_440 = arith.addf %add3A_436, %add3A_439 : vector<16xf32>
        %bitcast3A_441 = vector.bitcast %add3A_433 : vector<16xf32> to vector<16xi32>
        %shift_right_logical3A_442 = arith.constant 16 : i32
        %shift_right_logical3A_443 = vector.broadcast %shift_right_logical3A_442 : i32 to vector<16xi32>
        %shift_right_logical3A_444 = arith.shrui %bitcast3A_441, %shift_right_logical3A_443 : vector<16xi32>
        %bitcast3A_445 = vector.bitcast %add3A_440 : vector<16xf32> to vector<16xi32>
        %and3A_446 = arith.constant -65536 : i32
        %and3A_447 = vector.broadcast %and3A_446 : i32 to vector<16xi32>
        %and3A_448 = arith.andi %bitcast3A_445, %and3A_447 : vector<16xi32>
        %or3A_449 = arith.ori %and3A_448, %shift_right_logical3A_444 : vector<16xi32>
        tpu.vector_store_idx %arg16[%iota3A, %add3A_390], %or3A_449 : memref<16x128xi32, #tpu.memory_space<vmem>>[vector<16xi32>, vector<16xi32>], vector<16xi32>,
        %add3A_450 = arith.constant 1 : i32
        %add3A_451 = vector.broadcast %add3A_450 : i32 to vector<16xi32>
        %add3A_452 = arith.addi %add3A_390, %add3A_451 : vector<16xi32>
        %scan3A_453 = arith.constant 3 : i32
        %scan3A_454 = arith.addi %scan3A_272, %scan3A_453 : i32
        %get3A_455 = arith.index_cast %scan3A_454 : i32 to index
        %get3A_456 = arith.constant 0 : index
        %get3A_457 = tpu.vector_load %arg12[%get3A_455, %get3A_456] {strides = array<i32>} : memref<128x16xi32, #tpu.memory_space<vmem>>, vector<16xi32>,
        %mul3A_458 = arith.constant 3 : i32
        %mul3A_459 = arith.muli %mul3A_458, %scan3A_454 : i32
        %get3A_460 = arith.index_cast %mul3A_459 : i32 to index
        %get3A_461 = arith.constant 0 : index
        %get3A_462 = tpu.vector_load %arg14[%get3A_460, %get3A_461] {strides = array<i32>} : memref<384x16xi32, #tpu.memory_space<vmem>>, vector<16xi32>,
        %mul3A_463 = arith.constant 3 : i32
        %mul3A_464 = arith.muli %mul3A_463, %scan3A_454 : i32
        %add3A_465 = arith.constant 1 : i32
        %add3A_466 = arith.addi %mul3A_464, %add3A_465 : i32
        %get3A_467 = arith.index_cast %add3A_466 : i32 to index
        %get3A_468 = arith.constant 0 : index
        %get3A_469 = tpu.vector_load %arg14[%get3A_467, %get3A_468] {strides = array<i32>} : memref<384x16xi32, #tpu.memory_space<vmem>>, vector<16xi32>,
        %mul3A_470 = arith.constant 3 : i32
        %mul3A_471 = arith.muli %mul3A_470, %scan3A_454 : i32
        %add3A_472 = arith.constant 2 : i32
        %add3A_473 = arith.addi %mul3A_471, %add3A_472 : i32
        %get3A_474 = arith.index_cast %add3A_473 : i32 to index
        %get3A_475 = arith.constant 0 : index
        %get3A_476 = tpu.vector_load %arg14[%get3A_474, %get3A_475] {strides = array<i32>} : memref<384x16xi32, #tpu.memory_space<vmem>>, vector<16xi32>,
        %shift_left3A_477 = arith.constant 16 : i32
        %shift_left3A_478 = vector.broadcast %shift_left3A_477 : i32 to vector<16xi32>
        %shift_left3A_479 = arith.shli %get3A_457, %shift_left3A_478 : vector<16xi32>
        %bitcast3A_480 = vector.bitcast %shift_left3A_479 : vector<16xi32> to vector<16xf32>
        %shift_left3A_481 = arith.constant 16 : i32
        %shift_left3A_482 = vector.broadcast %shift_left3A_481 : i32 to vector<16xi32>
        %shift_left3A_483 = arith.shli %get3A_462, %shift_left3A_482 : vector<16xi32>
        %bitcast3A_484 = vector.bitcast %shift_left3A_483 : vector<16xi32> to vector<16xf32>
        %add3A_485 = arith.addf %bitcast3A_480, %bitcast3A_484 : vector<16xf32>
        %shift_left3A_486 = arith.constant 16 : i32
        %shift_left3A_487 = vector.broadcast %shift_left3A_486 : i32 to vector<16xi32>
        %shift_left3A_488 = arith.shli %get3A_469, %shift_left3A_487 : vector<16xi32>
        %bitcast3A_489 = vector.bitcast %shift_left3A_488 : vector<16xi32> to vector<16xf32>
        %shift_left3A_490 = arith.constant 16 : i32
        %shift_left3A_491 = vector.broadcast %shift_left3A_490 : i32 to vector<16xi32>
        %shift_left3A_492 = arith.shli %get3A_476, %shift_left3A_491 : vector<16xi32>
        %bitcast3A_493 = vector.bitcast %shift_left3A_492 : vector<16xi32> to vector<16xf32>
        %add3A_494 = arith.addf %bitcast3A_489, %bitcast3A_493 : vector<16xf32>
        %add3A_495 = arith.addf %add3A_485, %add3A_494 : vector<16xf32>
        %bitcast3A_496 = vector.bitcast %get3A_457 : vector<16xi32> to vector<16xf32>
        %bitcast3A_497 = vector.bitcast %get3A_462 : vector<16xi32> to vector<16xf32>
        %add3A_498 = arith.addf %bitcast3A_496, %bitcast3A_497 : vector<16xf32>
        %bitcast3A_499 = vector.bitcast %get3A_469 : vector<16xi32> to vector<16xf32>
        %bitcast3A_500 = vector.bitcast %get3A_476 : vector<16xi32> to vector<16xf32>
        %add3A_501 = arith.addf %bitcast3A_499, %bitcast3A_500 : vector<16xf32>
        %add3A_502 = arith.addf %add3A_498, %add3A_501 : vector<16xf32>
        %bitcast3A_503 = vector.bitcast %add3A_495 : vector<16xf32> to vector<16xi32>
        %shift_right_logical3A_504 = arith.constant 16 : i32
        %shift_right_logical3A_505 = vector.broadcast %shift_right_logical3A_504 : i32 to vector<16xi32>
        %shift_right_logical3A_506 = arith.shrui %bitcast3A_503, %shift_right_logical3A_505 : vector<16xi32>
        %bitcast3A_507 = vector.bitcast %add3A_502 : vector<16xf32> to vector<16xi32>
        %and3A_508 = arith.constant -65536 : i32
        %and3A_509 = vector.broadcast %and3A_508 : i32 to vector<16xi32>
        %and3A_510 = arith.andi %bitcast3A_507, %and3A_509 : vector<16xi32>
        %or3A_511 = arith.ori %and3A_510, %shift_right_logical3A_506 : vector<16xi32>
        tpu.vector_store_idx %arg16[%iota3A, %add3A_452], %or3A_511 : memref<16x128xi32, #tpu.memory_space<vmem>>[vector<16xi32>, vector<16xi32>], vector<16xi32>,
        %add3A_512 = arith.constant 1 : i32
        %add3A_513 = vector.broadcast %add3A_512 : i32 to vector<16xi32>
        %add3A_514 = arith.addi %add3A_452, %add3A_513 : vector<16xi32>
        %scan3A_515 = arith.constant 4 : i32
        %scan3A_516 = arith.addi %scan3A_272, %scan3A_515 : i32
        %get3A_517 = arith.index_cast %scan3A_516 : i32 to index
        %get3A_518 = arith.constant 0 : index
        %get3A_519 = tpu.vector_load %arg12[%get3A_517, %get3A_518] {strides = array<i32>} : memref<128x16xi32, #tpu.memory_space<vmem>>, vector<16xi32>,
        %mul3A_520 = arith.constant 3 : i32
        %mul3A_521 = arith.muli %mul3A_520, %scan3A_516 : i32
        %get3A_522 = arith.index_cast %mul3A_521 : i32 to index
        %get3A_523 = arith.constant 0 : index
        %get3A_524 = tpu.vector_load %arg14[%get3A_522, %get3A_523] {strides = array<i32>} : memref<384x16xi32, #tpu.memory_space<vmem>>, vector<16xi32>,
        %mul3A_525 = arith.constant 3 : i32
        %mul3A_526 = arith.muli %mul3A_525, %scan3A_516 : i32
        %add3A_527 = arith.constant 1 : i32
        %add3A_528 = arith.addi %mul3A_526, %add3A_527 : i32
        %get3A_529 = arith.index_cast %add3A_528 : i32 to index
        %get3A_530 = arith.constant 0 : index
        %get3A_531 = tpu.vector_load %arg14[%get3A_529, %get3A_530] {strides = array<i32>} : memref<384x16xi32, #tpu.memory_space<vmem>>, vector<16xi32>,
        %mul3A_532 = arith.constant 3 : i32
        %mul3A_533 = arith.muli %mul3A_532, %scan3A_516 : i32
        %add3A_534 = arith.constant 2 : i32
        %add3A_535 = arith.addi %mul3A_533, %add3A_534 : i32
        %get3A_536 = arith.index_cast %add3A_535 : i32 to index
        %get3A_537 = arith.constant 0 : index
        %get3A_538 = tpu.vector_load %arg14[%get3A_536, %get3A_537] {strides = array<i32>} : memref<384x16xi32, #tpu.memory_space<vmem>>, vector<16xi32>,
        %shift_left3A_539 = arith.constant 16 : i32
        %shift_left3A_540 = vector.broadcast %shift_left3A_539 : i32 to vector<16xi32>
        %shift_left3A_541 = arith.shli %get3A_519, %shift_left3A_540 : vector<16xi32>
        %bitcast3A_542 = vector.bitcast %shift_left3A_541 : vector<16xi32> to vector<16xf32>
        %shift_left3A_543 = arith.constant 16 : i32
        %shift_left3A_544 = vector.broadcast %shift_left3A_543 : i32 to vector<16xi32>
        %shift_left3A_545 = arith.shli %get3A_524, %shift_left3A_544 : vector<16xi32>
        %bitcast3A_546 = vector.bitcast %shift_left3A_545 : vector<16xi32> to vector<16xf32>
        %add3A_547 = arith.addf %bitcast3A_542, %bitcast3A_546 : vector<16xf32>
        %shift_left3A_548 = arith.constant 16 : i32
        %shift_left3A_549 = vector.broadcast %shift_left3A_548 : i32 to vector<16xi32>
        %shift_left3A_550 = arith.shli %get3A_531, %shift_left3A_549 : vector<16xi32>
        %bitcast3A_551 = vector.bitcast %shift_left3A_550 : vector<16xi32> to vector<16xf32>
        %shift_left3A_552 = arith.constant 16 : i32
        %shift_left3A_553 = vector.broadcast %shift_left3A_552 : i32 to vector<16xi32>
        %shift_left3A_554 = arith.shli %get3A_538, %shift_left3A_553 : vector<16xi32>
        %bitcast3A_555 = vector.bitcast %shift_left3A_554 : vector<16xi32> to vector<16xf32>
        %add3A_556 = arith.addf %bitcast3A_551, %bitcast3A_555 : vector<16xf32>
        %add3A_557 = arith.addf %add3A_547, %add3A_556 : vector<16xf32>
        %bitcast3A_558 = vector.bitcast %get3A_519 : vector<16xi32> to vector<16xf32>
        %bitcast3A_559 = vector.bitcast %get3A_524 : vector<16xi32> to vector<16xf32>
        %add3A_560 = arith.addf %bitcast3A_558, %bitcast3A_559 : vector<16xf32>
        %bitcast3A_561 = vector.bitcast %get3A_531 : vector<16xi32> to vector<16xf32>
        %bitcast3A_562 = vector.bitcast %get3A_538 : vector<16xi32> to vector<16xf32>
        %add3A_563 = arith.addf %bitcast3A_561, %bitcast3A_562 : vector<16xf32>
        %add3A_564 = arith.addf %add3A_560, %add3A_563 : vector<16xf32>
        %bitcast3A_565 = vector.bitcast %add3A_557 : vector<16xf32> to vector<16xi32>
        %shift_right_logical3A_566 = arith.constant 16 : i32
        %shift_right_logical3A_567 = vector.broadcast %shift_right_logical3A_566 : i32 to vector<16xi32>
        %shift_right_logical3A_568 = arith.shrui %bitcast3A_565, %shift_right_logical3A_567 : vector<16xi32>
        %bitcast3A_569 = vector.bitcast %add3A_564 : vector<16xf32> to vector<16xi32>
        %and3A_570 = arith.constant -65536 : i32
        %and3A_571 = vector.broadcast %and3A_570 : i32 to vector<16xi32>
        %and3A_572 = arith.andi %bitcast3A_569, %and3A_571 : vector<16xi32>
        %or3A_573 = arith.ori %and3A_572, %shift_right_logical3A_568 : vector<16xi32>
        tpu.vector_store_idx %arg16[%iota3A, %add3A_514], %or3A_573 : memref<16x128xi32, #tpu.memory_space<vmem>>[vector<16xi32>, vector<16xi32>], vector<16xi32>,
        %add3A_574 = arith.constant 1 : i32
        %add3A_575 = vector.broadcast %add3A_574 : i32 to vector<16xi32>
        %add3A_576 = arith.addi %add3A_514, %add3A_575 : vector<16xi32>
        %scan3A_577 = arith.constant 5 : i32
        %scan3A_578 = arith.addi %scan3A_272, %scan3A_577 : i32
        %get3A_579 = arith.index_cast %scan3A_578 : i32 to index
        %get3A_580 = arith.constant 0 : index
        %get3A_581 = tpu.vector_load %arg12[%get3A_579, %get3A_580] {strides = array<i32>} : memref<128x16xi32, #tpu.memory_space<vmem>>, vector<16xi32>,
        %mul3A_582 = arith.constant 3 : i32
        %mul3A_583 = arith.muli %mul3A_582, %scan3A_578 : i32
        %get3A_584 = arith.index_cast %mul3A_583 : i32 to index
        %get3A_585 = arith.constant 0 : index
        %get3A_586 = tpu.vector_load %arg14[%get3A_584, %get3A_585] {strides = array<i32>} : memref<384x16xi32, #tpu.memory_space<vmem>>, vector<16xi32>,
        %mul3A_587 = arith.constant 3 : i32
        %mul3A_588 = arith.muli %mul3A_587, %scan3A_578 : i32
        %add3A_589 = arith.constant 1 : i32
        %add3A_590 = arith.addi %mul3A_588, %add3A_589 : i32
        %get3A_591 = arith.index_cast %add3A_590 : i32 to index
        %get3A_592 = arith.constant 0 : index
        %get3A_593 = tpu.vector_load %arg14[%get3A_591, %get3A_592] {strides = array<i32>} : memref<384x16xi32, #tpu.memory_space<vmem>>, vector<16xi32>,
        %mul3A_594 = arith.constant 3 : i32
        %mul3A_595 = arith.muli %mul3A_594, %scan3A_578 : i32
        %add3A_596 = arith.constant 2 : i32
        %add3A_597 = arith.addi %mul3A_595, %add3A_596 : i32
        %get3A_598 = arith.index_cast %add3A_597 : i32 to index
        %get3A_599 = arith.constant 0 : index
        %get3A_600 = tpu.vector_load %arg14[%get3A_598, %get3A_599] {strides = array<i32>} : memref<384x16xi32, #tpu.memory_space<vmem>>, vector<16xi32>,
        %shift_left3A_601 = arith.constant 16 : i32
        %shift_left3A_602 = vector.broadcast %shift_left3A_601 : i32 to vector<16xi32>
        %shift_left3A_603 = arith.shli %get3A_581, %shift_left3A_602 : vector<16xi32>
        %bitcast3A_604 = vector.bitcast %shift_left3A_603 : vector<16xi32> to vector<16xf32>
        %shift_left3A_605 = arith.constant 16 : i32
        %shift_left3A_606 = vector.broadcast %shift_left3A_605 : i32 to vector<16xi32>
        %shift_left3A_607 = arith.shli %get3A_586, %shift_left3A_606 : vector<16xi32>
        %bitcast3A_608 = vector.bitcast %shift_left3A_607 : vector<16xi32> to vector<16xf32>
        %add3A_609 = arith.addf %bitcast3A_604, %bitcast3A_608 : vector<16xf32>
        %shift_left3A_610 = arith.constant 16 : i32
        %shift_left3A_611 = vector.broadcast %shift_left3A_610 : i32 to vector<16xi32>
        %shift_left3A_612 = arith.shli %get3A_593, %shift_left3A_611 : vector<16xi32>
        %bitcast3A_613 = vector.bitcast %shift_left3A_612 : vector<16xi32> to vector<16xf32>
        %shift_left3A_614 = arith.constant 16 : i32
        %shift_left3A_615 = vector.broadcast %shift_left3A_614 : i32 to vector<16xi32>
        %shift_left3A_616 = arith.shli %get3A_600, %shift_left3A_615 : vector<16xi32>
        %bitcast3A_617 = vector.bitcast %shift_left3A_616 : vector<16xi32> to vector<16xf32>
        %add3A_618 = arith.addf %bitcast3A_613, %bitcast3A_617 : vector<16xf32>
        %add3A_619 = arith.addf %add3A_609, %add3A_618 : vector<16xf32>
        %bitcast3A_620 = vector.bitcast %get3A_581 : vector<16xi32> to vector<16xf32>
        %bitcast3A_621 = vector.bitcast %get3A_586 : vector<16xi32> to vector<16xf32>
        %add3A_622 = arith.addf %bitcast3A_620, %bitcast3A_621 : vector<16xf32>
        %bitcast3A_623 = vector.bitcast %get3A_593 : vector<16xi32> to vector<16xf32>
        %bitcast3A_624 = vector.bitcast %get3A_600 : vector<16xi32> to vector<16xf32>
        %add3A_625 = arith.addf %bitcast3A_623, %bitcast3A_624 : vector<16xf32>
        %add3A_626 = arith.addf %add3A_622, %add3A_625 : vector<16xf32>
        %bitcast3A_627 = vector.bitcast %add3A_619 : vector<16xf32> to vector<16xi32>
        %shift_right_logical3A_628 = arith.constant 16 : i32
        %shift_right_logical3A_629 = vector.broadcast %shift_right_logical3A_628 : i32 to vector<16xi32>
        %shift_right_logical3A_630 = arith.shrui %bitcast3A_627, %shift_right_logical3A_629 : vector<16xi32>
        %bitcast3A_631 = vector.bitcast %add3A_626 : vector<16xf32> to vector<16xi32>
        %and3A_632 = arith.constant -65536 : i32
        %and3A_633 = vector.broadcast %and3A_632 : i32 to vector<16xi32>
        %and3A_634 = arith.andi %bitcast3A_631, %and3A_633 : vector<16xi32>
        %or3A_635 = arith.ori %and3A_634, %shift_right_logical3A_630 : vector<16xi32>
        tpu.vector_store_idx %arg16[%iota3A, %add3A_576], %or3A_635 : memref<16x128xi32, #tpu.memory_space<vmem>>[vector<16xi32>, vector<16xi32>], vector<16xi32>,
        %add3A_636 = arith.constant 1 : i32
        %add3A_637 = vector.broadcast %add3A_636 : i32 to vector<16xi32>
        %add3A_638 = arith.addi %add3A_576, %add3A_637 : vector<16xi32>
        %scan3A_639 = arith.constant 6 : i32
        %scan3A_640 = arith.addi %scan3A_272, %scan3A_639 : i32
        %get3A_641 = arith.index_cast %scan3A_640 : i32 to index
        %get3A_642 = arith.constant 0 : index
        %get3A_643 = tpu.vector_load %arg12[%get3A_641, %get3A_642] {strides = array<i32>} : memref<128x16xi32, #tpu.memory_space<vmem>>, vector<16xi32>,
        %mul3A_644 = arith.constant 3 : i32
        %mul3A_645 = arith.muli %mul3A_644, %scan3A_640 : i32
        %get3A_646 = arith.index_cast %mul3A_645 : i32 to index
        %get3A_647 = arith.constant 0 : index
        %get3A_648 = tpu.vector_load %arg14[%get3A_646, %get3A_647] {strides = array<i32>} : memref<384x16xi32, #tpu.memory_space<vmem>>, vector<16xi32>,
        %mul3A_649 = arith.constant 3 : i32
        %mul3A_650 = arith.muli %mul3A_649, %scan3A_640 : i32
        %add3A_651 = arith.constant 1 : i32
        %add3A_652 = arith.addi %mul3A_650, %add3A_651 : i32
        %get3A_653 = arith.index_cast %add3A_652 : i32 to index
        %get3A_654 = arith.constant 0 : index
        %get3A_655 = tpu.vector_load %arg14[%get3A_653, %get3A_654] {strides = array<i32>} : memref<384x16xi32, #tpu.memory_space<vmem>>, vector<16xi32>,
        %mul3A_656 = arith.constant 3 : i32
        %mul3A_657 = arith.muli %mul3A_656, %scan3A_640 : i32
        %add3A_658 = arith.constant 2 : i32
        %add3A_659 = arith.addi %mul3A_657, %add3A_658 : i32
        %get3A_660 = arith.index_cast %add3A_659 : i32 to index
        %get3A_661 = arith.constant 0 : index
        %get3A_662 = tpu.vector_load %arg14[%get3A_660, %get3A_661] {strides = array<i32>} : memref<384x16xi32, #tpu.memory_space<vmem>>, vector<16xi32>,
        %shift_left3A_663 = arith.constant 16 : i32
        %shift_left3A_664 = vector.broadcast %shift_left3A_663 : i32 to vector<16xi32>
        %shift_left3A_665 = arith.shli %get3A_643, %shift_left3A_664 : vector<16xi32>
        %bitcast3A_666 = vector.bitcast %shift_left3A_665 : vector<16xi32> to vector<16xf32>
        %shift_left3A_667 = arith.constant 16 : i32
        %shift_left3A_668 = vector.broadcast %shift_left3A_667 : i32 to vector<16xi32>
        %shift_left3A_669 = arith.shli %get3A_648, %shift_left3A_668 : vector<16xi32>
        %bitcast3A_670 = vector.bitcast %shift_left3A_669 : vector<16xi32> to vector<16xf32>
        %add3A_671 = arith.addf %bitcast3A_666, %bitcast3A_670 : vector<16xf32>
        %shift_left3A_672 = arith.constant 16 : i32
        %shift_left3A_673 = vector.broadcast %shift_left3A_672 : i32 to vector<16xi32>
        %shift_left3A_674 = arith.shli %get3A_655, %shift_left3A_673 : vector<16xi32>
        %bitcast3A_675 = vector.bitcast %shift_left3A_674 : vector<16xi32> to vector<16xf32>
        %shift_left3A_676 = arith.constant 16 : i32
        %shift_left3A_677 = vector.broadcast %shift_left3A_676 : i32 to vector<16xi32>
        %shift_left3A_678 = arith.shli %get3A_662, %shift_left3A_677 : vector<16xi32>
        %bitcast3A_679 = vector.bitcast %shift_left3A_678 : vector<16xi32> to vector<16xf32>
        %add3A_680 = arith.addf %bitcast3A_675, %bitcast3A_679 : vector<16xf32>
        %add3A_681 = arith.addf %add3A_671, %add3A_680 : vector<16xf32>
        %bitcast3A_682 = vector.bitcast %get3A_643 : vector<16xi32> to vector<16xf32>
        %bitcast3A_683 = vector.bitcast %get3A_648 : vector<16xi32> to vector<16xf32>
        %add3A_684 = arith.addf %bitcast3A_682, %bitcast3A_683 : vector<16xf32>
        %bitcast3A_685 = vector.bitcast %get3A_655 : vector<16xi32> to vector<16xf32>
        %bitcast3A_686 = vector.bitcast %get3A_662 : vector<16xi32> to vector<16xf32>
        %add3A_687 = arith.addf %bitcast3A_685, %bitcast3A_686 : vector<16xf32>
        %add3A_688 = arith.addf %add3A_684, %add3A_687 : vector<16xf32>
        %bitcast3A_689 = vector.bitcast %add3A_681 : vector<16xf32> to vector<16xi32>
        %shift_right_logical3A_690 = arith.constant 16 : i32
        %shift_right_logical3A_691 = vector.broadcast %shift_right_logical3A_690 : i32 to vector<16xi32>
        %shift_right_logical3A_692 = arith.shrui %bitcast3A_689, %shift_right_logical3A_691 : vector<16xi32>
        %bitcast3A_693 = vector.bitcast %add3A_688 : vector<16xf32> to vector<16xi32>
        %and3A_694 = arith.constant -65536 : i32
        %and3A_695 = vector.broadcast %and3A_694 : i32 to vector<16xi32>
        %and3A_696 = arith.andi %bitcast3A_693, %and3A_695 : vector<16xi32>
        %or3A_697 = arith.ori %and3A_696, %shift_right_logical3A_692 : vector<16xi32>
        tpu.vector_store_idx %arg16[%iota3A, %add3A_638], %or3A_697 : memref<16x128xi32, #tpu.memory_space<vmem>>[vector<16xi32>, vector<16xi32>], vector<16xi32>,
        %add3A_698 = arith.constant 1 : i32
        %add3A_699 = vector.broadcast %add3A_698 : i32 to vector<16xi32>
        %add3A_700 = arith.addi %add3A_638, %add3A_699 : vector<16xi32>
        %scan3A_701 = arith.constant 7 : i32
        %scan3A_702 = arith.addi %scan3A_272, %scan3A_701 : i32
        %get3A_703 = arith.index_cast %scan3A_702 : i32 to index
        %get3A_704 = arith.constant 0 : index
        %get3A_705 = tpu.vector_load %arg12[%get3A_703, %get3A_704] {strides = array<i32>} : memref<128x16xi32, #tpu.memory_space<vmem>>, vector<16xi32>,
        %mul3A_706 = arith.constant 3 : i32
        %mul3A_707 = arith.muli %mul3A_706, %scan3A_702 : i32
        %get3A_708 = arith.index_cast %mul3A_707 : i32 to index
        %get3A_709 = arith.constant 0 : index
        %get3A_710 = tpu.vector_load %arg14[%get3A_708, %get3A_709] {strides = array<i32>} : memref<384x16xi32, #tpu.memory_space<vmem>>, vector<16xi32>,
        %mul3A_711 = arith.constant 3 : i32
        %mul3A_712 = arith.muli %mul3A_711, %scan3A_702 : i32
        %add3A_713 = arith.constant 1 : i32
        %add3A_714 = arith.addi %mul3A_712, %add3A_713 : i32
        %get3A_715 = arith.index_cast %add3A_714 : i32 to index
        %get3A_716 = arith.constant 0 : index
        %get3A_717 = tpu.vector_load %arg14[%get3A_715, %get3A_716] {strides = array<i32>} : memref<384x16xi32, #tpu.memory_space<vmem>>, vector<16xi32>,
        %mul3A_718 = arith.constant 3 : i32
        %mul3A_719 = arith.muli %mul3A_718, %scan3A_702 : i32
        %add3A_720 = arith.constant 2 : i32
        %add3A_721 = arith.addi %mul3A_719, %add3A_720 : i32
        %get3A_722 = arith.index_cast %add3A_721 : i32 to index
        %get3A_723 = arith.constant 0 : index
        %get3A_724 = tpu.vector_load %arg14[%get3A_722, %get3A_723] {strides = array<i32>} : memref<384x16xi32, #tpu.memory_space<vmem>>, vector<16xi32>,
        %shift_left3A_725 = arith.constant 16 : i32
        %shift_left3A_726 = vector.broadcast %shift_left3A_725 : i32 to vector<16xi32>
        %shift_left3A_727 = arith.shli %get3A_705, %shift_left3A_726 : vector<16xi32>
        %bitcast3A_728 = vector.bitcast %shift_left3A_727 : vector<16xi32> to vector<16xf32>
        %shift_left3A_729 = arith.constant 16 : i32
        %shift_left3A_730 = vector.broadcast %shift_left3A_729 : i32 to vector<16xi32>
        %shift_left3A_731 = arith.shli %get3A_710, %shift_left3A_730 : vector<16xi32>
        %bitcast3A_732 = vector.bitcast %shift_left3A_731 : vector<16xi32> to vector<16xf32>
        %add3A_733 = arith.addf %bitcast3A_728, %bitcast3A_732 : vector<16xf32>
        %shift_left3A_734 = arith.constant 16 : i32
        %shift_left3A_735 = vector.broadcast %shift_left3A_734 : i32 to vector<16xi32>
        %shift_left3A_736 = arith.shli %get3A_717, %shift_left3A_735 : vector<16xi32>
        %bitcast3A_737 = vector.bitcast %shift_left3A_736 : vector<16xi32> to vector<16xf32>
        %shift_left3A_738 = arith.constant 16 : i32
        %shift_left3A_739 = vector.broadcast %shift_left3A_738 : i32 to vector<16xi32>
        %shift_left3A_740 = arith.shli %get3A_724, %shift_left3A_739 : vector<16xi32>
        %bitcast3A_741 = vector.bitcast %shift_left3A_740 : vector<16xi32> to vector<16xf32>
        %add3A_742 = arith.addf %bitcast3A_737, %bitcast3A_741 : vector<16xf32>
        %add3A_743 = arith.addf %add3A_733, %add3A_742 : vector<16xf32>
        %bitcast3A_744 = vector.bitcast %get3A_705 : vector<16xi32> to vector<16xf32>
        %bitcast3A_745 = vector.bitcast %get3A_710 : vector<16xi32> to vector<16xf32>
        %add3A_746 = arith.addf %bitcast3A_744, %bitcast3A_745 : vector<16xf32>
        %bitcast3A_747 = vector.bitcast %get3A_717 : vector<16xi32> to vector<16xf32>
        %bitcast3A_748 = vector.bitcast %get3A_724 : vector<16xi32> to vector<16xf32>
        %add3A_749 = arith.addf %bitcast3A_747, %bitcast3A_748 : vector<16xf32>
        %add3A_750 = arith.addf %add3A_746, %add3A_749 : vector<16xf32>
        %bitcast3A_751 = vector.bitcast %add3A_743 : vector<16xf32> to vector<16xi32>
        %shift_right_logical3A_752 = arith.constant 16 : i32
        %shift_right_logical3A_753 = vector.broadcast %shift_right_logical3A_752 : i32 to vector<16xi32>
        %shift_right_logical3A_754 = arith.shrui %bitcast3A_751, %shift_right_logical3A_753 : vector<16xi32>
        %bitcast3A_755 = vector.bitcast %add3A_750 : vector<16xf32> to vector<16xi32>
        %and3A_756 = arith.constant -65536 : i32
        %and3A_757 = vector.broadcast %and3A_756 : i32 to vector<16xi32>
        %and3A_758 = arith.andi %bitcast3A_755, %and3A_757 : vector<16xi32>
        %or3A_759 = arith.ori %and3A_758, %shift_right_logical3A_754 : vector<16xi32>
        tpu.vector_store_idx %arg16[%iota3A, %add3A_700], %or3A_759 : memref<16x128xi32, #tpu.memory_space<vmem>>[vector<16xi32>, vector<16xi32>], vector<16xi32>,
        %add3A_760 = arith.constant 1 : i32
        %add3A_761 = vector.broadcast %add3A_760 : i32 to vector<16xi32>
        %add3A_762 = arith.addi %add3A_700, %add3A_761 : vector<16xi32>
        %scan3A_763 = arith.constant 8 : i32
        %scan3A_764 = arith.addi %scan3A_272, %scan3A_763 : i32
        %get3A_765 = arith.index_cast %scan3A_764 : i32 to index
        %get3A_766 = arith.constant 0 : index
        %get3A_767 = tpu.vector_load %arg12[%get3A_765, %get3A_766] {strides = array<i32>} : memref<128x16xi32, #tpu.memory_space<vmem>>, vector<16xi32>,
        %mul3A_768 = arith.constant 3 : i32
        %mul3A_769 = arith.muli %mul3A_768, %scan3A_764 : i32
        %get3A_770 = arith.index_cast %mul3A_769 : i32 to index
        %get3A_771 = arith.constant 0 : index
        %get3A_772 = tpu.vector_load %arg14[%get3A_770, %get3A_771] {strides = array<i32>} : memref<384x16xi32, #tpu.memory_space<vmem>>, vector<16xi32>,
        %mul3A_773 = arith.constant 3 : i32
        %mul3A_774 = arith.muli %mul3A_773, %scan3A_764 : i32
        %add3A_775 = arith.constant 1 : i32
        %add3A_776 = arith.addi %mul3A_774, %add3A_775 : i32
        %get3A_777 = arith.index_cast %add3A_776 : i32 to index
        %get3A_778 = arith.constant 0 : index
        %get3A_779 = tpu.vector_load %arg14[%get3A_777, %get3A_778] {strides = array<i32>} : memref<384x16xi32, #tpu.memory_space<vmem>>, vector<16xi32>,
        %mul3A_780 = arith.constant 3 : i32
        %mul3A_781 = arith.muli %mul3A_780, %scan3A_764 : i32
        %add3A_782 = arith.constant 2 : i32
        %add3A_783 = arith.addi %mul3A_781, %add3A_782 : i32
        %get3A_784 = arith.index_cast %add3A_783 : i32 to index
        %get3A_785 = arith.constant 0 : index
        %get3A_786 = tpu.vector_load %arg14[%get3A_784, %get3A_785] {strides = array<i32>} : memref<384x16xi32, #tpu.memory_space<vmem>>, vector<16xi32>,
        %shift_left3A_787 = arith.constant 16 : i32
        %shift_left3A_788 = vector.broadcast %shift_left3A_787 : i32 to vector<16xi32>
        %shift_left3A_789 = arith.shli %get3A_767, %shift_left3A_788 : vector<16xi32>
        %bitcast3A_790 = vector.bitcast %shift_left3A_789 : vector<16xi32> to vector<16xf32>
        %shift_left3A_791 = arith.constant 16 : i32
        %shift_left3A_792 = vector.broadcast %shift_left3A_791 : i32 to vector<16xi32>
        %shift_left3A_793 = arith.shli %get3A_772, %shift_left3A_792 : vector<16xi32>
        %bitcast3A_794 = vector.bitcast %shift_left3A_793 : vector<16xi32> to vector<16xf32>
        %add3A_795 = arith.addf %bitcast3A_790, %bitcast3A_794 : vector<16xf32>
        %shift_left3A_796 = arith.constant 16 : i32
        %shift_left3A_797 = vector.broadcast %shift_left3A_796 : i32 to vector<16xi32>
        %shift_left3A_798 = arith.shli %get3A_779, %shift_left3A_797 : vector<16xi32>
        %bitcast3A_799 = vector.bitcast %shift_left3A_798 : vector<16xi32> to vector<16xf32>
        %shift_left3A_800 = arith.constant 16 : i32
        %shift_left3A_801 = vector.broadcast %shift_left3A_800 : i32 to vector<16xi32>
        %shift_left3A_802 = arith.shli %get3A_786, %shift_left3A_801 : vector<16xi32>
        %bitcast3A_803 = vector.bitcast %shift_left3A_802 : vector<16xi32> to vector<16xf32>
        %add3A_804 = arith.addf %bitcast3A_799, %bitcast3A_803 : vector<16xf32>
        %add3A_805 = arith.addf %add3A_795, %add3A_804 : vector<16xf32>
        %bitcast3A_806 = vector.bitcast %get3A_767 : vector<16xi32> to vector<16xf32>
        %bitcast3A_807 = vector.bitcast %get3A_772 : vector<16xi32> to vector<16xf32>
        %add3A_808 = arith.addf %bitcast3A_806, %bitcast3A_807 : vector<16xf32>
        %bitcast3A_809 = vector.bitcast %get3A_779 : vector<16xi32> to vector<16xf32>
        %bitcast3A_810 = vector.bitcast %get3A_786 : vector<16xi32> to vector<16xf32>
        %add3A_811 = arith.addf %bitcast3A_809, %bitcast3A_810 : vector<16xf32>
        %add3A_812 = arith.addf %add3A_808, %add3A_811 : vector<16xf32>
        %bitcast3A_813 = vector.bitcast %add3A_805 : vector<16xf32> to vector<16xi32>
        %shift_right_logical3A_814 = arith.constant 16 : i32
        %shift_right_logical3A_815 = vector.broadcast %shift_right_logical3A_814 : i32 to vector<16xi32>
        %shift_right_logical3A_816 = arith.shrui %bitcast3A_813, %shift_right_logical3A_815 : vector<16xi32>
        %bitcast3A_817 = vector.bitcast %add3A_812 : vector<16xf32> to vector<16xi32>
        %and3A_818 = arith.constant -65536 : i32
        %and3A_819 = vector.broadcast %and3A_818 : i32 to vector<16xi32>
        %and3A_820 = arith.andi %bitcast3A_817, %and3A_819 : vector<16xi32>
        %or3A_821 = arith.ori %and3A_820, %shift_right_logical3A_816 : vector<16xi32>
        tpu.vector_store_idx %arg16[%iota3A, %add3A_762], %or3A_821 : memref<16x128xi32, #tpu.memory_space<vmem>>[vector<16xi32>, vector<16xi32>], vector<16xi32>,
        %add3A_822 = arith.constant 1 : i32
        %add3A_823 = vector.broadcast %add3A_822 : i32 to vector<16xi32>
        %add3A_824 = arith.addi %add3A_762, %add3A_823 : vector<16xi32>
        %scan3A_825 = arith.constant 9 : i32
        %scan3A_826 = arith.addi %scan3A_272, %scan3A_825 : i32
        %get3A_827 = arith.index_cast %scan3A_826 : i32 to index
        %get3A_828 = arith.constant 0 : index
        %get3A_829 = tpu.vector_load %arg12[%get3A_827, %get3A_828] {strides = array<i32>} : memref<128x16xi32, #tpu.memory_space<vmem>>, vector<16xi32>,
        %mul3A_830 = arith.constant 3 : i32
        %mul3A_831 = arith.muli %mul3A_830, %scan3A_826 : i32
        %get3A_832 = arith.index_cast %mul3A_831 : i32 to index
        %get3A_833 = arith.constant 0 : index
        %get3A_834 = tpu.vector_load %arg14[%get3A_832, %get3A_833] {strides = array<i32>} : memref<384x16xi32, #tpu.memory_space<vmem>>, vector<16xi32>,
        %mul3A_835 = arith.constant 3 : i32
        %mul3A_836 = arith.muli %mul3A_835, %scan3A_826 : i32
        %add3A_837 = arith.constant 1 : i32
        %add3A_838 = arith.addi %mul3A_836, %add3A_837 : i32
        %get3A_839 = arith.index_cast %add3A_838 : i32 to index
        %get3A_840 = arith.constant 0 : index
        %get3A_841 = tpu.vector_load %arg14[%get3A_839, %get3A_840] {strides = array<i32>} : memref<384x16xi32, #tpu.memory_space<vmem>>, vector<16xi32>,
        %mul3A_842 = arith.constant 3 : i32
        %mul3A_843 = arith.muli %mul3A_842, %scan3A_826 : i32
        %add3A_844 = arith.constant 2 : i32
        %add3A_845 = arith.addi %mul3A_843, %add3A_844 : i32
        %get3A_846 = arith.index_cast %add3A_845 : i32 to index
        %get3A_847 = arith.constant 0 : index
        %get3A_848 = tpu.vector_load %arg14[%get3A_846, %get3A_847] {strides = array<i32>} : memref<384x16xi32, #tpu.memory_space<vmem>>, vector<16xi32>,
        %shift_left3A_849 = arith.constant 16 : i32
        %shift_left3A_850 = vector.broadcast %shift_left3A_849 : i32 to vector<16xi32>
        %shift_left3A_851 = arith.shli %get3A_829, %shift_left3A_850 : vector<16xi32>
        %bitcast3A_852 = vector.bitcast %shift_left3A_851 : vector<16xi32> to vector<16xf32>
        %shift_left3A_853 = arith.constant 16 : i32
        %shift_left3A_854 = vector.broadcast %shift_left3A_853 : i32 to vector<16xi32>
        %shift_left3A_855 = arith.shli %get3A_834, %shift_left3A_854 : vector<16xi32>
        %bitcast3A_856 = vector.bitcast %shift_left3A_855 : vector<16xi32> to vector<16xf32>
        %add3A_857 = arith.addf %bitcast3A_852, %bitcast3A_856 : vector<16xf32>
        %shift_left3A_858 = arith.constant 16 : i32
        %shift_left3A_859 = vector.broadcast %shift_left3A_858 : i32 to vector<16xi32>
        %shift_left3A_860 = arith.shli %get3A_841, %shift_left3A_859 : vector<16xi32>
        %bitcast3A_861 = vector.bitcast %shift_left3A_860 : vector<16xi32> to vector<16xf32>
        %shift_left3A_862 = arith.constant 16 : i32
        %shift_left3A_863 = vector.broadcast %shift_left3A_862 : i32 to vector<16xi32>
        %shift_left3A_864 = arith.shli %get3A_848, %shift_left3A_863 : vector<16xi32>
        %bitcast3A_865 = vector.bitcast %shift_left3A_864 : vector<16xi32> to vector<16xf32>
        %add3A_866 = arith.addf %bitcast3A_861, %bitcast3A_865 : vector<16xf32>
        %add3A_867 = arith.addf %add3A_857, %add3A_866 : vector<16xf32>
        %bitcast3A_868 = vector.bitcast %get3A_829 : vector<16xi32> to vector<16xf32>
        %bitcast3A_869 = vector.bitcast %get3A_834 : vector<16xi32> to vector<16xf32>
        %add3A_870 = arith.addf %bitcast3A_868, %bitcast3A_869 : vector<16xf32>
        %bitcast3A_871 = vector.bitcast %get3A_841 : vector<16xi32> to vector<16xf32>
        %bitcast3A_872 = vector.bitcast %get3A_848 : vector<16xi32> to vector<16xf32>
        %add3A_873 = arith.addf %bitcast3A_871, %bitcast3A_872 : vector<16xf32>
        %add3A_874 = arith.addf %add3A_870, %add3A_873 : vector<16xf32>
        %bitcast3A_875 = vector.bitcast %add3A_867 : vector<16xf32> to vector<16xi32>
        %shift_right_logical3A_876 = arith.constant 16 : i32
        %shift_right_logical3A_877 = vector.broadcast %shift_right_logical3A_876 : i32 to vector<16xi32>
        %shift_right_logical3A_878 = arith.shrui %bitcast3A_875, %shift_right_logical3A_877 : vector<16xi32>
        %bitcast3A_879 = vector.bitcast %add3A_874 : vector<16xf32> to vector<16xi32>
        %and3A_880 = arith.constant -65536 : i32
        %and3A_881 = vector.broadcast %and3A_880 : i32 to vector<16xi32>
        %and3A_882 = arith.andi %bitcast3A_879, %and3A_881 : vector<16xi32>
        %or3A_883 = arith.ori %and3A_882, %shift_right_logical3A_878 : vector<16xi32>
        tpu.vector_store_idx %arg16[%iota3A, %add3A_824], %or3A_883 : memref<16x128xi32, #tpu.memory_space<vmem>>[vector<16xi32>, vector<16xi32>], vector<16xi32>,
        %add3A_884 = arith.constant 1 : i32
        %add3A_885 = vector.broadcast %add3A_884 : i32 to vector<16xi32>
        %add3A_886 = arith.addi %add3A_824, %add3A_885 : vector<16xi32>
        %scan3A_887 = arith.constant 10 : i32
        %scan3A_888 = arith.addi %scan3A_272, %scan3A_887 : i32
        %get3A_889 = arith.index_cast %scan3A_888 : i32 to index
        %get3A_890 = arith.constant 0 : index
        %get3A_891 = tpu.vector_load %arg12[%get3A_889, %get3A_890] {strides = array<i32>} : memref<128x16xi32, #tpu.memory_space<vmem>>, vector<16xi32>,
        %mul3A_892 = arith.constant 3 : i32
        %mul3A_893 = arith.muli %mul3A_892, %scan3A_888 : i32
        %get3A_894 = arith.index_cast %mul3A_893 : i32 to index
        %get3A_895 = arith.constant 0 : index
        %get3A_896 = tpu.vector_load %arg14[%get3A_894, %get3A_895] {strides = array<i32>} : memref<384x16xi32, #tpu.memory_space<vmem>>, vector<16xi32>,
        %mul3A_897 = arith.constant 3 : i32
        %mul3A_898 = arith.muli %mul3A_897, %scan3A_888 : i32
        %add3A_899 = arith.constant 1 : i32
        %add3A_900 = arith.addi %mul3A_898, %add3A_899 : i32
        %get3A_901 = arith.index_cast %add3A_900 : i32 to index
        %get3A_902 = arith.constant 0 : index
        %get3A_903 = tpu.vector_load %arg14[%get3A_901, %get3A_902] {strides = array<i32>} : memref<384x16xi32, #tpu.memory_space<vmem>>, vector<16xi32>,
        %mul3A_904 = arith.constant 3 : i32
        %mul3A_905 = arith.muli %mul3A_904, %scan3A_888 : i32
        %add3A_906 = arith.constant 2 : i32
        %add3A_907 = arith.addi %mul3A_905, %add3A_906 : i32
        %get3A_908 = arith.index_cast %add3A_907 : i32 to index
        %get3A_909 = arith.constant 0 : index
        %get3A_910 = tpu.vector_load %arg14[%get3A_908, %get3A_909] {strides = array<i32>} : memref<384x16xi32, #tpu.memory_space<vmem>>, vector<16xi32>,
        %shift_left3A_911 = arith.constant 16 : i32
        %shift_left3A_912 = vector.broadcast %shift_left3A_911 : i32 to vector<16xi32>
        %shift_left3A_913 = arith.shli %get3A_891, %shift_left3A_912 : vector<16xi32>
        %bitcast3A_914 = vector.bitcast %shift_left3A_913 : vector<16xi32> to vector<16xf32>
        %shift_left3A_915 = arith.constant 16 : i32
        %shift_left3A_916 = vector.broadcast %shift_left3A_915 : i32 to vector<16xi32>
        %shift_left3A_917 = arith.shli %get3A_896, %shift_left3A_916 : vector<16xi32>
        %bitcast3A_918 = vector.bitcast %shift_left3A_917 : vector<16xi32> to vector<16xf32>
        %add3A_919 = arith.addf %bitcast3A_914, %bitcast3A_918 : vector<16xf32>
        %shift_left3A_920 = arith.constant 16 : i32
        %shift_left3A_921 = vector.broadcast %shift_left3A_920 : i32 to vector<16xi32>
        %shift_left3A_922 = arith.shli %get3A_903, %shift_left3A_921 : vector<16xi32>
        %bitcast3A_923 = vector.bitcast %shift_left3A_922 : vector<16xi32> to vector<16xf32>
        %shift_left3A_924 = arith.constant 16 : i32
        %shift_left3A_925 = vector.broadcast %shift_left3A_924 : i32 to vector<16xi32>
        %shift_left3A_926 = arith.shli %get3A_910, %shift_left3A_925 : vector<16xi32>
        %bitcast3A_927 = vector.bitcast %shift_left3A_926 : vector<16xi32> to vector<16xf32>
        %add3A_928 = arith.addf %bitcast3A_923, %bitcast3A_927 : vector<16xf32>
        %add3A_929 = arith.addf %add3A_919, %add3A_928 : vector<16xf32>
        %bitcast3A_930 = vector.bitcast %get3A_891 : vector<16xi32> to vector<16xf32>
        %bitcast3A_931 = vector.bitcast %get3A_896 : vector<16xi32> to vector<16xf32>
        %add3A_932 = arith.addf %bitcast3A_930, %bitcast3A_931 : vector<16xf32>
        %bitcast3A_933 = vector.bitcast %get3A_903 : vector<16xi32> to vector<16xf32>
        %bitcast3A_934 = vector.bitcast %get3A_910 : vector<16xi32> to vector<16xf32>
        %add3A_935 = arith.addf %bitcast3A_933, %bitcast3A_934 : vector<16xf32>
        %add3A_936 = arith.addf %add3A_932, %add3A_935 : vector<16xf32>
        %bitcast3A_937 = vector.bitcast %add3A_929 : vector<16xf32> to vector<16xi32>
        %shift_right_logical3A_938 = arith.constant 16 : i32
        %shift_right_logical3A_939 = vector.broadcast %shift_right_logical3A_938 : i32 to vector<16xi32>
        %shift_right_logical3A_940 = arith.shrui %bitcast3A_937, %shift_right_logical3A_939 : vector<16xi32>
        %bitcast3A_941 = vector.bitcast %add3A_936 : vector<16xf32> to vector<16xi32>
        %and3A_942 = arith.constant -65536 : i32
        %and3A_943 = vector.broadcast %and3A_942 : i32 to vector<16xi32>
        %and3A_944 = arith.andi %bitcast3A_941, %and3A_943 : vector<16xi32>
        %or3A_945 = arith.ori %and3A_944, %shift_right_logical3A_940 : vector<16xi32>
        tpu.vector_store_idx %arg16[%iota3A, %add3A_886], %or3A_945 : memref<16x128xi32, #tpu.memory_space<vmem>>[vector<16xi32>, vector<16xi32>], vector<16xi32>,
        %add3A_946 = arith.constant 1 : i32
        %add3A_947 = vector.broadcast %add3A_946 : i32 to vector<16xi32>
        %add3A_948 = arith.addi %add3A_886, %add3A_947 : vector<16xi32>
        %scan3A_949 = arith.constant 11 : i32
        %scan3A_950 = arith.addi %scan3A_272, %scan3A_949 : i32
        %get3A_951 = arith.index_cast %scan3A_950 : i32 to index
        %get3A_952 = arith.constant 0 : index
        %get3A_953 = tpu.vector_load %arg12[%get3A_951, %get3A_952] {strides = array<i32>} : memref<128x16xi32, #tpu.memory_space<vmem>>, vector<16xi32>,
        %mul3A_954 = arith.constant 3 : i32
        %mul3A_955 = arith.muli %mul3A_954, %scan3A_950 : i32
        %get3A_956 = arith.index_cast %mul3A_955 : i32 to index
        %get3A_957 = arith.constant 0 : index
        %get3A_958 = tpu.vector_load %arg14[%get3A_956, %get3A_957] {strides = array<i32>} : memref<384x16xi32, #tpu.memory_space<vmem>>, vector<16xi32>,
        %mul3A_959 = arith.constant 3 : i32
        %mul3A_960 = arith.muli %mul3A_959, %scan3A_950 : i32
        %add3A_961 = arith.constant 1 : i32
        %add3A_962 = arith.addi %mul3A_960, %add3A_961 : i32
        %get3A_963 = arith.index_cast %add3A_962 : i32 to index
        %get3A_964 = arith.constant 0 : index
        %get3A_965 = tpu.vector_load %arg14[%get3A_963, %get3A_964] {strides = array<i32>} : memref<384x16xi32, #tpu.memory_space<vmem>>, vector<16xi32>,
        %mul3A_966 = arith.constant 3 : i32
        %mul3A_967 = arith.muli %mul3A_966, %scan3A_950 : i32
        %add3A_968 = arith.constant 2 : i32
        %add3A_969 = arith.addi %mul3A_967, %add3A_968 : i32
        %get3A_970 = arith.index_cast %add3A_969 : i32 to index
        %get3A_971 = arith.constant 0 : index
        %get3A_972 = tpu.vector_load %arg14[%get3A_970, %get3A_971] {strides = array<i32>} : memref<384x16xi32, #tpu.memory_space<vmem>>, vector<16xi32>,
        %shift_left3A_973 = arith.constant 16 : i32
        %shift_left3A_974 = vector.broadcast %shift_left3A_973 : i32 to vector<16xi32>
        %shift_left3A_975 = arith.shli %get3A_953, %shift_left3A_974 : vector<16xi32>
        %bitcast3A_976 = vector.bitcast %shift_left3A_975 : vector<16xi32> to vector<16xf32>
        %shift_left3A_977 = arith.constant 16 : i32
        %shift_left3A_978 = vector.broadcast %shift_left3A_977 : i32 to vector<16xi32>
        %shift_left3A_979 = arith.shli %get3A_958, %shift_left3A_978 : vector<16xi32>
        %bitcast3A_980 = vector.bitcast %shift_left3A_979 : vector<16xi32> to vector<16xf32>
        %add3A_981 = arith.addf %bitcast3A_976, %bitcast3A_980 : vector<16xf32>
        %shift_left3A_982 = arith.constant 16 : i32
        %shift_left3A_983 = vector.broadcast %shift_left3A_982 : i32 to vector<16xi32>
        %shift_left3A_984 = arith.shli %get3A_965, %shift_left3A_983 : vector<16xi32>
        %bitcast3A_985 = vector.bitcast %shift_left3A_984 : vector<16xi32> to vector<16xf32>
        %shift_left3A_986 = arith.constant 16 : i32
        %shift_left3A_987 = vector.broadcast %shift_left3A_986 : i32 to vector<16xi32>
        %shift_left3A_988 = arith.shli %get3A_972, %shift_left3A_987 : vector<16xi32>
        %bitcast3A_989 = vector.bitcast %shift_left3A_988 : vector<16xi32> to vector<16xf32>
        %add3A_990 = arith.addf %bitcast3A_985, %bitcast3A_989 : vector<16xf32>
        %add3A_991 = arith.addf %add3A_981, %add3A_990 : vector<16xf32>
        %bitcast3A_992 = vector.bitcast %get3A_953 : vector<16xi32> to vector<16xf32>
        %bitcast3A_993 = vector.bitcast %get3A_958 : vector<16xi32> to vector<16xf32>
        %add3A_994 = arith.addf %bitcast3A_992, %bitcast3A_993 : vector<16xf32>
        %bitcast3A_995 = vector.bitcast %get3A_965 : vector<16xi32> to vector<16xf32>
        %bitcast3A_996 = vector.bitcast %get3A_972 : vector<16xi32> to vector<16xf32>
        %add3A_997 = arith.addf %bitcast3A_995, %bitcast3A_996 : vector<16xf32>
        %add3A_998 = arith.addf %add3A_994, %add3A_997 : vector<16xf32>
        %bitcast3A_999 = vector.bitcast %add3A_991 : vector<16xf32> to vector<16xi32>
        %shift_right_logical3A_1000 = arith.constant 16 : i32
        %shift_right_logical3A_1001 = vector.broadcast %shift_right_logical3A_1000 : i32 to vector<16xi32>
        %shift_right_logical3A_1002 = arith.shrui %bitcast3A_999, %shift_right_logical3A_1001 : vector<16xi32>
        %bitcast3A_1003 = vector.bitcast %add3A_998 : vector<16xf32> to vector<16xi32>
        %and3A_1004 = arith.constant -65536 : i32
        %and3A_1005 = vector.broadcast %and3A_1004 : i32 to vector<16xi32>
        %and3A_1006 = arith.andi %bitcast3A_1003, %and3A_1005 : vector<16xi32>
        %or3A_1007 = arith.ori %and3A_1006, %shift_right_logical3A_1002 : vector<16xi32>
        tpu.vector_store_idx %arg16[%iota3A, %add3A_948], %or3A_1007 : memref<16x128xi32, #tpu.memory_space<vmem>>[vector<16xi32>, vector<16xi32>], vector<16xi32>,
        %add3A_1008 = arith.constant 1 : i32
        %add3A_1009 = vector.broadcast %add3A_1008 : i32 to vector<16xi32>
        %add3A_1010 = arith.addi %add3A_948, %add3A_1009 : vector<16xi32>
        %scan3A_1011 = arith.constant 12 : i32
        %scan3A_1012 = arith.addi %scan3A_272, %scan3A_1011 : i32
        %get3A_1013 = arith.index_cast %scan3A_1012 : i32 to index
        %get3A_1014 = arith.constant 0 : index
        %get3A_1015 = tpu.vector_load %arg12[%get3A_1013, %get3A_1014] {strides = array<i32>} : memref<128x16xi32, #tpu.memory_space<vmem>>, vector<16xi32>,
        %mul3A_1016 = arith.constant 3 : i32
        %mul3A_1017 = arith.muli %mul3A_1016, %scan3A_1012 : i32
        %get3A_1018 = arith.index_cast %mul3A_1017 : i32 to index
        %get3A_1019 = arith.constant 0 : index
        %get3A_1020 = tpu.vector_load %arg14[%get3A_1018, %get3A_1019] {strides = array<i32>} : memref<384x16xi32, #tpu.memory_space<vmem>>, vector<16xi32>,
        %mul3A_1021 = arith.constant 3 : i32
        %mul3A_1022 = arith.muli %mul3A_1021, %scan3A_1012 : i32
        %add3A_1023 = arith.constant 1 : i32
        %add3A_1024 = arith.addi %mul3A_1022, %add3A_1023 : i32
        %get3A_1025 = arith.index_cast %add3A_1024 : i32 to index
        %get3A_1026 = arith.constant 0 : index
        %get3A_1027 = tpu.vector_load %arg14[%get3A_1025, %get3A_1026] {strides = array<i32>} : memref<384x16xi32, #tpu.memory_space<vmem>>, vector<16xi32>,
        %mul3A_1028 = arith.constant 3 : i32
        %mul3A_1029 = arith.muli %mul3A_1028, %scan3A_1012 : i32
        %add3A_1030 = arith.constant 2 : i32
        %add3A_1031 = arith.addi %mul3A_1029, %add3A_1030 : i32
        %get3A_1032 = arith.index_cast %add3A_1031 : i32 to index
        %get3A_1033 = arith.constant 0 : index
        %get3A_1034 = tpu.vector_load %arg14[%get3A_1032, %get3A_1033] {strides = array<i32>} : memref<384x16xi32, #tpu.memory_space<vmem>>, vector<16xi32>,
        %shift_left3A_1035 = arith.constant 16 : i32
        %shift_left3A_1036 = vector.broadcast %shift_left3A_1035 : i32 to vector<16xi32>
        %shift_left3A_1037 = arith.shli %get3A_1015, %shift_left3A_1036 : vector<16xi32>
        %bitcast3A_1038 = vector.bitcast %shift_left3A_1037 : vector<16xi32> to vector<16xf32>
        %shift_left3A_1039 = arith.constant 16 : i32
        %shift_left3A_1040 = vector.broadcast %shift_left3A_1039 : i32 to vector<16xi32>
        %shift_left3A_1041 = arith.shli %get3A_1020, %shift_left3A_1040 : vector<16xi32>
        %bitcast3A_1042 = vector.bitcast %shift_left3A_1041 : vector<16xi32> to vector<16xf32>
        %add3A_1043 = arith.addf %bitcast3A_1038, %bitcast3A_1042 : vector<16xf32>
        %shift_left3A_1044 = arith.constant 16 : i32
        %shift_left3A_1045 = vector.broadcast %shift_left3A_1044 : i32 to vector<16xi32>
        %shift_left3A_1046 = arith.shli %get3A_1027, %shift_left3A_1045 : vector<16xi32>
        %bitcast3A_1047 = vector.bitcast %shift_left3A_1046 : vector<16xi32> to vector<16xf32>
        %shift_left3A_1048 = arith.constant 16 : i32
        %shift_left3A_1049 = vector.broadcast %shift_left3A_1048 : i32 to vector<16xi32>
        %shift_left3A_1050 = arith.shli %get3A_1034, %shift_left3A_1049 : vector<16xi32>
        %bitcast3A_1051 = vector.bitcast %shift_left3A_1050 : vector<16xi32> to vector<16xf32>
        %add3A_1052 = arith.addf %bitcast3A_1047, %bitcast3A_1051 : vector<16xf32>
        %add3A_1053 = arith.addf %add3A_1043, %add3A_1052 : vector<16xf32>
        %bitcast3A_1054 = vector.bitcast %get3A_1015 : vector<16xi32> to vector<16xf32>
        %bitcast3A_1055 = vector.bitcast %get3A_1020 : vector<16xi32> to vector<16xf32>
        %add3A_1056 = arith.addf %bitcast3A_1054, %bitcast3A_1055 : vector<16xf32>
        %bitcast3A_1057 = vector.bitcast %get3A_1027 : vector<16xi32> to vector<16xf32>
        %bitcast3A_1058 = vector.bitcast %get3A_1034 : vector<16xi32> to vector<16xf32>
        %add3A_1059 = arith.addf %bitcast3A_1057, %bitcast3A_1058 : vector<16xf32>
        %add3A_1060 = arith.addf %add3A_1056, %add3A_1059 : vector<16xf32>
        %bitcast3A_1061 = vector.bitcast %add3A_1053 : vector<16xf32> to vector<16xi32>
        %shift_right_logical3A_1062 = arith.constant 16 : i32
        %shift_right_logical3A_1063 = vector.broadcast %shift_right_logical3A_1062 : i32 to vector<16xi32>
        %shift_right_logical3A_1064 = arith.shrui %bitcast3A_1061, %shift_right_logical3A_1063 : vector<16xi32>
        %bitcast3A_1065 = vector.bitcast %add3A_1060 : vector<16xf32> to vector<16xi32>
        %and3A_1066 = arith.constant -65536 : i32
        %and3A_1067 = vector.broadcast %and3A_1066 : i32 to vector<16xi32>
        %and3A_1068 = arith.andi %bitcast3A_1065, %and3A_1067 : vector<16xi32>
        %or3A_1069 = arith.ori %and3A_1068, %shift_right_logical3A_1064 : vector<16xi32>
        tpu.vector_store_idx %arg16[%iota3A, %add3A_1010], %or3A_1069 : memref<16x128xi32, #tpu.memory_space<vmem>>[vector<16xi32>, vector<16xi32>], vector<16xi32>,
        %add3A_1070 = arith.constant 1 : i32
        %add3A_1071 = vector.broadcast %add3A_1070 : i32 to vector<16xi32>
        %add3A_1072 = arith.addi %add3A_1010, %add3A_1071 : vector<16xi32>
        %scan3A_1073 = arith.constant 13 : i32
        %scan3A_1074 = arith.addi %scan3A_272, %scan3A_1073 : i32
        %get3A_1075 = arith.index_cast %scan3A_1074 : i32 to index
        %get3A_1076 = arith.constant 0 : index
        %get3A_1077 = tpu.vector_load %arg12[%get3A_1075, %get3A_1076] {strides = array<i32>} : memref<128x16xi32, #tpu.memory_space<vmem>>, vector<16xi32>,
        %mul3A_1078 = arith.constant 3 : i32
        %mul3A_1079 = arith.muli %mul3A_1078, %scan3A_1074 : i32
        %get3A_1080 = arith.index_cast %mul3A_1079 : i32 to index
        %get3A_1081 = arith.constant 0 : index
        %get3A_1082 = tpu.vector_load %arg14[%get3A_1080, %get3A_1081] {strides = array<i32>} : memref<384x16xi32, #tpu.memory_space<vmem>>, vector<16xi32>,
        %mul3A_1083 = arith.constant 3 : i32
        %mul3A_1084 = arith.muli %mul3A_1083, %scan3A_1074 : i32
        %add3A_1085 = arith.constant 1 : i32
        %add3A_1086 = arith.addi %mul3A_1084, %add3A_1085 : i32
        %get3A_1087 = arith.index_cast %add3A_1086 : i32 to index
        %get3A_1088 = arith.constant 0 : index
        %get3A_1089 = tpu.vector_load %arg14[%get3A_1087, %get3A_1088] {strides = array<i32>} : memref<384x16xi32, #tpu.memory_space<vmem>>, vector<16xi32>,
        %mul3A_1090 = arith.constant 3 : i32
        %mul3A_1091 = arith.muli %mul3A_1090, %scan3A_1074 : i32
        %add3A_1092 = arith.constant 2 : i32
        %add3A_1093 = arith.addi %mul3A_1091, %add3A_1092 : i32
        %get3A_1094 = arith.index_cast %add3A_1093 : i32 to index
        %get3A_1095 = arith.constant 0 : index
        %get3A_1096 = tpu.vector_load %arg14[%get3A_1094, %get3A_1095] {strides = array<i32>} : memref<384x16xi32, #tpu.memory_space<vmem>>, vector<16xi32>,
        %shift_left3A_1097 = arith.constant 16 : i32
        %shift_left3A_1098 = vector.broadcast %shift_left3A_1097 : i32 to vector<16xi32>
        %shift_left3A_1099 = arith.shli %get3A_1077, %shift_left3A_1098 : vector<16xi32>
        %bitcast3A_1100 = vector.bitcast %shift_left3A_1099 : vector<16xi32> to vector<16xf32>
        %shift_left3A_1101 = arith.constant 16 : i32
        %shift_left3A_1102 = vector.broadcast %shift_left3A_1101 : i32 to vector<16xi32>
        %shift_left3A_1103 = arith.shli %get3A_1082, %shift_left3A_1102 : vector<16xi32>
        %bitcast3A_1104 = vector.bitcast %shift_left3A_1103 : vector<16xi32> to vector<16xf32>
        %add3A_1105 = arith.addf %bitcast3A_1100, %bitcast3A_1104 : vector<16xf32>
        %shift_left3A_1106 = arith.constant 16 : i32
        %shift_left3A_1107 = vector.broadcast %shift_left3A_1106 : i32 to vector<16xi32>
        %shift_left3A_1108 = arith.shli %get3A_1089, %shift_left3A_1107 : vector<16xi32>
        %bitcast3A_1109 = vector.bitcast %shift_left3A_1108 : vector<16xi32> to vector<16xf32>
        %shift_left3A_1110 = arith.constant 16 : i32
        %shift_left3A_1111 = vector.broadcast %shift_left3A_1110 : i32 to vector<16xi32>
        %shift_left3A_1112 = arith.shli %get3A_1096, %shift_left3A_1111 : vector<16xi32>
        %bitcast3A_1113 = vector.bitcast %shift_left3A_1112 : vector<16xi32> to vector<16xf32>
        %add3A_1114 = arith.addf %bitcast3A_1109, %bitcast3A_1113 : vector<16xf32>
        %add3A_1115 = arith.addf %add3A_1105, %add3A_1114 : vector<16xf32>
        %bitcast3A_1116 = vector.bitcast %get3A_1077 : vector<16xi32> to vector<16xf32>
        %bitcast3A_1117 = vector.bitcast %get3A_1082 : vector<16xi32> to vector<16xf32>
        %add3A_1118 = arith.addf %bitcast3A_1116, %bitcast3A_1117 : vector<16xf32>
        %bitcast3A_1119 = vector.bitcast %get3A_1089 : vector<16xi32> to vector<16xf32>
        %bitcast3A_1120 = vector.bitcast %get3A_1096 : vector<16xi32> to vector<16xf32>
        %add3A_1121 = arith.addf %bitcast3A_1119, %bitcast3A_1120 : vector<16xf32>
        %add3A_1122 = arith.addf %add3A_1118, %add3A_1121 : vector<16xf32>
        %bitcast3A_1123 = vector.bitcast %add3A_1115 : vector<16xf32> to vector<16xi32>
        %shift_right_logical3A_1124 = arith.constant 16 : i32
        %shift_right_logical3A_1125 = vector.broadcast %shift_right_logical3A_1124 : i32 to vector<16xi32>
        %shift_right_logical3A_1126 = arith.shrui %bitcast3A_1123, %shift_right_logical3A_1125 : vector<16xi32>
        %bitcast3A_1127 = vector.bitcast %add3A_1122 : vector<16xf32> to vector<16xi32>
        %and3A_1128 = arith.constant -65536 : i32
        %and3A_1129 = vector.broadcast %and3A_1128 : i32 to vector<16xi32>
        %and3A_1130 = arith.andi %bitcast3A_1127, %and3A_1129 : vector<16xi32>
        %or3A_1131 = arith.ori %and3A_1130, %shift_right_logical3A_1126 : vector<16xi32>
        tpu.vector_store_idx %arg16[%iota3A, %add3A_1072], %or3A_1131 : memref<16x128xi32, #tpu.memory_space<vmem>>[vector<16xi32>, vector<16xi32>], vector<16xi32>,
        %add3A_1132 = arith.constant 1 : i32
        %add3A_1133 = vector.broadcast %add3A_1132 : i32 to vector<16xi32>
        %add3A_1134 = arith.addi %add3A_1072, %add3A_1133 : vector<16xi32>
        %scan3A_1135 = arith.constant 14 : i32
        %scan3A_1136 = arith.addi %scan3A_272, %scan3A_1135 : i32
        %get3A_1137 = arith.index_cast %scan3A_1136 : i32 to index
        %get3A_1138 = arith.constant 0 : index
        %get3A_1139 = tpu.vector_load %arg12[%get3A_1137, %get3A_1138] {strides = array<i32>} : memref<128x16xi32, #tpu.memory_space<vmem>>, vector<16xi32>,
        %mul3A_1140 = arith.constant 3 : i32
        %mul3A_1141 = arith.muli %mul3A_1140, %scan3A_1136 : i32
        %get3A_1142 = arith.index_cast %mul3A_1141 : i32 to index
        %get3A_1143 = arith.constant 0 : index
        %get3A_1144 = tpu.vector_load %arg14[%get3A_1142, %get3A_1143] {strides = array<i32>} : memref<384x16xi32, #tpu.memory_space<vmem>>, vector<16xi32>,
        %mul3A_1145 = arith.constant 3 : i32
        %mul3A_1146 = arith.muli %mul3A_1145, %scan3A_1136 : i32
        %add3A_1147 = arith.constant 1 : i32
        %add3A_1148 = arith.addi %mul3A_1146, %add3A_1147 : i32
        %get3A_1149 = arith.index_cast %add3A_1148 : i32 to index
        %get3A_1150 = arith.constant 0 : index
        %get3A_1151 = tpu.vector_load %arg14[%get3A_1149, %get3A_1150] {strides = array<i32>} : memref<384x16xi32, #tpu.memory_space<vmem>>, vector<16xi32>,
        %mul3A_1152 = arith.constant 3 : i32
        %mul3A_1153 = arith.muli %mul3A_1152, %scan3A_1136 : i32
        %add3A_1154 = arith.constant 2 : i32
        %add3A_1155 = arith.addi %mul3A_1153, %add3A_1154 : i32
        %get3A_1156 = arith.index_cast %add3A_1155 : i32 to index
        %get3A_1157 = arith.constant 0 : index
        %get3A_1158 = tpu.vector_load %arg14[%get3A_1156, %get3A_1157] {strides = array<i32>} : memref<384x16xi32, #tpu.memory_space<vmem>>, vector<16xi32>,
        %shift_left3A_1159 = arith.constant 16 : i32
        %shift_left3A_1160 = vector.broadcast %shift_left3A_1159 : i32 to vector<16xi32>
        %shift_left3A_1161 = arith.shli %get3A_1139, %shift_left3A_1160 : vector<16xi32>
        %bitcast3A_1162 = vector.bitcast %shift_left3A_1161 : vector<16xi32> to vector<16xf32>
        %shift_left3A_1163 = arith.constant 16 : i32
        %shift_left3A_1164 = vector.broadcast %shift_left3A_1163 : i32 to vector<16xi32>
        %shift_left3A_1165 = arith.shli %get3A_1144, %shift_left3A_1164 : vector<16xi32>
        %bitcast3A_1166 = vector.bitcast %shift_left3A_1165 : vector<16xi32> to vector<16xf32>
        %add3A_1167 = arith.addf %bitcast3A_1162, %bitcast3A_1166 : vector<16xf32>
        %shift_left3A_1168 = arith.constant 16 : i32
        %shift_left3A_1169 = vector.broadcast %shift_left3A_1168 : i32 to vector<16xi32>
        %shift_left3A_1170 = arith.shli %get3A_1151, %shift_left3A_1169 : vector<16xi32>
        %bitcast3A_1171 = vector.bitcast %shift_left3A_1170 : vector<16xi32> to vector<16xf32>
        %shift_left3A_1172 = arith.constant 16 : i32
        %shift_left3A_1173 = vector.broadcast %shift_left3A_1172 : i32 to vector<16xi32>
        %shift_left3A_1174 = arith.shli %get3A_1158, %shift_left3A_1173 : vector<16xi32>
        %bitcast3A_1175 = vector.bitcast %shift_left3A_1174 : vector<16xi32> to vector<16xf32>
        %add3A_1176 = arith.addf %bitcast3A_1171, %bitcast3A_1175 : vector<16xf32>
        %add3A_1177 = arith.addf %add3A_1167, %add3A_1176 : vector<16xf32>
        %bitcast3A_1178 = vector.bitcast %get3A_1139 : vector<16xi32> to vector<16xf32>
        %bitcast3A_1179 = vector.bitcast %get3A_1144 : vector<16xi32> to vector<16xf32>
        %add3A_1180 = arith.addf %bitcast3A_1178, %bitcast3A_1179 : vector<16xf32>
        %bitcast3A_1181 = vector.bitcast %get3A_1151 : vector<16xi32> to vector<16xf32>
        %bitcast3A_1182 = vector.bitcast %get3A_1158 : vector<16xi32> to vector<16xf32>
        %add3A_1183 = arith.addf %bitcast3A_1181, %bitcast3A_1182 : vector<16xf32>
        %add3A_1184 = arith.addf %add3A_1180, %add3A_1183 : vector<16xf32>
        %bitcast3A_1185 = vector.bitcast %add3A_1177 : vector<16xf32> to vector<16xi32>
        %shift_right_logical3A_1186 = arith.constant 16 : i32
        %shift_right_logical3A_1187 = vector.broadcast %shift_right_logical3A_1186 : i32 to vector<16xi32>
        %shift_right_logical3A_1188 = arith.shrui %bitcast3A_1185, %shift_right_logical3A_1187 : vector<16xi32>
        %bitcast3A_1189 = vector.bitcast %add3A_1184 : vector<16xf32> to vector<16xi32>
        %and3A_1190 = arith.constant -65536 : i32
        %and3A_1191 = vector.broadcast %and3A_1190 : i32 to vector<16xi32>
        %and3A_1192 = arith.andi %bitcast3A_1189, %and3A_1191 : vector<16xi32>
        %or3A_1193 = arith.ori %and3A_1192, %shift_right_logical3A_1188 : vector<16xi32>
        tpu.vector_store_idx %arg16[%iota3A, %add3A_1134], %or3A_1193 : memref<16x128xi32, #tpu.memory_space<vmem>>[vector<16xi32>, vector<16xi32>], vector<16xi32>,
        %add3A_1194 = arith.constant 1 : i32
        %add3A_1195 = vector.broadcast %add3A_1194 : i32 to vector<16xi32>
        %add3A_1196 = arith.addi %add3A_1134, %add3A_1195 : vector<16xi32>
        %scan3A_1197 = arith.constant 15 : i32
        %scan3A_1198 = arith.addi %scan3A_272, %scan3A_1197 : i32
        %get3A_1199 = arith.index_cast %scan3A_1198 : i32 to index
        %get3A_1200 = arith.constant 0 : index
        %get3A_1201 = tpu.vector_load %arg12[%get3A_1199, %get3A_1200] {strides = array<i32>} : memref<128x16xi32, #tpu.memory_space<vmem>>, vector<16xi32>,
        %mul3A_1202 = arith.constant 3 : i32
        %mul3A_1203 = arith.muli %mul3A_1202, %scan3A_1198 : i32
        %get3A_1204 = arith.index_cast %mul3A_1203 : i32 to index
        %get3A_1205 = arith.constant 0 : index
        %get3A_1206 = tpu.vector_load %arg14[%get3A_1204, %get3A_1205] {strides = array<i32>} : memref<384x16xi32, #tpu.memory_space<vmem>>, vector<16xi32>,
        %mul3A_1207 = arith.constant 3 : i32
        %mul3A_1208 = arith.muli %mul3A_1207, %scan3A_1198 : i32
        %add3A_1209 = arith.constant 1 : i32
        %add3A_1210 = arith.addi %mul3A_1208, %add3A_1209 : i32
        %get3A_1211 = arith.index_cast %add3A_1210 : i32 to index
        %get3A_1212 = arith.constant 0 : index
        %get3A_1213 = tpu.vector_load %arg14[%get3A_1211, %get3A_1212] {strides = array<i32>} : memref<384x16xi32, #tpu.memory_space<vmem>>, vector<16xi32>,
        %mul3A_1214 = arith.constant 3 : i32
        %mul3A_1215 = arith.muli %mul3A_1214, %scan3A_1198 : i32
        %add3A_1216 = arith.constant 2 : i32
        %add3A_1217 = arith.addi %mul3A_1215, %add3A_1216 : i32
        %get3A_1218 = arith.index_cast %add3A_1217 : i32 to index
        %get3A_1219 = arith.constant 0 : index
        %get3A_1220 = tpu.vector_load %arg14[%get3A_1218, %get3A_1219] {strides = array<i32>} : memref<384x16xi32, #tpu.memory_space<vmem>>, vector<16xi32>,
        %shift_left3A_1221 = arith.constant 16 : i32
        %shift_left3A_1222 = vector.broadcast %shift_left3A_1221 : i32 to vector<16xi32>
        %shift_left3A_1223 = arith.shli %get3A_1201, %shift_left3A_1222 : vector<16xi32>
        %bitcast3A_1224 = vector.bitcast %shift_left3A_1223 : vector<16xi32> to vector<16xf32>
        %shift_left3A_1225 = arith.constant 16 : i32
        %shift_left3A_1226 = vector.broadcast %shift_left3A_1225 : i32 to vector<16xi32>
        %shift_left3A_1227 = arith.shli %get3A_1206, %shift_left3A_1226 : vector<16xi32>
        %bitcast3A_1228 = vector.bitcast %shift_left3A_1227 : vector<16xi32> to vector<16xf32>
        %add3A_1229 = arith.addf %bitcast3A_1224, %bitcast3A_1228 : vector<16xf32>
        %shift_left3A_1230 = arith.constant 16 : i32
        %shift_left3A_1231 = vector.broadcast %shift_left3A_1230 : i32 to vector<16xi32>
        %shift_left3A_1232 = arith.shli %get3A_1213, %shift_left3A_1231 : vector<16xi32>
        %bitcast3A_1233 = vector.bitcast %shift_left3A_1232 : vector<16xi32> to vector<16xf32>
        %shift_left3A_1234 = arith.constant 16 : i32
        %shift_left3A_1235 = vector.broadcast %shift_left3A_1234 : i32 to vector<16xi32>
        %shift_left3A_1236 = arith.shli %get3A_1220, %shift_left3A_1235 : vector<16xi32>
        %bitcast3A_1237 = vector.bitcast %shift_left3A_1236 : vector<16xi32> to vector<16xf32>
        %add3A_1238 = arith.addf %bitcast3A_1233, %bitcast3A_1237 : vector<16xf32>
        %add3A_1239 = arith.addf %add3A_1229, %add3A_1238 : vector<16xf32>
        %bitcast3A_1240 = vector.bitcast %get3A_1201 : vector<16xi32> to vector<16xf32>
        %bitcast3A_1241 = vector.bitcast %get3A_1206 : vector<16xi32> to vector<16xf32>
        %add3A_1242 = arith.addf %bitcast3A_1240, %bitcast3A_1241 : vector<16xf32>
        %bitcast3A_1243 = vector.bitcast %get3A_1213 : vector<16xi32> to vector<16xf32>
        %bitcast3A_1244 = vector.bitcast %get3A_1220 : vector<16xi32> to vector<16xf32>
        %add3A_1245 = arith.addf %bitcast3A_1243, %bitcast3A_1244 : vector<16xf32>
        %add3A_1246 = arith.addf %add3A_1242, %add3A_1245 : vector<16xf32>
        %bitcast3A_1247 = vector.bitcast %add3A_1239 : vector<16xf32> to vector<16xi32>
        %shift_right_logical3A_1248 = arith.constant 16 : i32
        %shift_right_logical3A_1249 = vector.broadcast %shift_right_logical3A_1248 : i32 to vector<16xi32>
        %shift_right_logical3A_1250 = arith.shrui %bitcast3A_1247, %shift_right_logical3A_1249 : vector<16xi32>
        %bitcast3A_1251 = vector.bitcast %add3A_1246 : vector<16xf32> to vector<16xi32>
        %and3A_1252 = arith.constant -65536 : i32
        %and3A_1253 = vector.broadcast %and3A_1252 : i32 to vector<16xi32>
        %and3A_1254 = arith.andi %bitcast3A_1251, %and3A_1253 : vector<16xi32>
        %or3A_1255 = arith.ori %and3A_1254, %shift_right_logical3A_1250 : vector<16xi32>
        tpu.vector_store_idx %arg16[%iota3A, %add3A_1196], %or3A_1255 : memref<16x128xi32, #tpu.memory_space<vmem>>[vector<16xi32>, vector<16xi32>], vector<16xi32>,
        %add3A_1256 = arith.constant 1 : i32
        %add3A_1257 = vector.broadcast %add3A_1256 : i32 to vector<16xi32>
        %add3A_1258 = arith.addi %add3A_1196, %add3A_1257 : vector<16xi32>
        scf.yield %add3A_1258 : vector<16xi32>
      }
      %scan3A_220 = arith.constant 128 : i32
      %mul3A_221 = arith.constant 2 : i32
      %mul3A_222 = arith.muli %mul3A_221, %add3A : i32
      %jit3A_223 = arith.constant 128 : i32
      %div3A_224 = arith.divsi %add3A_167, %jit3A_223 : i32
      %sign3A_225 = arith.constant 0 : i32
      %sign3A_226 = arith.cmpi sgt, %add3A_167, %sign3A_225 : i32
      %sign3A_227 = arith.extui %sign3A_226 : i1 to i32
      %sign3A_228 = arith.constant 0 : i32
      %sign3A_229 = arith.cmpi slt, %add3A_167, %sign3A_228 : i32
      %sign3A_230 = arith.extui %sign3A_229 : i1 to i32
      %sign3A_231 = arith.subi %sign3A_227, %sign3A_230 : i32
      %sign3A_232 = arith.constant 0 : i32
      %sign3A_233 = arith.cmpi sgt, %jit3A_223, %sign3A_232 : i32
      %sign3A_234 = arith.extui %sign3A_233 : i1 to i32
      %sign3A_235 = arith.constant 0 : i32
      %sign3A_236 = arith.cmpi slt, %jit3A_223, %sign3A_235 : i32
      %sign3A_237 = arith.extui %sign3A_236 : i1 to i32
      %sign3A_238 = arith.subi %sign3A_234, %sign3A_237 : i32
      %ne3A_239 = arith.cmpi ne, %sign3A_231, %sign3A_238 : i32
      %rem3A_240 = arith.remsi %add3A_167, %jit3A_223 : i32
      %ne3A_241 = arith.constant 0 : i32
      %ne3A_242 = arith.cmpi ne, %rem3A_240, %ne3A_241 : i32
      %and3A_243 = arith.andi %ne3A_239, %ne3A_242 : i1
      %sub3A_244 = arith.constant 1 : i32
      %sub3A_245 = arith.subi %div3A_224, %sub3A_244 : i32
      %select_n3A_246 = arith.select %and3A_243, %sub3A_245, %div3A_224 : i32
      %add3A_247 = arith.addi %mul3A_222, %select_n3A_246 : i32
      %jit3A_248 = arith.constant 128 : i32
      %eq3A_249 = arith.constant 0 : i32
      %eq3A_250 = arith.cmpi eq, %jit3A_248, %eq3A_249 : i32
      %jit3A_251 = arith.constant 1 : i32
      %select_n3A_252 = arith.select %eq3A_250, %jit3A_251, %jit3A_248 : i32
      %rem3A_253 = arith.remsi %add3A_167, %select_n3A_252 : i32
      %ne3A_254 = arith.constant 0 : i32
      %ne3A_255 = arith.cmpi ne, %rem3A_253, %ne3A_254 : i32
      %lt3A_256 = arith.constant 0 : i32
      %lt3A_257 = arith.cmpi slt, %rem3A_253, %lt3A_256 : i32
      %lt3A_258 = arith.constant 0 : i32
      %lt3A_259 = arith.cmpi slt, %select_n3A_252, %lt3A_258 : i32
      %ne3A_260 = arith.xori %lt3A_257, %lt3A_259 : i1
      %and3A_261 = arith.andi %ne3A_260, %ne3A_255 : i1
      %add3A_262 = arith.addi %rem3A_253, %select_n3A_252 : i32
      %select_n3A_263 = arith.select %and3A_261, %add3A_262, %rem3A_253 : i32
      %dma_start3A_264 = arith.constant 0 : i32
      %dma_start3A_265 = arith.constant 0 : i32
      %dma_start3A_266 = tpu.memref_slice %arg6[%add3A_247, %select_n3A_263, %dma_start3A_264, %dma_start3A_265] : memref<64x128x16x128xi32, #tpu.memory_space<hbm>> -> memref<1x1x16x128xi32, #tpu.memory_space<hbm>>
      %dma_start3A_267 = tpu.memref_squeeze %dma_start3A_266 : memref<1x1x16x128xi32, #tpu.memory_space<hbm>> -> memref<16x128xi32, #tpu.memory_space<hbm>>
      %dma_start3A_268 = arith.constant 0 : i32
      %dma_start3A_269 = arith.constant 0 : i32
      %dma_start3A_270 = tpu.memref_slice %arg6[%add3A_247, %select_n3A_263, %dma_start3A_268, %dma_start3A_269] : memref<64x128x16x128xi32, #tpu.memory_space<hbm>> -> memref<1x1x16x128xi32, #tpu.memory_space<hbm>>
      %dma_start3A_271 = tpu.memref_squeeze %dma_start3A_270 : memref<1x1x16x128xi32, #tpu.memory_space<hbm>> -> memref<16x128xi32, #tpu.memory_space<hbm>>
      tpu.enqueue_dma source(%arg16 : memref<16x128xi32, #tpu.memory_space<vmem>>) target(%dma_start3A_271 : memref<16x128xi32, #tpu.memory_space<hbm>>) target_semaphore(%arg22 : memref<!tpu.dma_semaphore, #tpu.memory_space<semaphore_mem>>)
    }
    %scan3A_48 = arith.constant 128 : i32
    %dma_wait3A = arith.constant 0 : i32
    %dma_wait3A_49 = arith.constant 0 : i32
    %dma_wait3A_50 = arith.constant 0 : i32
    %dma_wait3A_51 = arith.constant 0 : i32
    %dma_wait3A_52 = tpu.memref_slice %arg6[%dma_wait3A, %dma_wait3A_49, %dma_wait3A_50, %dma_wait3A_51] : memref<64x128x16x128xi32, #tpu.memory_space<hbm>> -> memref<1x1x16x128xi32, #tpu.memory_space<hbm>>
    %dma_wait3A_53 = tpu.memref_squeeze %dma_wait3A_52 : memref<1x1x16x128xi32, #tpu.memory_space<hbm>> -> memref<16x128xi32, #tpu.memory_space<hbm>>
    %dma_wait3A_54 = arith.constant 0 : i32
    %dma_wait3A_55 = arith.constant 0 : i32
    %dma_wait3A_56 = tpu.memref_slice %arg6[%dma_wait3A, %dma_wait3A_49, %dma_wait3A_54, %dma_wait3A_55] : memref<64x128x16x128xi32, #tpu.memory_space<hbm>> -> memref<1x1x16x128xi32, #tpu.memory_space<hbm>>
    %dma_wait3A_57 = tpu.memref_squeeze %dma_wait3A_56 : memref<1x1x16x128xi32, #tpu.memory_space<hbm>> -> memref<16x128xi32, #tpu.memory_space<hbm>>
    tpu.wait_dma2 semaphore(%arg21 : memref<!tpu.dma_semaphore, #tpu.memory_space<semaphore_mem>>) src(%arg15 : memref<16x128xi32, #tpu.memory_space<vmem>>) dst(%dma_wait3A_57 : memref<16x128xi32, #tpu.memory_space<hbm>>)
    %dma_wait3A_58 = arith.constant 0 : i32
    %dma_wait3A_59 = arith.constant 0 : i32
    %dma_wait3A_60 = arith.constant 0 : i32
    %dma_wait3A_61 = arith.constant 0 : i32
    %dma_wait3A_62 = tpu.memref_slice %arg6[%dma_wait3A_58, %dma_wait3A_59, %dma_wait3A_60, %dma_wait3A_61] : memref<64x128x16x128xi32, #tpu.memory_space<hbm>> -> memref<1x1x16x128xi32, #tpu.memory_space<hbm>>
    %dma_wait3A_63 = tpu.memref_squeeze %dma_wait3A_62 : memref<1x1x16x128xi32, #tpu.memory_space<hbm>> -> memref<16x128xi32, #tpu.memory_space<hbm>>
    %dma_wait3A_64 = arith.constant 0 : i32
    %dma_wait3A_65 = arith.constant 0 : i32
    %dma_wait3A_66 = tpu.memref_slice %arg6[%dma_wait3A_58, %dma_wait3A_59, %dma_wait3A_64, %dma_wait3A_65] : memref<64x128x16x128xi32, #tpu.memory_space<hbm>> -> memref<1x1x16x128xi32, #tpu.memory_space<hbm>>
    %dma_wait3A_67 = tpu.memref_squeeze %dma_wait3A_66 : memref<1x1x16x128xi32, #tpu.memory_space<hbm>> -> memref<16x128xi32, #tpu.memory_space<hbm>>
    tpu.wait_dma2 semaphore(%arg22 : memref<!tpu.dma_semaphore, #tpu.memory_space<semaphore_mem>>) src(%arg16 : memref<16x128xi32, #tpu.memory_space<vmem>>) dst(%dma_wait3A_67 : memref<16x128xi32, #tpu.memory_space<hbm>>)
    return
  }
}

module attributes {stable_mosaic.version = 14 : i64} {
  func.func @_tc_assemble_body(%arg0: i32, %arg1: memref<1x129x129xf32, #tpu.memory_space<vmem>>, %arg2: memref<1x128x16x128xi32, #tpu.memory_space<vmem>>, %arg3: memref<1x32xf32, #tpu.memory_space<vmem>>, %arg4: memref<1x129x32x129xf32, #tpu.memory_space<vmem>>) attributes {dimension_semantics = [#tpu.dimension_semantics<arbitrary>], iteration_bounds = array<i64: 64>, scalar_prefetch = 0 : i64, scratch_operands = 0 : i64, tpu.core_type = #tpu.core_type<tc>, window_params = [{transform_indices = @transform_0, window_bounds = array<i64: 1, 129, 129>}, {transform_indices = @transform_1, window_bounds = array<i64: 1, 128, 16, 128>}, {pipeline_mode = #tpu.pipeline_mode<synchronous>, transform_indices = @transform_2, window_bounds = array<i64: 1, 32>}, {transform_indices = @transform_3, window_bounds = array<i64: 1, 129, 32, 129>}]} {
    %get3A = arith.constant 0 : index
    %get3A_0 = arith.constant 0 : index
    %get3A_1 = vector.load %arg3[%get3A, %get3A_0] : memref<1x32xf32, #tpu.memory_space<vmem>>, vector<1x32xf32>
    %get3A_2 = vector.shape_cast %get3A_1 : vector<1x32xf32> to vector<32xf32>
    %get3A_3 = arith.constant 0 : index
    %get3A_4 = arith.constant 0 : index
    %get3A_5 = arith.constant 0 : index
    %get3A_6 = vector.load %arg1[%get3A_3, %get3A_4, %get3A_5] : memref<1x129x129xf32, #tpu.memory_space<vmem>>, vector<1x1x129xf32>
    %get3A_7 = vector.shape_cast %get3A_6 : vector<1x1x129xf32> to vector<129xf32>
    %mul3A = arith.constant 2.000000e+00 : f32
    %mul3A_8 = vector.broadcast %mul3A : f32 to vector<129xf32>
    %mul3A_9 = arith.mulf %get3A_7, %mul3A_8 : vector<129xf32>
    %broadcast_in_dim3A = vector.shape_cast %mul3A_9 : vector<129xf32> to vector<1x129xf32>
    %broadcast_in_dim3A_10 = vector.shape_cast %get3A_2 : vector<32xf32> to vector<32x1xf32>
    %add3A = vector.broadcast %broadcast_in_dim3A : vector<1x129xf32> to vector<32x129xf32>
    %add3A_11 = vector.broadcast %broadcast_in_dim3A_10 : vector<32x1xf32> to vector<32x129xf32>
    %add3A_12 = arith.addf %add3A, %add3A_11 : vector<32x129xf32>
    %swap3A = arith.constant 0 : index
    %swap3A_13 = arith.constant 0 : index
    %swap3A_14 = arith.constant 0 : index
    %swap3A_15 = arith.constant 0 : index
    %swap3A_16 = vector.load %arg4[%swap3A, %swap3A_13, %swap3A_14, %swap3A_15] : memref<1x129x32x129xf32, #tpu.memory_space<vmem>>, vector<1x1x32x129xf32>
    %swap3A_17 = vector.shape_cast %swap3A_16 : vector<1x1x32x129xf32> to vector<32x129xf32>
    %swap3A_18 = vector.shape_cast %add3A_12 : vector<32x129xf32> to vector<1x1x32x129xf32>
    tpu.vector_store %arg4[%swap3A, %swap3A_13, %swap3A_14, %swap3A_15], %swap3A_18 {strides = array<i32>} : memref<1x129x32x129xf32, #tpu.memory_space<vmem>>, vector<1x1x32x129xf32>,
    %get3A_19 = arith.constant 0 : index
    %get3A_20 = arith.constant 1 : index
    %get3A_21 = arith.constant 0 : index
    %get3A_22 = vector.load %arg1[%get3A_19, %get3A_20, %get3A_21] : memref<1x129x129xf32, #tpu.memory_space<vmem>>, vector<1x128x129xf32>
    %get3A_23 = vector.shape_cast %get3A_22 : vector<1x128x129xf32> to vector<128x129xf32>
    %mul3A_24 = arith.constant 2.000000e+00 : f32
    %mul3A_25 = vector.broadcast %mul3A_24 : f32 to vector<128x129xf32>
    %mul3A_26 = arith.mulf %get3A_23, %mul3A_25 : vector<128x129xf32>
    %get3A_27 = arith.constant 0 : index
    %get3A_28 = arith.constant 0 : index
    %get3A_29 = arith.constant 0 : index
    %get3A_30 = arith.constant 0 : index
    %get3A_31 = vector.load %arg2[%get3A_27, %get3A_28, %get3A_29, %get3A_30] : memref<1x128x16x128xi32, #tpu.memory_space<vmem>>, vector<1x128x16x128xi32>
    %get3A_32 = vector.shape_cast %get3A_31 : vector<1x128x16x128xi32> to vector<128x16x128xi32>
    %shift_left3A = arith.constant 16 : i32
    %shift_left3A_33 = vector.broadcast %shift_left3A : i32 to vector<128x16x128xi32>
    %shift_left3A_34 = arith.shli %get3A_32, %shift_left3A_33 : vector<128x16x128xi32>
    %bitcast_convert_type3A = tpu.bitcast %shift_left3A_34 : vector<128x16x128xi32> -> vector<128x16x128xf32>
    %and3A = arith.constant -65536 : i32
    %and3A_35 = vector.broadcast %and3A : i32 to vector<128x16x128xi32>
    %and3A_36 = arith.andi %get3A_32, %and3A_35 : vector<128x16x128xi32>
    %bitcast_convert_type3A_37 = tpu.bitcast %and3A_36 : vector<128x16x128xi32> -> vector<128x16x128xf32>
    %concatenate3A = tpu.concatenate %bitcast_convert_type3A, %bitcast_convert_type3A_37 in 1 : vector<128x16x128xf32>, vector<128x16x128xf32> -> vector<128x32x128xf32>
    %broadcast_in_dim3A_38 = vector.shape_cast %get3A_2 : vector<32xf32> to vector<1x32x1xf32>
    %broadcast_in_dim3A_39 = vector.shape_cast %broadcast_in_dim3A_38 : vector<1x32x1xf32> to vector<1x32x1xf32>
    %broadcast_in_dim3A_40 = vector.broadcast %broadcast_in_dim3A_39 : vector<1x32x1xf32> to vector<128x32x1xf32>
    %concatenate3A_41 = tpu.concatenate %broadcast_in_dim3A_40, %concatenate3A in 2 : vector<128x32x1xf32>, vector<128x32x128xf32> -> vector<128x32x129xf32>
    %broadcast_in_dim3A_42 = vector.shape_cast %mul3A_26 : vector<128x129xf32> to vector<128x1x129xf32>
    %add3A_43 = vector.broadcast %broadcast_in_dim3A_42 : vector<128x1x129xf32> to vector<128x32x129xf32>
    %add3A_44 = arith.addf %add3A_43, %concatenate3A_41 : vector<128x32x129xf32>
    %swap3A_45 = arith.constant 0 : index
    %swap3A_46 = arith.constant 1 : index
    %swap3A_47 = arith.constant 0 : index
    %swap3A_48 = arith.constant 0 : index
    %swap3A_49 = vector.load %arg4[%swap3A_45, %swap3A_46, %swap3A_47, %swap3A_48] : memref<1x129x32x129xf32, #tpu.memory_space<vmem>>, vector<1x128x32x129xf32>
    %swap3A_50 = vector.shape_cast %swap3A_49 : vector<1x128x32x129xf32> to vector<128x32x129xf32>
    %swap3A_51 = vector.shape_cast %add3A_44 : vector<128x32x129xf32> to vector<1x128x32x129xf32>
    tpu.vector_store %arg4[%swap3A_45, %swap3A_46, %swap3A_47, %swap3A_48], %swap3A_51 {strides = array<i32>} : memref<1x129x32x129xf32, #tpu.memory_space<vmem>>, vector<1x128x32x129xf32>,
    return
  }
  func.func @transform_0(%arg0: i32) -> (i32, i32, i32) {
    %c0_i32 = arith.constant 0 : i32
    %c0_i32_0 = arith.constant 0 : i32
    %c0_i32_1 = arith.constant 0 : i32
    return %arg0, %c0_i32, %c0_i32_0 : i32, i32, i32
  }
  func.func @transform_1(%arg0: i32) -> (i32, i32, i32, i32) {
    %c0_i32 = arith.constant 0 : i32
    %c0_i32_0 = arith.constant 0 : i32
    %c0_i32_1 = arith.constant 0 : i32
    %c0_i32_2 = arith.constant 0 : i32
    return %arg0, %c0_i32, %c0_i32_0, %c0_i32_1 : i32, i32, i32, i32
  }
  func.func @transform_2(%arg0: i32) -> (i32, i32) {
    %c0_i32 = arith.constant 0 : i32
    %c0_i32_0 = arith.constant 0 : i32
    %c0_i32_1 = arith.constant 0 : i32
    return %c0_i32, %c0_i32_0 : i32, i32
  }
  func.func @transform_3(%arg0: i32) -> (i32, i32, i32, i32) {
    %c0_i32 = arith.constant 0 : i32
    %c0_i32_0 = arith.constant 0 : i32
    %c0_i32_1 = arith.constant 0 : i32
    %c0_i32_2 = arith.constant 0 : i32
    return %arg0, %c0_i32, %c0_i32_0, %c0_i32_1 : i32, i32, i32, i32
  }
}

</mosaic_0001>

<sc_bundles>
// kernel: _run.4.cloned.1.call-start
scs
__scs_entry_jumppad:
0x0: {  	(pc) =	sbr.rel $0x88, $3  }
0x1: {  	(tag) =	ssettag $0x0;
	lr =	simm.s32 $0x1  }
0x2: {  	[smem:$0x3F9B] =	sst lr;
	_ =	strace $0xD0000000  }
0x3: {  	_ = 	snop  }
0x4: {  	_ = 	snop  }
0x5: {  	_ = 	snop  }
0x6: {  	_ = 	snop  }
0x7: {  	_ = 	snop  }
__scs_overlays_trampoline_lowered:
0x8: {  	[smem:$0x3FAA] =	sst s0  }
0x9: {  	[smem:$0x3FAB] =	sst s1  }
0xa: {  	[smem:$0x3FAC] =	sst s2  }
0xb: {  	[smem:$0x3FAD] =	sst s3  }
0xc: {  	[smem:$0x3FAE] =	sst s4  }
0xd: {  	[smem:$0x3FAF] =	sst s5  }
0xe: {  	[smem:$0x3FB0] =	sst s6  }
0xf: {  	[smem:$0x3FB1] =	sst s7  }
0x10: {  	[smem:$0x3FB2] =	sst s8  }
0x11: {  	[smem:$0x3FB3] =	sst s9;
	s0 =	simm.s32 @!p0 $0x0  }
0x12: {  	s1 =	sld [smem:$0x3F99];
	s0 =	simm.s32 @p0 $0x1  }
0x13: {  	[smem:$0x3FB4] =	sst s0;
	s0 =	simm.s32 @!p1 $0x0  }
0x14: {  	s2 =	sld [smem:$0x3F98];
	s0 =	simm.s32 @p1 $0x1  }
0x15: {  	[smem:$0x3FB5] =	sst s0;
	s0 =	simm.s32 @!p2 $0x0  }
0x16: {  	s3 =	sld [smem:$0x3FDB];
	s0 =	simm.s32 @p2 $0x1  }
0x17: {  	s4 =	simm.s32 $0x1BF5;
	[smem:$0x3FB7] =	sst s0  }
0x18: {  	s0 =	sld [smem:$0x3F9A];
	_ =	swait.ge [sflag:s4], $0x0  }
0x19: {  	s7 =	sld [smem:$0x3F9B]  }
0x1a: {  	s8 =	sadd.s32 $0xFFFFE003, lr  }
0x1b: {  	s9 =	sadd.s32 $0xFFFFFEF7, lr;
	s5 =	simm.s32 $0xFFFFFFFF;
	p2 =	slt.u32 s8, $0xFFFFF086  }
0x1c: {  	p1 =	slt.u32 s9, $0xF7A;
	s5 =	simm.s32 @!p2 $0x0  }
0x1d: {  	s5 =	simm.s32 @p1 $0x1;
	p0 =	seq.s32 s7, s2  }
0x1e: {  	s7 =	smul.u32 @!p0 $0xF7A, s2;
	p2 =	seq.s32 @!p0 s5, $0x0  }
0x1f: {  	s9 =	smul.u32 $0xF7A, s1;
	s8 =	simm.s32 @!p0 $0x1BF5;
	p2 =	por !p2, p0  }
0x20: {  	[sflag:s8] =	ssyncset.s32 @!p0 $0xFFFFF086;
	s6 =	sadd.s32 @!p0 s3, s7;
	s7 =	simm.s32 @!p0 $0x108  }
0x21: {  	s3 =	sadd.s32 s3, s9;
	s6 =	sadd.s32 @!p0 $0x88, s6;
	s7 =	simm.s32 @p2 $0x1082  }
0x22: {  	[simem:s7], [sflag:s8] =	dma.local @!p0 [hbm:s6], $0xF7A  }
0x23: {  	s9 =	sor.u32 $0xD0000000, s2;
	s6 =	simm.s32 $0x108;
	_ =	swait.ge @!p0 [sflag:s8], $0x0  }
0x24: {  	s3 =	sadd.s32 $0x88, s3;
	s6 =	simm.s32 @!p1 $0x1082;
	[sflag:s4] =	ssyncset.s32 $0xFFFFF086  }
0x25: {  	[simem:s6], [sflag:s4] =	dma.local [hbm:s3], $0xF7A  }
0x26: {  	[smem:$0x3F9B] =	sst s1;
	(tag) =	ssettag s2;
	_ =	strace s9  }
0x27: {  	s1 =	sld [smem:$0x3FAB]  }
0x28: {  	s2 =	sld [smem:$0x3FAC]  }
0x29: {  	s4 =	sld [smem:$0x3FAE]  }
0x2a: {  	p0 =	seq.s32 s5, $0x0;
	s5 =	sld [smem:$0x3FAF]  }
0x2b: {  	s6 =	sld [smem:$0x3FB0]  }
0x2c: {  	s7 =	sld [smem:$0x3FB1]  }
0x2d: {  	s3 =	simm.s32 $0x108;
	s8 =	sld [smem:$0x3FB2]  }
0x2e: {  	s3 =	simm.s32 @!p0 $0x1082;
	s9 =	sld [smem:$0x3FB3]  }
0x2f: {  	lr =	sadd.s32 s0, s3;
	s0 =	sld [smem:$0x3FAA]  }
0x30: {  	s3 =	sld [smem:$0x3FAD]  }
0x31: {  	[smem:$0x3FB6] =	sst s10  }
0x32: {  	s10 =	sld [smem:$0x3FB4];
	_ =	sdelay $0x3  }
0x33: {  	p0 =	seq.s32 s10, $0x1;
	s10 =	sld [smem:$0x3FB6];
	_ =	sdelay $0x3  }
0x34: {  	[smem:$0x3FB6] =	sst s10  }
0x35: {  	s10 =	sld [smem:$0x3FB5];
	_ =	sdelay $0x3  }
0x36: {  	p1 =	seq.s32 s10, $0x1;
	s10 =	sld [smem:$0x3FB6];
	_ =	sdelay $0x3  }
0x37: {  	[smem:$0x3FB6] =	sst s10  }
0x38: {  	s10 =	sld [smem:$0x3FB7]  }
0x39: {  	_ = 	snop;
	(pc) =	sbr.ind lr, $3  }
0x3a: {  	_ = 	snop  }
0x3b: {  	_ = 	snop  }
0x3c: {  	p2 =	seq.s32 s10, $0x1;
	s10 =	sld [smem:$0x3FB6]  }
0x3d: {  	_ =	shalt  }
0x3e: {  	_ =	shalt  }
0x3f: {  	_ =	shalt  }
0x40: {  	_ =	shalt  }
0x41: {  	_ =	shalt  }
0x42: {  	_ =	shalt  }
0x43: {  	_ =	shalt  }
0x44: {  	_ =	shalt  }
0x45: {  	_ =	shalt  }
0x46: {  	_ =	shalt  }
0x47: {  	_ =	shalt  }
0x48: {  	_ =	shalt  }
0x49: {  	_ =	shalt  }
0x4a: {  	_ =	shalt  }
0x4b: {  	_ =	shalt  }
0x4c: {  	_ =	shalt  }
0x4d: {  	_ =	shalt  }
0x4e: {  	_ =	shalt  }
0x4f: {  	_ =	shalt  }
0x50: {  	_ =	shalt  }
0x51: {  	_ =	shalt  }
0x52: {  	_ =	shalt  }
0x53: {  	_ =	shalt  }
0x54: {  	_ =	shalt  }
0x55: {  	_ =	shalt  }
0x56: {  	_ =	shalt  }
0x57: {  	_ =	shalt  }
0x58: {  	_ =	shalt  }
0x59: {  	_ =	shalt  }
0x5a: {  	_ =	shalt  }
0x5b: {  	_ =	shalt  }
0x5c: {  	_ =	shalt  }
0x5d: {  	_ =	shalt  }
0x5e: {  	_ =	shalt  }
0x5f: {  	_ =	shalt  }
0x60: {  	_ =	shalt  }
0x61: {  	_ =	shalt  }
0x62: {  	_ =	shalt  }
0x63: {  	_ =	shalt  }
0x64: {  	_ =	shalt  }
0x65: {  	_ =	shalt  }
0x66: {  	_ =	shalt  }
0x67: {  	_ =	shalt  }
0x68: {  	_ =	shalt  }
0x69: {  	_ =	shalt  }
0x6a: {  	_ =	shalt  }
0x6b: {  	_ =	shalt  }
0x6c: {  	_ =	shalt  }
0x6d: {  	_ =	shalt  }
0x6e: {  	_ =	shalt  }
0x6f: {  	_ =	shalt  }
0x70: {  	_ =	shalt  }
0x71: {  	_ =	shalt  }
0x72: {  	_ =	shalt  }
0x73: {  	_ =	shalt  }
0x74: {  	_ =	shalt  }
0x75: {  	_ =	shalt  }
0x76: {  	_ =	shalt  }
0x77: {  	_ =	shalt  }
0x78: {  	_ =	shalt  }
0x79: {  	_ =	shalt  }
0x7a: {  	_ =	shalt  }
0x7b: {  	_ =	shalt  }
0x7c: {  	_ =	shalt  }
0x7d: {  	_ =	shalt  }
0x7e: {  	_ =	shalt  }
0x7f: {  	_ =	shalt  }
0x80: {  	_ =	shalt  }
0x81: {  	_ =	shalt  }
0x82: {  	_ =	shalt  }
0x83: {  	_ =	shalt  }
0x84: {  	_ =	shalt  }
0x85: {  	_ =	shalt  }
0x86: {  	_ =	shalt  }
0x87: {  	_ =	shalt  }
.Lfunc_end0:
.L_simem_size_0:
called_computation_lowered:
.L_overlay_start_0:
0x88: {  	s2 =	sld [smem:$0x3FD9]  }
0x89: {  	s3 =	sld [smem:$0x3FFE];
	_ =	sdelay $0x1  }
0x8a: {  	s1 =	srdreg.scid  }
0x8b: {  	s0 =	sand.u32 $0x1, s1  }
0x8c: {  	s17 =	sshll.u32 s0, $0xA;
	s2 =	sadd.s32 s3, s2  }
0x8d: {  	s2 =	sadd.s32 s2, s17  }
0x8e: {  	[smem:$0x3FC2] =	sst s2  }
0x8f: {  	_ = 	snop  }
0x90: {  	s2 =	sld [smem:$0x3FC8]  }
0x91: {  	s18 =	sld [smem:$0x3FD0];
	(tm) =	ssettm $0x1  }
0x92: {  	s4 =	sld [smem:$0x3FFB];
	_ =	sdelay $0x3  }
0x93: {  	_ =	strace s4  }
0x94: {  	s4 =	sld [smem:$0x3FFC];
	_ =	sdelay $0x3  }
0x95: {  	_ =	strace s4  }
0x96: {  	s4 =	sld [smem:$0x3FFD];
	_ =	sdelay $0x3  }
0x97: {  	_ =	strace s4  }
0x98: {  	_ =	strace $0x8FFFFFFF  }
0x99: {  	s19 =	sld [smem:$0x3FDB];
	_ =	sdelay $0x1  }
0x9a: {  	s5 =	simm.s32 $_scs_section_size  }
0x9b: {  	s6 =	simm.s32 $_size__tile_overlayer_lowered;
	s7 =	simm.s32 $_tile_overlayer_lowered  }
0x9c: {  	s22 =	simm.s32 $0x1BFF;
	s21 =	sshll.u32 s7, $0x1;
	s4 =	sadd.s32 s5, s19  }
0x9d: {  	s8 =	simm.s32 $0x0;
	s20 =	sshll.u32 s6, $0x1;
	s6 =	sadd.s32 s21, s4  }
0x9e: {  	[timem:s8], [sflag:s22] =	dma.local [hbm:s6], s20  }
0x9f: {  	_ =	swait.ge [sflag:s22], s20  }
0xa0: {  	s5 =	ssub.s32 $0x0, s20;
	[sflag:s22] =	ssyncset.done $0x0  }
0xa1: {  	[sflag:s22] =	ssyncadd.s32 s5;
	_ =	sdelay $0x1  }
0xa2: {  	s23 =	simm.s32 $0x1B8B  }
0xa3: {  	_ =	swait.ge [sflag:s23], $0x1  }
0xa4: {  	[sflag:s23] =	ssyncset.done $0x0  }
0xa5: {  	s25 =	simm.s32 $0x1B8E;
	s24 =	sld [smem:$0x3FFE];
	[sflag:s23] =	ssyncadd.s32 $0xFFFFFFFF  }
0xa6: {  	s26 =	simm.s32 $execute0_lowered;
	[smem:$0x3FD2] =	sst s25  }
0xa7: {  	s6 =	sshll.u32 s26, $0x1;
	_ =	strace $0x80000046;
	[dreg:$0x1] =	wrdreg $0xFFFFFFFF  }
0xa8: {  	s28 =	simm.s32 $_size_execute0_lowered;
	s4 =	sadd.s32 s4, s6;
	[dreg:$0x0] =	wrdreg $0x0  }
0xa9: {  	s6 =	sshll.u32 s28, $0x1;
	[dreg:$0x2] =	wrdreg s4  }
0xaa: {  	[dreg:$0x3] =	wrdreg s6  }
0xab: {  	[dreg:$0x4] =	wrdreg $0xC0  }
0xac: {  	_ =	task [dreg:s8], $0x5FFFF  }
0xad: {  	[dreg:$0x1] =	wrdreg $0xFFFFFFFF  }
0xae: {  	[dreg:$0x0] =	wrdreg $0x60  }
0xaf: {  	[dreg:$0x2] =	wrdreg s24  }
0xb0: {  	[dreg:$0x3] =	wrdreg s2  }
0xb1: {  	[dreg:$0x4] =	wrdreg s18  }
0xb2: {  	[dreg:$0x5] =	wrdreg $0x9  }
0xb3: {  	_ =	task.clear_ibuf [dreg:s8], $0x6FFFF;
	_ =	strace $0x90000046  }
0xb4: {  	s29 =	simm.s32 $0x9;
	_ =	strace $0x80000048  }
0xb5: {  	_ =	swait.ge [sflag:s29], $0x1  }
0xb6: {  	[sflag:s29] =	ssyncadd.s32 $0xFFFFFFFF  }
0xb7: {  	_ =	strace $0x90000048  }
0xb8: {  	_ =	sfence  }
0xb9: {  	s30 =	sld [smem:$0x0];
	_ =	sdelay $0x2  }
0xba: {  	s31 =	sshll.u32 s1, $0xD;
	s1 =	sshrl.u32 s1, $0x2  }
0xbb: {  	s3 =	sand.u32 $0x4000, s31;
	s1 =	sadd.s32 s1, s30  }
0xbc: {  	s0 =	sor.u32 s3, s0;
	s1 =	sshll.u32 s1, $0x11  }
0xbd: {  	s0 =	sor.u32 s1, s0  }
0xbe: {  	s0 =	sadd.s32 $0x8F2B, s0  }
0xbf: {  	[sflag:s0] =	ssyncadd.remote.s32 $0x1  }
0xc0: {  	_ =	sfence.sel $0xFFFF  }
0xc1: {  	[dreg:$0x0] =	wrdreg $0xFFFFFFFF;
	(pc) =	sbr.abs _section_cstart, $3  }
0xc2: {  	[dreg:$0x1] =	wrdreg $0xFFFFFFFF  }
0xc3: {  	_ =	task.clear_ibuf [dreg:s8], $0x2FFFF;
	_ =	strace $0x9FFFFFFF  }
0xc4: {  	(tm) =	ssettm $0x7FFFFFFF  }
0xc5: {  	_ =	shalt  }
tec
execute0_lowered:
.L_overlay_start_1:
0x0: {  	(tag) =	ssettag $0x1  }
0x1: {  	s0 =	rddreg [dreg:$0x0]  }
0x2: {  	s1 =	rddreg [dreg:$0x1]  }
0x3: {  	s2 =	rddreg [dreg:$0x2];
	s4 =	simm.s32 $0x0  }
0x4: {  	s3 =	srdreg.scid;
	s6 =	stileid.u32;
	s17 =	simm.s32 $0x80  }
0x5: {  	s28 =	simm.s32 $0xC00;
	s29 =	simm.s32 $0x2C00;
	s30 =	simm.s32 $0x300  }
0x6: {  	s31 =	simm.s32 $0x3400;
	s18 =	simm.s32 $0x4400;
	s19 =	simm.s32 $0x4  }
0x7: {  	s20 =	simm.s32 $0x4C00;
	s22 =	simm.s32 $0x6;
	[smem:$0x7FF] =	sst s4  }
0x8: {  	s5 =	sadd.s32 $0x1200, s0;
	s3 =	sand.u32 $0x1, s3;
	s7 =	sshll.u32 s6, $0x1  }
0x9: {  	s6 =	sadd.s32 $0x1800, s0;
	_ =	strace $0x80000047;
	s9 =	ssub.s32 $0x2, s3  }
0xa: {  	s3 =	sor.u32 s3, s7;
	s7 =	sadd.s32 $0x2600, s0;
	s23 =	sshrl.u32 s9, $0x1  }
0xb: {  	v0 =	vlaneseq.u32;
	s8 =	sshll.u32 s3, $0x8;
	s24 =	smul.u32 $0x3000, s3;
	s11 =	sshll.u32 s3, $0xC  }
0xc: {  	v0 =	vmul.u32 $0x80, v0;
	s13 =	sshll.u32 s3, $0x10;
	s3 =	simm.s32 $0x3C00;
	s0 =	ssub.s32 s9, s23  }
0xd: {  	s10 =	sor.u32 $0x1, s8;
	s11 =	sadd.s32 s1, s11;
	s23 =	simm.s32 $0x0  }
0xe: {  	v1 =	vor.u32 $0x1, v0;
	v2 =	vor.u32 $0x2, v0;
	v3 =	vor.u32 $0x3, v0;
	s12 =	sshll.u32 s10, $0x4;
	[dreg:$0x4] =	wrdreg s11;
	s9 =	sadd.s32 s2, s24  }
0xf: {  	v4 =	vor.u32 $0x4, v0;
	v5 =	vor.u32 $0x5, v0;
	v6 =	vor.u32 $0x6, v0;
	s10 =	smul.u32 $0x30, s10;
	s0 =	smax.u32 s0, $0x1;
	[dreg:$0x5] =	wrdreg s9  }
0x10: {  	v7 =	vor.u32 $0x7, v0;
	v8 =	vor.u32 $0x8, v0;
	v9 =	vor.u32 $0x9, v0;
	s24 =	simm.s32 $0x280;
	s25 =	sadd.s32 s1, s12;
	[dreg:$0x8] =	wrdreg s0  }
0x11: {  	v10 =	vor.u32 $0xA, v0;
	v11 =	vor.u32 $0xB, v0;
	v12 =	vor.u32 $0xC, v0;
	s0 =	simm.s32 $0x380;
	[dreg:$0x6] =	wrdreg s25;
	s26 =	sadd.s32 s2, s10  }
0x12: {  	v13 =	vor.u32 $0xD, v0;
	v14 =	vor.u32 $0xE, v0;
	v15 =	vor.u32 $0xF, v0;
	s25 =	simm.s32 $0x3;
	[dreg:$0x7] =	wrdreg s26;
	s26 =	simm.s32 $0x2  }
.LBB2_1:
0x13: {  	s9 =	rddreg [dreg:$0x4];
	s10 =	simm.s32 $0x7  }
0x14: {  	[tilespmem:s4], [sflag:$0x7] =	stream.linear.gather [hbm4b:s9+s4], $0x80, $0x38;
	[tilespmem:$0x5400] =	vst v63  }
0x15: {  	_ =	swait.ge [sflag:s10], $0x80  }
0x16: {  	[sflag:s10] =	ssyncset.done $0x0  }
0x17: {  	s11 =	simm.s32 $0x100;
	s16 =	rddreg [dreg:$0x5];
	[sflag:s10] =	ssyncadd.s32 $0xFFFFFF80  }
0x18: {  	[tilespmem:s11], [sflag:$0x7] =	stream.linear.gather [hbm4b:s16+s4], $0x180, $0x38;
	[tilespmem:$0x5400] =	vst v63  }
0x19: {  	_ =	swait.ge [sflag:s10], $0x180  }
0x1a: {  	[sflag:s10] =	ssyncset.done $0x0  }
0x1b: {  	s21 =	simm.s32 $0x400;
	[sflag:s10] =	ssyncadd.s32 $0xFFFFFE80  }
0x1c: {  	[tilespmem:s21], [sflag:$0x3] =	stream.indirect.gather [hbm4b:s5+s17], $0x10, s4, s17, $0xb8;
	[tilespmem:$0x5400] =	vst v63  }
0x1d: {  	s10 =	simm.s32 $0x1400  }
0x1e: {  	[tilespmem:s10], [sflag:$0x3] =	stream.indirect.gather [hbm4b:s6+s17], $0x10, s11, s17, $0xb8;
	[tilespmem:$0x5400] =	vst v63  }
0x1f: {  	s12 =	simm.s32 $0x1C00;
	s11 =	simm.s32 $0x180  }
0x20: {  	[tilespmem:s12], [sflag:$0x3] =	stream.indirect.gather [hbm4b:s6+s17], $0x10, s11, s17, $0xb8;
	[tilespmem:$0x5400] =	vst v63  }
0x21: {  	s14 =	simm.s32 $0x200;
	s15 =	simm.s32 $0x2400  }
0x22: {  	[tilespmem:s15], [sflag:$0x3] =	stream.indirect.gather [hbm4b:s6+s17], $0x10, s14, s17, $0xb8;
	[tilespmem:$0x5400] =	vst v63  }
0x23: {  	s16 =	rddreg [dreg:$0x6]  }
0x24: {  	[tilespmem:s17], [sflag:$0x2] =	stream.linear.gather [hbm4b:s16+s4], $0x80, $0x38;
	[tilespmem:$0x5400] =	vst v63  }
0x25: {  	s21 =	rddreg [dreg:$0x7];
	s16 =	simm.s32 $0x0  }
0x26: {  	[tilespmem:s24], [sflag:$0x2] =	stream.linear.gather [hbm4b:s21+s4], $0x180, $0x38;
	[tilespmem:$0x5400] =	vst v63  }
.LBB2_2:
0x27: {  	_ =	swait.ge [sflag:s25], $0x800  }
0x28: {  	[sflag:s25] =	ssyncset.done $0x0  }
0x29: {  	[sflag:s25] =	ssyncadd.s32 $0xFFFFF800  }
0x2a: {  	_ =	swait.ge [sflag:s25], $0x800  }
0x2b: {  	[sflag:s25] =	ssyncset.done $0x0  }
0x2c: {  	[sflag:s25] =	ssyncadd.s32 $0xFFFFF800  }
0x2d: {  	s9 =	sshll.u32 s16, $0x1;
	p0 =	seq.s32 s16, $0x7F;
	_ =	swait.ge [sflag:s25], $0x800  }
0x2e: {  	s10 =	sor.u32 @!p0 s8, s9;
	[sflag:s25] =	ssyncset.done $0x0  }
0x2f: {  	s10 =	sadd.s32 @!p0 $0x2, s10;
	[sflag:s25] =	ssyncadd.s32 $0xFFFFF800  }
0x30: {  	s11 =	sshll.u32 @!p0 s10, $0x4;
	_ =	swait.ge [sflag:s25], $0x800  }
0x31: {  	s12 =	simm.s32 @!p0 $0x0;
	s11 =	sand.u32 @!p0 $0x1FFFFFE0, s11;
	[sflag:s25] =	ssyncset.done $0x0  }
0x32: {  	s10 =	smul.u32 @!p0 $0x30, s10;
	s11 =	sadd.s32 @!p0 s1, s11;
	[sflag:s25] =	ssyncadd.s32 $0xFFFFF800  }
0x33: {  	[tilespmem:s12], [sflag:$0x1] =	stream.linear.gather @!p0 [hbm4b:s11+s12], $0x80, $0x38;
	[tilespmem:$0x5400] =	vst v63  }
0x34: {  	s10 =	sadd.s32 @!p0 s2, s10;
	s11 =	simm.s32 @!p0 $0x100  }
0x35: {  	[tilespmem:s11], [sflag:$0x1] =	stream.linear.gather @!p0 [hbm4b:s10+s12], $0x180, $0x38;
	[tilespmem:$0x5400] =	vst v63  }
0x36: {  	_ =	swait.ge [sflag:s26], $0x80  }
0x37: {  	[sflag:s26] =	ssyncset.done $0x0  }
0x38: {  	[sflag:s26] =	ssyncadd.s32 $0xFFFFFF80  }
0x39: {  	_ =	swait.ge [sflag:s26], $0x180  }
0x3a: {  	[sflag:s26] =	ssyncset.done $0x0  }
0x3b: {  	[sflag:s26] =	ssyncadd.s32 $0xFFFFFE80  }
0x3c: {  	[tilespmem:s28], [sflag:$0x4] =	stream.indirect.gather [hbm4b:s5+s17], $0x10, s17, s17, $0xb8;
	[tilespmem:$0x5400] =	vst v63  }
0x3d: {  	_ = 	snop  }
0x3e: {  	[tilespmem:s29], [sflag:$0x4] =	stream.indirect.gather [hbm4b:s6+s17], $0x10, s24, s17, $0xb8;
	[tilespmem:$0x5400] =	vst v63  }
0x3f: {  	p1 =	seq.s32 s16, $0x0  }
0x40: {  	[tilespmem:s31], [sflag:$0x4] =	stream.indirect.gather [hbm4b:s6+s17], $0x10, s30, s17, $0xb8;
	[tilespmem:$0x5400] =	vst v63  }
0x41: {  	s10 =	simm.s32 @!p1 $0x5  }
0x42: {  	[tilespmem:s3], [sflag:$0x4] =	stream.indirect.gather [hbm4b:s6+s17], $0x10, s0, s17, $0xb8;
	[tilespmem:$0x5400] =	vst v63  }
0x43: {  	_ =	swait.ge @!p1 [sflag:s10], $0x800  }
0x44: {  	[sflag:s10] =	ssyncset.done @!p1 $0x0  }
0x45: {  	[sflag:s10] =	ssyncadd.s32 @!p1 $0xFFFFF800;
	s10 =	simm.s32 $0x480  }
0x46: {  	s11 =	simm.s32 $0x1580;
	v16 =	vld [tilespmem:s10+$0xFFFFFF80]  }
0x47: {  	v17 =	vld [tilespmem:s11+$0xFFFFFEA0]  }
0x48: {  	v18 =	vld [tilespmem:s11+$0xFFFFFE90]  }
0x49: {  	v19 =	vld [tilespmem:s11+$0xFFFFFE80];
	_ =	sdelay $0x3  }
0x4a: {  	v20 =	vshll.u32 v16, $0x10;
	v21 =	vshll.u32 v18, $0x10;
	v18 =	vadd.f32 v17, v18  }
0x4b: {  	v22 =	vshll.u32 v19, $0x10;
	v17 =	vshll.u32 v17, $0x10;
	v19 =	vadd.f32 v19, v16  }
0x4c: {  	v16 =	vimm.s32 $0x0;
	v20 =	vadd.f32 v22, v20;
	v17 =	vadd.f32 v17, v21  }
0x4d: {  	v49 =	vadd.s32 v0, v16  }
0x4e: {  	v18 =	vadd.f32 v18, v19;
	v17 =	vadd.f32 v17, v20;
	_ =	sdelay $0x1  }
0x4f: {  	v18 =	vand.u32 $0xFFFF0000, v18;
	v17 =	vshrl.u32 v17, $0x10  }
0x50: {  	v17 =	vor.u32 v18, v17  }
0x51: {  	[tilespmem:v49+s18+$0x0] =	vst.idx.msk $0xffff, v17  }
0x52: {  	v17 =	vld [tilespmem:s11+$0xFFFFFED0]  }
0x53: {  	v18 =	vld [tilespmem:s11+$0xFFFFFEC0]  }
0x54: {  	v19 =	vld [tilespmem:s11+$0xFFFFFEB0]  }
0x55: {  	v20 =	vld [tilespmem:s10+$0xFFFFFF90];
	_ =	sdelay $0x3  }
0x56: {  	v50 =	vshll.u32 v17, $0x10;
	v51 =	vshll.u32 v18, $0x10;
	v17 =	vadd.f32 v17, v18  }
0x57: {  	v52 =	vshll.u32 v20, $0x10;
	v53 =	vshll.u32 v19, $0x10;
	v19 =	vadd.f32 v19, v20  }
0x58: {  	v18 =	vadd.f32 v50, v51;
	v20 =	vadd.f32 v53, v52  }
0x59: {  	v54 =	vadd.s32 v1, v16  }
0x5a: {  	v17 =	vadd.f32 v17, v19;
	v18 =	vadd.f32 v18, v20;
	_ =	sdelay $0x1  }
0x5b: {  	v17 =	vand.u32 $0xFFFF0000, v17;
	v18 =	vshrl.u32 v18, $0x10  }
0x5c: {  	v17 =	vor.u32 v17, v18  }
0x5d: {  	[tilespmem:v54+s18+$0x0] =	vst.idx.msk $0xffff, v17  }
0x5e: {  	v17 =	vld [tilespmem:s11+$0xFFFFFEF0]  }
0x5f: {  	v18 =	vld [tilespmem:s11+$0xFFFFFEE0]  }
0x60: {  	v19 =	vld [tilespmem:s10+$0xFFFFFFA0]  }
0x61: {  	v20 =	vld [tilespmem:s11+$0xFFFFFF00];
	_ =	sdelay $0x3  }
0x62: {  	v55 =	vshll.u32 v18, $0x10;
	v56 =	vshll.u32 v19, $0x10;
	v23 =	vshll.u32 v17, $0x10  }
0x63: {  	v18 =	vadd.f32 v18, v19;
	v57 =	vshll.u32 v20, $0x10;
	v17 =	vadd.f32 v20, v17  }
0x64: {  	v19 =	vadd.f32 v55, v56;
	v20 =	vadd.f32 v57, v23  }
0x65: {  	v58 =	vadd.s32 v2, v16  }
0x66: {  	v17 =	vadd.f32 v17, v18;
	v18 =	vadd.f32 v20, v19;
	_ =	sdelay $0x1  }
0x67: {  	v17 =	vand.u32 $0xFFFF0000, v17;
	v18 =	vshrl.u32 v18, $0x10  }
0x68: {  	v17 =	vor.u32 v17, v18  }
0x69: {  	[tilespmem:v58+s18+$0x0] =	vst.idx.msk $0xffff, v17  }
0x6a: {  	v17 =	vld [tilespmem:s10+$0xFFFFFFB0]  }
0x6b: {  	v18 =	vld [tilespmem:s11+$0xFFFFFF10]  }
0x6c: {  	v19 =	vld [tilespmem:s11+$0xFFFFFF20]  }
0x6d: {  	v20 =	vld [tilespmem:s11+$0xFFFFFF30];
	_ =	sdelay $0x3  }
0x6e: {  	v59 =	vshll.u32 v17, $0x10;
	v60 =	vshll.u32 v18, $0x10;
	v17 =	vadd.f32 v18, v17  }
0x6f: {  	v61 =	vshll.u32 v19, $0x10;
	v62 =	vshll.u32 v20, $0x10;
	v19 =	vadd.f32 v20, v19  }
0x70: {  	v18 =	vadd.f32 v60, v59;
	v20 =	vadd.f32 v62, v61  }
0x71: {  	v63 =	vadd.s32 v3, v16  }
0x72: {  	v17 =	vadd.f32 v19, v17;
	v18 =	vadd.f32 v20, v18;
	_ =	sdelay $0x1  }
0x73: {  	v17 =	vand.u32 $0xFFFF0000, v17;
	v18 =	vshrl.u32 v18, $0x10  }
0x74: {  	v17 =	vor.u32 v17, v18  }
0x75: {  	[tilespmem:v63+s18+$0x0] =	vst.idx.msk $0xffff, v17  }
0x76: {  	v17 =	vld [tilespmem:s11+$0xFFFFFF60]  }
0x77: {  	v18 =	vld [tilespmem:s11+$0xFFFFFF40]  }
0x78: {  	v19 =	vld [tilespmem:s10+$0xFFFFFFC0]  }
0x79: {  	v20 =	vld [tilespmem:s11+$0xFFFFFF50];
	_ =	sdelay $0x3  }
0x7a: {  	v24 =	vshll.u32 v18, $0x10;
	v25 =	vshll.u32 v19, $0x10;
	v26 =	vshll.u32 v17, $0x10  }
0x7b: {  	v18 =	vadd.f32 v18, v19;
	v27 =	vshll.u32 v20, $0x10;
	v17 =	vadd.f32 v17, v20  }
0x7c: {  	v19 =	vadd.f32 v24, v25;
	v20 =	vadd.f32 v26, v27  }
0x7d: {  	v28 =	vadd.s32 v4, v16  }
0x7e: {  	v17 =	vadd.f32 v17, v18;
	v18 =	vadd.f32 v20, v19;
	_ =	sdelay $0x1  }
0x7f: {  	v17 =	vand.u32 $0xFFFF0000, v17;
	v18 =	vshrl.u32 v18, $0x10  }
0x80: {  	v17 =	vor.u32 v17, v18  }
0x81: {  	[tilespmem:v28+s18+$0x0] =	vst.idx.msk $0xffff, v17  }
0x82: {  	v17 =	vld [tilespmem:s11+$0xFFFFFF90]  }
0x83: {  	v18 =	vld [tilespmem:s11+$0xFFFFFF70]  }
0x84: {  	v19 =	vld [tilespmem:s10+$0xFFFFFFD0]  }
0x85: {  	v20 =	vld [tilespmem:s11+$0xFFFFFF80];
	_ =	sdelay $0x3  }
0x86: {  	v29 =	vshll.u32 v18, $0x10;
	v30 =	vshll.u32 v19, $0x10;
	v31 =	vshll.u32 v17, $0x10  }
0x87: {  	v18 =	vadd.f32 v18, v19;
	v32 =	vshll.u32 v20, $0x10;
	v17 =	vadd.f32 v17, v20  }
0x88: {  	v19 =	vadd.f32 v29, v30;
	v20 =	vadd.f32 v31, v32  }
0x89: {  	v33 =	vadd.s32 v5, v16  }
0x8a: {  	v17 =	vadd.f32 v17, v18;
	v18 =	vadd.f32 v20, v19;
	_ =	sdelay $0x1  }
0x8b: {  	v17 =	vand.u32 $0xFFFF0000, v17;
	v18 =	vshrl.u32 v18, $0x10  }
0x8c: {  	v17 =	vor.u32 v17, v18  }
0x8d: {  	[tilespmem:v33+s18+$0x0] =	vst.idx.msk $0xffff, v17  }
0x8e: {  	v17 =	vld [tilespmem:s11+$0xFFFFFFA0]  }
0x8f: {  	v18 =	vld [tilespmem:s11+$0xFFFFFFC0]  }
0x90: {  	v19 =	vld [tilespmem:s11+$0xFFFFFFB0]  }
0x91: {  	v20 =	vld [tilespmem:s10+$0xFFFFFFE0];
	_ =	sdelay $0x3  }
0x92: {  	v34 =	vshll.u32 v17, $0x10;
	v35 =	vshll.u32 v19, $0x10;
	v36 =	vshll.u32 v18, $0x10  }
0x93: {  	v18 =	vadd.f32 v18, v19;
	v19 =	vshll.u32 v20, $0x10;
	v17 =	vadd.f32 v17, v20  }
0x94: {  	v22 =	vadd.f32 v36, v35;
	v19 =	vadd.f32 v34, v19  }
0x95: {  	v20 =	vadd.s32 v6, v16  }
0x96: {  	v17 =	vadd.f32 v18, v17;
	v18 =	vadd.f32 v22, v19;
	_ =	sdelay $0x1  }
0x97: {  	v17 =	vand.u32 $0xFFFF0000, v17;
	v18 =	vshrl.u32 v18, $0x10  }
0x98: {  	v17 =	vor.u32 v17, v18  }
0x99: {  	[tilespmem:v20+s18+$0x0] =	vst.idx.msk $0xffff, v17  }
0x9a: {  	v17 =	vld [tilespmem:s11+$0xFFFFFFD0]  }
0x9b: {  	v18 =	vld [tilespmem:s11+$0xFFFFFFF0]  }
0x9c: {  	v19 =	vld [tilespmem:s11+$0xFFFFFFE0]  }
0x9d: {  	v20 =	vld [tilespmem:s10+$0xFFFFFFF0];
	_ =	sdelay $0x3  }
0x9e: {  	v37 =	vshll.u32 v17, $0x10;
	v38 =	vshll.u32 v19, $0x10;
	v19 =	vadd.f32 v18, v19  }
0x9f: {  	v39 =	vshll.u32 v20, $0x10;
	v18 =	vshll.u32 v18, $0x10;
	v17 =	vadd.f32 v17, v20  }
0xa0: {  	v20 =	vadd.f32 v37, v39;
	v18 =	vadd.f32 v18, v38  }
0xa1: {  	v40 =	vadd.s32 v7, v16  }
0xa2: {  	v17 =	vadd.f32 v19, v17;
	v18 =	vadd.f32 v18, v20;
	_ =	sdelay $0x1  }
0xa3: {  	v17 =	vand.u32 $0xFFFF0000, v17;
	v18 =	vshrl.u32 v18, $0x10  }
0xa4: {  	v17 =	vor.u32 v17, v18  }
0xa5: {  	[tilespmem:v40+s18+$0x0] =	vst.idx.msk $0xffff, v17  }
0xa6: {  	v17 =	vld [tilespmem:s11+$0x10]  }
0xa7: {  	v18 =	vld [tilespmem:s11+$0x0]  }
0xa8: {  	v19 =	vld [tilespmem:s10+$0x0]  }
0xa9: {  	v20 =	vld [tilespmem:s11+$0x20];
	_ =	sdelay $0x3  }
0xaa: {  	v41 =	vshll.u32 v18, $0x10;
	v42 =	vshll.u32 v19, $0x10;
	v43 =	vshll.u32 v17, $0x10  }
0xab: {  	v18 =	vadd.f32 v18, v19;
	v44 =	vshll.u32 v20, $0x10;
	v17 =	vadd.f32 v20, v17  }
0xac: {  	v19 =	vadd.f32 v41, v42;
	v20 =	vadd.f32 v44, v43  }
0xad: {  	v45 =	vadd.s32 v8, v16  }
0xae: {  	v17 =	vadd.f32 v17, v18;
	v18 =	vadd.f32 v20, v19;
	_ =	sdelay $0x1  }
0xaf: {  	v17 =	vand.u32 $0xFFFF0000, v17;
	v18 =	vshrl.u32 v18, $0x10  }
0xb0: {  	v17 =	vor.u32 v17, v18  }
0xb1: {  	[tilespmem:v45+s18+$0x0] =	vst.idx.msk $0xffff, v17  }
0xb2: {  	v17 =	vld [tilespmem:s11+$0x30]  }
0xb3: {  	v18 =	vld [tilespmem:s11+$0x50]  }
0xb4: {  	v19 =	vld [tilespmem:s10+$0x10]  }
0xb5: {  	v20 =	vld [tilespmem:s11+$0x40];
	_ =	sdelay $0x3  }
0xb6: {  	v46 =	vshll.u32 v17, $0x10;
	v47 =	vshll.u32 v18, $0x10;
	v48 =	vshll.u32 v19, $0x10  }
0xb7: {  	v49 =	vshll.u32 v20, $0x10;
	v18 =	vadd.f32 v18, v20;
	v17 =	vadd.f32 v17, v19  }
0xb8: {  	v21 =	vadd.f32 v46, v48;
	v20 =	vadd.f32 v47, v49  }
0xb9: {  	v19 =	vadd.s32 v9, v16  }
0xba: {  	v17 =	vadd.f32 v18, v17;
	v20 =	vadd.f32 v20, v21;
	_ =	sdelay $0x1  }
0xbb: {  	v17 =	vand.u32 $0xFFFF0000, v17;
	v18 =	vshrl.u32 v20, $0x10  }
0xbc: {  	v17 =	vor.u32 v17, v18  }
0xbd: {  	[tilespmem:v19+s18+$0x0] =	vst.idx.msk $0xffff, v17  }
0xbe: {  	v17 =	vld [tilespmem:s11+$0x70]  }
0xbf: {  	v18 =	vld [tilespmem:s11+$0x60]  }
0xc0: {  	v19 =	vld [tilespmem:s10+$0x20]  }
0xc1: {  	v20 =	vld [tilespmem:s11+$0x80];
	_ =	sdelay $0x3  }
0xc2: {  	v50 =	vshll.u32 v18, $0x10;
	v51 =	vshll.u32 v19, $0x10;
	v52 =	vshll.u32 v17, $0x10  }
0xc3: {  	v18 =	vadd.f32 v18, v19;
	v53 =	vshll.u32 v20, $0x10;
	v17 =	vadd.f32 v20, v17  }
0xc4: {  	v19 =	vadd.f32 v50, v51;
	v20 =	vadd.f32 v53, v52  }
0xc5: {  	v54 =	vadd.s32 v10, v16  }
0xc6: {  	v17 =	vadd.f32 v17, v18;
	v18 =	vadd.f32 v20, v19;
	_ =	sdelay $0x1  }
0xc7: {  	v17 =	vand.u32 $0xFFFF0000, v17;
	v18 =	vshrl.u32 v18, $0x10  }
0xc8: {  	v17 =	vor.u32 v17, v18  }
0xc9: {  	[tilespmem:v54+s18+$0x0] =	vst.idx.msk $0xffff, v17  }
0xca: {  	v17 =	vld [tilespmem:s10+$0x30]  }
0xcb: {  	v18 =	vld [tilespmem:s11+$0x90]  }
0xcc: {  	v19 =	vld [tilespmem:s11+$0xB0]  }
0xcd: {  	v20 =	vld [tilespmem:s11+$0xA0];
	_ =	sdelay $0x3  }
0xce: {  	v55 =	vshll.u32 v18, $0x10;
	v18 =	vadd.f32 v18, v17;
	v17 =	vshll.u32 v17, $0x10  }
0xcf: {  	v56 =	vshll.u32 v19, $0x10;
	v57 =	vshll.u32 v20, $0x10;
	v19 =	vadd.f32 v19, v20  }
0xd0: {  	v17 =	vadd.f32 v55, v17;
	v20 =	vadd.f32 v56, v57  }
0xd1: {  	v58 =	vadd.s32 v11, v16  }
0xd2: {  	v18 =	vadd.f32 v19, v18;
	v17 =	vadd.f32 v20, v17;
	_ =	sdelay $0x1  }
0xd3: {  	v18 =	vand.u32 $0xFFFF0000, v18;
	v17 =	vshrl.u32 v17, $0x10  }
0xd4: {  	v17 =	vor.u32 v18, v17  }
0xd5: {  	[tilespmem:v58+s18+$0x0] =	vst.idx.msk $0xffff, v17  }
0xd6: {  	v17 =	vld [tilespmem:s11+$0xE0]  }
0xd7: {  	v18 =	vld [tilespmem:s11+$0xC0]  }
0xd8: {  	v19 =	vld [tilespmem:s10+$0x40]  }
0xd9: {  	v20 =	vld [tilespmem:s11+$0xD0];
	_ =	sdelay $0x3  }
0xda: {  	v59 =	vshll.u32 v18, $0x10;
	v60 =	vshll.u32 v19, $0x10;
	v61 =	vshll.u32 v17, $0x10  }
0xdb: {  	v18 =	vadd.f32 v18, v19;
	v62 =	vshll.u32 v20, $0x10;
	v17 =	vadd.f32 v17, v20  }
0xdc: {  	v19 =	vadd.f32 v59, v60;
	v20 =	vadd.f32 v61, v62  }
0xdd: {  	v63 =	vadd.s32 v12, v16  }
0xde: {  	v17 =	vadd.f32 v17, v18;
	v18 =	vadd.f32 v20, v19;
	_ =	sdelay $0x1  }
0xdf: {  	v17 =	vand.u32 $0xFFFF0000, v17;
	v18 =	vshrl.u32 v18, $0x10  }
0xe0: {  	v17 =	vor.u32 v17, v18  }
0xe1: {  	[tilespmem:v63+s18+$0x0] =	vst.idx.msk $0xffff, v17  }
0xe2: {  	s14 =	simm.s32 $0x0;
	v18 =	vld [tilespmem:s11+$0x110]  }
0xe3: {  	s21 =	simm.s32 $0x480;
	s9 =	sor.u32 $0x1, s9;
	s12 =	simm.s32 $0x1580;
	v17 =	vimm.s32 $0x0;
	v19 =	vld [tilespmem:s11+$0x100]  }
.LBB2_3:
0xe4: {  	s14 =	sadd.s32 $0x10, s14;
	v20 =	vld [tilespmem:s10+$0x50];
	v16 =	vadd.s32 $0x10, v16;
	s11 =	sadd.s32 $0x300, s11;
	s21 =	sadd.s32 $0x100, s21  }
0xe5: {  	p1 =	slt.u32 s14, $0x70;
	v21 =	vld [tilespmem:s12+$0xF0];
	_ =	sdelay $0x2  }
0xe6: {  	v22 =	vshll.u32 v19, $0x10;
	v19 =	vadd.f32 v18, v19  }
0xe7: {  	v18 =	vshll.u32 v18, $0x10  }
0xe8: {  	v23 =	vshll.u32 v20, $0x10;
	v24 =	vshll.u32 v21, $0x10;
	v20 =	vadd.f32 v21, v20  }
0xe9: {  	v18 =	vadd.f32 v18, v22;
	v21 =	vadd.f32 v24, v23  }
0xea: {  	v22 =	vadd.s32 v13, v17  }
0xeb: {  	v19 =	vadd.f32 v19, v20;
	v18 =	vadd.f32 v18, v21;
	_ =	sdelay $0x1  }
0xec: {  	v19 =	vand.u32 $0xFFFF0000, v19;
	v18 =	vshrl.u32 v18, $0x10  }
0xed: {  	v18 =	vor.u32 v19, v18  }
0xee: {  	[tilespmem:v22+s18+$0x0] =	vst.idx.msk $0xffff, v18  }
0xef: {  	v18 =	vld [tilespmem:s10+$0x60]  }
0xf0: {  	v19 =	vld [tilespmem:s12+$0x120]  }
0xf1: {  	v20 =	vld [tilespmem:s12+$0x130]  }
0xf2: {  	v21 =	vld [tilespmem:s12+$0x140];
	_ =	sdelay $0x2  }
0xf3: {  	v22 =	vshll.u32 v19, $0x10;
	v19 =	vadd.f32 v19, v18  }
0xf4: {  	v18 =	vshll.u32 v18, $0x10;
	v23 =	vshll.u32 v20, $0x10  }
0xf5: {  	v18 =	vadd.f32 v22, v18;
	v22 =	vshll.u32 v21, $0x10;
	v20 =	vadd.f32 v21, v20  }
0xf6: {  	v21 =	vadd.f32 v22, v23  }
0xf7: {  	v19 =	vadd.f32 v20, v19;
	v20 =	vadd.s32 v14, v17  }
0xf8: {  	v18 =	vadd.f32 v21, v18;
	_ =	sdelay $0x1  }
0xf9: {  	v19 =	vand.u32 $0xFFFF0000, v19;
	v18 =	vshrl.u32 v18, $0x10  }
0xfa: {  	v18 =	vor.u32 v19, v18  }
0xfb: {  	[tilespmem:v20+s18+$0x0] =	vst.idx.msk $0xffff, v18  }
0xfc: {  	v18 =	vld [tilespmem:s12+$0x150]  }
0xfd: {  	v19 =	vld [tilespmem:s10+$0x70];
	s10 =	smov.u32 s21  }
0xfe: {  	v20 =	vld [tilespmem:s12+$0x170]  }
0xff: {  	v21 =	vld [tilespmem:s12+$0x160];
	s12 =	smov.u32 s11;
	_ =	sdelay $0x2  }
0x100: {  	v23 =	vshll.u32 v18, $0x10;
	v22 =	vshll.u32 v19, $0x10;
	v18 =	vadd.f32 v18, v19  }
0x101: {  	v19 =	vadd.f32 v23, v22  }
0x102: {  	v23 =	vshll.u32 v20, $0x10;
	v22 =	vshll.u32 v21, $0x10;
	v20 =	vadd.f32 v20, v21  }
0x103: {  	v21 =	vadd.f32 v23, v22  }
0x104: {  	v18 =	vadd.f32 v20, v18;
	v20 =	vadd.s32 v15, v17;
	v17 =	vmov v16  }
0x105: {  	v19 =	vadd.f32 v21, v19;
	_ =	sdelay $0x1  }
0x106: {  	v18 =	vand.u32 $0xFFFF0000, v18;
	v19 =	vshrl.u32 v19, $0x10  }
0x107: {  	v18 =	vor.u32 v18, v19  }
0x108: {  	[tilespmem:v20+s18+$0x0] =	vst.idx.msk $0xffff, v18  }
0x109: {  	v18 =	vld [tilespmem:s21+$0xFFFFFF80]  }
0x10a: {  	v19 =	vld [tilespmem:s11+$0xFFFFFEA0]  }
0x10b: {  	v20 =	vld [tilespmem:s11+$0xFFFFFE90]  }
0x10c: {  	v21 =	vld [tilespmem:s11+$0xFFFFFE80];
	_ =	sdelay $0x3  }
0x10d: {  	v22 =	vshll.u32 v18, $0x10;
	v23 =	vshll.u32 v20, $0x10;
	v20 =	vadd.f32 v19, v20  }
0x10e: {  	v19 =	vshll.u32 v19, $0x10;
	v24 =	vshll.u32 v21, $0x10;
	v18 =	vadd.f32 v21, v18  }
0x10f: {  	v19 =	vadd.f32 v19, v23;
	v21 =	vadd.f32 v24, v22  }
0x110: {  	v18 =	vadd.f32 v20, v18;
	v20 =	vadd.s32 v0, v16  }
0x111: {  	v19 =	vadd.f32 v19, v21;
	_ =	sdelay $0x1  }
0x112: {  	v18 =	vand.u32 $0xFFFF0000, v18;
	v19 =	vshrl.u32 v19, $0x10  }
0x113: {  	v18 =	vor.u32 v18, v19  }
0x114: {  	[tilespmem:v20+s18+$0x0] =	vst.idx.msk $0xffff, v18  }
0x115: {  	v18 =	vld [tilespmem:s11+$0xFFFFFED0]  }
0x116: {  	v19 =	vld [tilespmem:s11+$0xFFFFFEC0]  }
0x117: {  	v20 =	vld [tilespmem:s11+$0xFFFFFEB0]  }
0x118: {  	v21 =	vld [tilespmem:s21+$0xFFFFFF90];
	_ =	sdelay $0x1  }
0x119: {  	v22 =	vshll.u32 v18, $0x10  }
0x11a: {  	v23 =	vshll.u32 v19, $0x10;
	v18 =	vadd.f32 v18, v19  }
0x11b: {  	v19 =	vadd.f32 v22, v23  }
0x11c: {  	v23 =	vshll.u32 v20, $0x10;
	v22 =	vshll.u32 v21, $0x10;
	v20 =	vadd.f32 v20, v21  }
0x11d: {  	v21 =	vadd.f32 v23, v22  }
0x11e: {  	v18 =	vadd.f32 v18, v20;
	v20 =	vadd.s32 v1, v16  }
0x11f: {  	v19 =	vadd.f32 v19, v21;
	_ =	sdelay $0x1  }
0x120: {  	v18 =	vand.u32 $0xFFFF0000, v18;
	v19 =	vshrl.u32 v19, $0x10  }
0x121: {  	v18 =	vor.u32 v18, v19  }
0x122: {  	[tilespmem:v20+s18+$0x0] =	vst.idx.msk $0xffff, v18  }
0x123: {  	v18 =	vld [tilespmem:s11+$0xFFFFFEF0]  }
0x124: {  	v19 =	vld [tilespmem:s11+$0xFFFFFEE0]  }
0x125: {  	v20 =	vld [tilespmem:s21+$0xFFFFFFA0]  }
0x126: {  	v21 =	vld [tilespmem:s11+$0xFFFFFF00];
	_ =	sdelay $0x2  }
0x127: {  	v22 =	vshll.u32 v19, $0x10  }
0x128: {  	v24 =	vshll.u32 v18, $0x10;
	v23 =	vshll.u32 v20, $0x10;
	v19 =	vadd.f32 v19, v20  }
0x129: {  	v20 =	vadd.f32 v22, v23;
	v22 =	vshll.u32 v21, $0x10;
	v18 =	vadd.f32 v21, v18  }
0x12a: {  	v21 =	vadd.f32 v22, v24  }
0x12b: {  	v18 =	vadd.f32 v18, v19;
	v19 =	vadd.s32 v2, v16  }
0x12c: {  	v20 =	vadd.f32 v21, v20;
	_ =	sdelay $0x1  }
0x12d: {  	v18 =	vand.u32 $0xFFFF0000, v18;
	v20 =	vshrl.u32 v20, $0x10  }
0x12e: {  	v18 =	vor.u32 v18, v20  }
0x12f: {  	[tilespmem:v19+s18+$0x0] =	vst.idx.msk $0xffff, v18  }
0x130: {  	v18 =	vld [tilespmem:s21+$0xFFFFFFB0]  }
0x131: {  	v19 =	vld [tilespmem:s11+$0xFFFFFF10]  }
0x132: {  	v20 =	vld [tilespmem:s11+$0xFFFFFF20]  }
0x133: {  	v21 =	vld [tilespmem:s11+$0xFFFFFF30];
	_ =	sdelay $0x1  }
0x134: {  	v22 =	vshll.u32 v18, $0x10  }
0x135: {  	v23 =	vshll.u32 v19, $0x10;
	v18 =	vadd.f32 v19, v18  }
0x136: {  	v19 =	vadd.f32 v23, v22  }
0x137: {  	v22 =	vshll.u32 v20, $0x10;
	v23 =	vshll.u32 v21, $0x10;
	v20 =	vadd.f32 v21, v20  }
0x138: {  	v21 =	vadd.f32 v23, v22  }
0x139: {  	v18 =	vadd.f32 v20, v18;
	v20 =	vadd.s32 v3, v16  }
0x13a: {  	v19 =	vadd.f32 v21, v19;
	_ =	sdelay $0x1  }
0x13b: {  	v18 =	vand.u32 $0xFFFF0000, v18;
	v19 =	vshrl.u32 v19, $0x10  }
0x13c: {  	v18 =	vor.u32 v18, v19  }
0x13d: {  	[tilespmem:v20+s18+$0x0] =	vst.idx.msk $0xffff, v18  }
0x13e: {  	v18 =	vld [tilespmem:s11+$0xFFFFFF60]  }
0x13f: {  	v19 =	vld [tilespmem:s11+$0xFFFFFF40]  }
0x140: {  	v20 =	vld [tilespmem:s21+$0xFFFFFFC0]  }
0x141: {  	v21 =	vld [tilespmem:s11+$0xFFFFFF50];
	_ =	sdelay $0x2  }
0x142: {  	v22 =	vshll.u32 v19, $0x10  }
0x143: {  	v24 =	vshll.u32 v18, $0x10;
	v23 =	vshll.u32 v20, $0x10;
	v19 =	vadd.f32 v19, v20  }
0x144: {  	v20 =	vadd.f32 v22, v23;
	v22 =	vshll.u32 v21, $0x10;
	v18 =	vadd.f32 v18, v21  }
0x145: {  	v21 =	vadd.f32 v24, v22  }
0x146: {  	v18 =	vadd.f32 v18, v19;
	v19 =	vadd.s32 v4, v16  }
0x147: {  	v20 =	vadd.f32 v21, v20;
	_ =	sdelay $0x1  }
0x148: {  	v18 =	vand.u32 $0xFFFF0000, v18;
	v20 =	vshrl.u32 v20, $0x10  }
0x149: {  	v18 =	vor.u32 v18, v20  }
0x14a: {  	[tilespmem:v19+s18+$0x0] =	vst.idx.msk $0xffff, v18  }
0x14b: {  	v18 =	vld [tilespmem:s11+$0xFFFFFF90]  }
0x14c: {  	v19 =	vld [tilespmem:s11+$0xFFFFFF70]  }
0x14d: {  	v20 =	vld [tilespmem:s21+$0xFFFFFFD0]  }
0x14e: {  	v21 =	vld [tilespmem:s11+$0xFFFFFF80];
	_ =	sdelay $0x2  }
0x14f: {  	v22 =	vshll.u32 v19, $0x10  }
0x150: {  	v24 =	vshll.u32 v18, $0x10;
	v23 =	vshll.u32 v20, $0x10;
	v19 =	vadd.f32 v19, v20  }
0x151: {  	v20 =	vadd.f32 v22, v23;
	v22 =	vshll.u32 v21, $0x10;
	v18 =	vadd.f32 v18, v21  }
0x152: {  	v21 =	vadd.f32 v24, v22  }
0x153: {  	v18 =	vadd.f32 v18, v19;
	v19 =	vadd.s32 v5, v16  }
0x154: {  	v20 =	vadd.f32 v21, v20;
	_ =	sdelay $0x1  }
0x155: {  	v18 =	vand.u32 $0xFFFF0000, v18;
	v20 =	vshrl.u32 v20, $0x10  }
0x156: {  	v18 =	vor.u32 v18, v20  }
0x157: {  	[tilespmem:v19+s18+$0x0] =	vst.idx.msk $0xffff, v18  }
0x158: {  	v18 =	vld [tilespmem:s11+$0xFFFFFFA0]  }
0x159: {  	v19 =	vld [tilespmem:s11+$0xFFFFFFC0]  }
0x15a: {  	v20 =	vld [tilespmem:s11+$0xFFFFFFB0]  }
0x15b: {  	v21 =	vld [tilespmem:s21+$0xFFFFFFE0];
	_ =	sdelay $0x2  }
0x15c: {  	v22 =	vshll.u32 v18, $0x10  }
0x15d: {  	v24 =	vshll.u32 v19, $0x10;
	v23 =	vshll.u32 v20, $0x10;
	v19 =	vadd.f32 v19, v20  }
0x15e: {  	v20 =	vshll.u32 v21, $0x10;
	v23 =	vadd.f32 v24, v23;
	v18 =	vadd.f32 v18, v21  }
0x15f: {  	v20 =	vadd.f32 v22, v20  }
0x160: {  	v18 =	vadd.f32 v19, v18;
	v19 =	vadd.s32 v6, v16  }
0x161: {  	v20 =	vadd.f32 v23, v20;
	_ =	sdelay $0x1  }
0x162: {  	v18 =	vand.u32 $0xFFFF0000, v18;
	v20 =	vshrl.u32 v20, $0x10  }
0x163: {  	v18 =	vor.u32 v18, v20  }
0x164: {  	[tilespmem:v19+s18+$0x0] =	vst.idx.msk $0xffff, v18  }
0x165: {  	v18 =	vld [tilespmem:s11+$0xFFFFFFD0]  }
0x166: {  	v19 =	vld [tilespmem:s11+$0xFFFFFFF0]  }
0x167: {  	v20 =	vld [tilespmem:s11+$0xFFFFFFE0]  }
0x168: {  	v21 =	vld [tilespmem:s21+$0xFFFFFFF0];
	_ =	sdelay $0x2  }
0x169: {  	v22 =	vshll.u32 v18, $0x10  }
0x16a: {  	v23 =	vshll.u32 v20, $0x10;
	v20 =	vadd.f32 v19, v20  }
0x16b: {  	v19 =	vshll.u32 v19, $0x10;
	v24 =	vshll.u32 v21, $0x10;
	v18 =	vadd.f32 v18, v21  }
0x16c: {  	v19 =	vadd.f32 v19, v23;
	v21 =	vadd.f32 v22, v24  }
0x16d: {  	v18 =	vadd.f32 v20, v18;
	v20 =	vadd.s32 v7, v16  }
0x16e: {  	v19 =	vadd.f32 v19, v21;
	_ =	sdelay $0x1  }
0x16f: {  	v18 =	vand.u32 $0xFFFF0000, v18;
	v19 =	vshrl.u32 v19, $0x10  }
0x170: {  	v18 =	vor.u32 v18, v19  }
0x171: {  	[tilespmem:v20+s18+$0x0] =	vst.idx.msk $0xffff, v18  }
0x172: {  	v18 =	vld [tilespmem:s11+$0x10]  }
0x173: {  	v19 =	vld [tilespmem:s11+$0x0]  }
0x174: {  	v20 =	vld [tilespmem:s21+$0x0]  }
0x175: {  	v21 =	vld [tilespmem:s11+$0x20];
	_ =	sdelay $0x2  }
0x176: {  	v22 =	vshll.u32 v19, $0x10  }
0x177: {  	v24 =	vshll.u32 v18, $0x10;
	v23 =	vshll.u32 v20, $0x10;
	v19 =	vadd.f32 v19, v20  }
0x178: {  	v20 =	vadd.f32 v22, v23;
	v22 =	vshll.u32 v21, $0x10;
	v18 =	vadd.f32 v21, v18  }
0x179: {  	v21 =	vadd.f32 v22, v24  }
0x17a: {  	v18 =	vadd.f32 v18, v19;
	v19 =	vadd.s32 v8, v16  }
0x17b: {  	v20 =	vadd.f32 v21, v20;
	_ =	sdelay $0x1  }
0x17c: {  	v18 =	vand.u32 $0xFFFF0000, v18;
	v20 =	vshrl.u32 v20, $0x10  }
0x17d: {  	v18 =	vor.u32 v18, v20  }
0x17e: {  	[tilespmem:v19+s18+$0x0] =	vst.idx.msk $0xffff, v18  }
0x17f: {  	v18 =	vld [tilespmem:s11+$0x30]  }
0x180: {  	v19 =	vld [tilespmem:s11+$0x50]  }
0x181: {  	v20 =	vld [tilespmem:s21+$0x10]  }
0x182: {  	v21 =	vld [tilespmem:s11+$0x40];
	_ =	sdelay $0x2  }
0x183: {  	v22 =	vshll.u32 v18, $0x10;
	v23 =	vshll.u32 v19, $0x10  }
0x184: {  	v24 =	vshll.u32 v20, $0x10  }
0x185: {  	v22 =	vadd.f32 v22, v24;
	v24 =	vshll.u32 v21, $0x10;
	v19 =	vadd.f32 v19, v21  }
0x186: {  	v18 =	vadd.f32 v18, v20;
	v21 =	vadd.f32 v23, v24  }
0x187: {  	v20 =	vadd.s32 v9, v16  }
0x188: {  	v18 =	vadd.f32 v19, v18;
	v21 =	vadd.f32 v21, v22;
	_ =	sdelay $0x1  }
0x189: {  	v18 =	vand.u32 $0xFFFF0000, v18;
	v19 =	vshrl.u32 v21, $0x10  }
0x18a: {  	v18 =	vor.u32 v18, v19  }
0x18b: {  	[tilespmem:v20+s18+$0x0] =	vst.idx.msk $0xffff, v18  }
0x18c: {  	v18 =	vld [tilespmem:s11+$0x70]  }
0x18d: {  	v19 =	vld [tilespmem:s11+$0x60]  }
0x18e: {  	v20 =	vld [tilespmem:s21+$0x20]  }
0x18f: {  	v21 =	vld [tilespmem:s11+$0x80];
	_ =	sdelay $0x2  }
0x190: {  	v22 =	vshll.u32 v19, $0x10  }
0x191: {  	v24 =	vshll.u32 v18, $0x10;
	v23 =	vshll.u32 v20, $0x10;
	v19 =	vadd.f32 v19, v20  }
0x192: {  	v20 =	vadd.f32 v22, v23;
	v22 =	vshll.u32 v21, $0x10;
	v18 =	vadd.f32 v21, v18  }
0x193: {  	v21 =	vadd.f32 v22, v24  }
0x194: {  	v18 =	vadd.f32 v18, v19;
	v19 =	vadd.s32 v10, v16  }
0x195: {  	v20 =	vadd.f32 v21, v20;
	_ =	sdelay $0x1  }
0x196: {  	v18 =	vand.u32 $0xFFFF0000, v18;
	v20 =	vshrl.u32 v20, $0x10  }
0x197: {  	v18 =	vor.u32 v18, v20  }
0x198: {  	[tilespmem:v19+s18+$0x0] =	vst.idx.msk $0xffff, v18  }
0x199: {  	v18 =	vld [tilespmem:s21+$0x30]  }
0x19a: {  	v19 =	vld [tilespmem:s11+$0x90]  }
0x19b: {  	v20 =	vld [tilespmem:s11+$0xB0]  }
0x19c: {  	v21 =	vld [tilespmem:s11+$0xA0];
	_ =	sdelay $0x2  }
0x19d: {  	v22 =	vshll.u32 v19, $0x10;
	v19 =	vadd.f32 v19, v18  }
0x19e: {  	v18 =	vshll.u32 v18, $0x10;
	v23 =	vshll.u32 v20, $0x10  }
0x19f: {  	v18 =	vadd.f32 v22, v18;
	v22 =	vshll.u32 v21, $0x10;
	v20 =	vadd.f32 v20, v21  }
0x1a0: {  	v21 =	vadd.f32 v23, v22  }
0x1a1: {  	v19 =	vadd.f32 v20, v19;
	v20 =	vadd.s32 v11, v16  }
0x1a2: {  	v18 =	vadd.f32 v21, v18;
	_ =	sdelay $0x1  }
0x1a3: {  	v19 =	vand.u32 $0xFFFF0000, v19;
	v18 =	vshrl.u32 v18, $0x10  }
0x1a4: {  	v18 =	vor.u32 v19, v18  }
0x1a5: {  	[tilespmem:v20+s18+$0x0] =	vst.idx.msk $0xffff, v18  }
0x1a6: {  	v18 =	vld [tilespmem:s11+$0xE0]  }
0x1a7: {  	v19 =	vld [tilespmem:s11+$0xC0]  }
0x1a8: {  	v20 =	vld [tilespmem:s21+$0x40]  }
0x1a9: {  	v21 =	vld [tilespmem:s11+$0xD0];
	_ =	sdelay $0x2  }
0x1aa: {  	v22 =	vshll.u32 v19, $0x10  }
0x1ab: {  	v24 =	vshll.u32 v18, $0x10;
	v23 =	vshll.u32 v20, $0x10;
	v19 =	vadd.f32 v19, v20  }
0x1ac: {  	v20 =	vadd.f32 v22, v23;
	v22 =	vshll.u32 v21, $0x10;
	v18 =	vadd.f32 v18, v21  }
0x1ad: {  	v21 =	vadd.f32 v24, v22  }
0x1ae: {  	v18 =	vadd.f32 v18, v19;
	v19 =	vadd.s32 v12, v16  }
0x1af: {  	v20 =	vadd.f32 v21, v20;
	_ =	sdelay $0x1  }
.Ltmp0:
0x1b0: {  	v18 =	vand.u32 $0xFFFF0000, v18;
	v20 =	vshrl.u32 v20, $0x10;
	(pc) =	sbr.rel @p1 .LBB2_3-.Ltmp0, $4  }
0x1b1: {  	v18 =	vor.u32 v18, v20  }
0x1b2: {  	[tilespmem:v19+s18+$0x0] =	vst.idx.msk $0xffff, v18  }
0x1b3: {  	v18 =	vld [tilespmem:s11+$0x110]  }
0x1b4: {  	v19 =	vld [tilespmem:s11+$0x100]  }
0x1b5: {  	v16 =	vld [tilespmem:s10+$0x50]  }
0x1b6: {  	v20 =	vld [tilespmem:s12+$0xF0];
	_ =	sdelay $0x3  }
0x1b7: {  	v21 =	vshll.u32 v19, $0x10;
	v19 =	vadd.f32 v18, v19;
	v18 =	vshll.u32 v18, $0x10  }
0x1b8: {  	v22 =	vshll.u32 v16, $0x10;
	v23 =	vshll.u32 v20, $0x10;
	v16 =	vadd.f32 v20, v16  }
0x1b9: {  	v18 =	vadd.f32 v18, v21;
	v20 =	vadd.f32 v23, v22  }
0x1ba: {  	v37 =	vadd.s32 v13, v17  }
0x1bb: {  	v16 =	vadd.f32 v19, v16;
	v18 =	vadd.f32 v18, v20;
	_ =	sdelay $0x1  }
0x1bc: {  	v16 =	vand.u32 $0xFFFF0000, v16;
	v18 =	vshrl.u32 v18, $0x10  }
0x1bd: {  	v16 =	vor.u32 v16, v18  }
0x1be: {  	[tilespmem:v37+s18+$0x0] =	vst.idx.msk $0xffff, v16  }
0x1bf: {  	v16 =	vld [tilespmem:s10+$0x60]  }
0x1c0: {  	v18 =	vld [tilespmem:s12+$0x120]  }
0x1c1: {  	v19 =	vld [tilespmem:s12+$0x130]  }
0x1c2: {  	v20 =	vld [tilespmem:s12+$0x140];
	_ =	sdelay $0x3  }
0x1c3: {  	v38 =	vshll.u32 v18, $0x10;
	v18 =	vadd.f32 v18, v16;
	v16 =	vshll.u32 v16, $0x10  }
0x1c4: {  	v39 =	vshll.u32 v19, $0x10;
	v40 =	vshll.u32 v20, $0x10;
	v19 =	vadd.f32 v20, v19  }
0x1c5: {  	v16 =	vadd.f32 v38, v16;
	v20 =	vadd.f32 v40, v39  }
0x1c6: {  	v41 =	vadd.s32 v14, v17  }
0x1c7: {  	v18 =	vadd.f32 v19, v18;
	v16 =	vadd.f32 v20, v16;
	_ =	sdelay $0x1  }
0x1c8: {  	v18 =	vand.u32 $0xFFFF0000, v18;
	v16 =	vshrl.u32 v16, $0x10  }
0x1c9: {  	v16 =	vor.u32 v18, v16  }
0x1ca: {  	[tilespmem:v41+s18+$0x0] =	vst.idx.msk $0xffff, v16  }
0x1cb: {  	v16 =	vld [tilespmem:s12+$0x150]  }
0x1cc: {  	v18 =	vld [tilespmem:s10+$0x70]  }
0x1cd: {  	v19 =	vld [tilespmem:s12+$0x170]  }
0x1ce: {  	v20 =	vld [tilespmem:s12+$0x160];
	_ =	sdelay $0x3  }
0x1cf: {  	v42 =	vshll.u32 v18, $0x10;
	v43 =	vshll.u32 v16, $0x10;
	v16 =	vadd.f32 v16, v18  }
0x1d0: {  	v44 =	vshll.u32 v20, $0x10;
	v45 =	vshll.u32 v19, $0x10;
	v19 =	vadd.f32 v19, v20  }
0x1d1: {  	v18 =	vadd.f32 v43, v42;
	v20 =	vadd.f32 v45, v44  }
0x1d2: {  	v17 =	vadd.s32 v15, v17  }
0x1d3: {  	v16 =	vadd.f32 v19, v16;
	v18 =	vadd.f32 v20, v18  }
0x1d4: {  	s14 =	sshll.u32 s16, $0x9  }
0x1d5: {  	s11 =	sand.u32 $0x8000, s14;
	s15 =	sand.u32 $0x7E00, s14;
	v16 =	vand.u32 $0xFFFF0000, v16;
	v18 =	vshrl.u32 v18, $0x10  }
0x1d6: {  	s21 =	sadd.s32 s7, s15;
	s10 =	sor.u32 s13, s11;
	v16 =	vor.u32 v16, v18  }
0x1d7: {  	s11 =	sadd.s32 s10, s21;
	[tilespmem:v17+s18+$0x0] =	vst.idx.msk $0xffff, v16  }
0x1d8: {  	[hbm4b:s11+s4] =	stream.linear.scatter [tilespmem:s18], [sflag:$0x5], $0x800, $0x38;
	[tilespmem:$0x5400] =	vst v63  }
0x1d9: {  	_ =	swait.ge [sflag:s19], $0x800  }
0x1da: {  	[sflag:s19] =	ssyncset.done $0x0  }
0x1db: {  	[sflag:s19] =	ssyncadd.s32 $0xFFFFF800  }
0x1dc: {  	_ =	swait.ge [sflag:s19], $0x800  }
0x1dd: {  	[sflag:s19] =	ssyncset.done $0x0  }
0x1de: {  	[sflag:s19] =	ssyncadd.s32 $0xFFFFF800  }
0x1df: {  	_ =	swait.ge [sflag:s19], $0x800  }
0x1e0: {  	s11 =	sor.u32 @!p0 s8, s9;
	[sflag:s19] =	ssyncset.done $0x0  }
0x1e1: {  	s11 =	sadd.s32 @!p0 $0x2, s11;
	[sflag:s19] =	ssyncadd.s32 $0xFFFFF800  }
0x1e2: {  	s14 =	simm.s32 @!p0 $0x0;
	s12 =	sshll.u32 @!p0 s11, $0x4;
	_ =	swait.ge [sflag:s19], $0x800  }
0x1e3: {  	s15 =	simm.s32 @!p0 $0x80;
	s12 =	sand.u32 @!p0 $0x1FFFFFF0, s12;
	[sflag:s19] =	ssyncset.done $0x0  }
0x1e4: {  	s11 =	smul.u32 @!p0 $0x30, s11;
	s12 =	sadd.s32 @!p0 s1, s12;
	[sflag:s19] =	ssyncadd.s32 $0xFFFFF800  }
0x1e5: {  	[tilespmem:s15], [sflag:$0x2] =	stream.linear.gather @!p0 [hbm4b:s12+s14], $0x80, $0x38;
	[tilespmem:$0x5400] =	vst v63  }
0x1e6: {  	s11 =	sadd.s32 @!p0 s2, s11;
	s12 =	simm.s32 @!p0 $0x280  }
0x1e7: {  	[tilespmem:s12], [sflag:$0x2] =	stream.linear.gather @!p0 [hbm4b:s11+s14], $0x180, $0x38;
	[tilespmem:$0x5400] =	vst v63  }
0x1e8: {  	s11 =	simm.s32 @!p0 $0x1  }
0x1e9: {  	_ =	swait.ge @!p0 [sflag:s11], $0x80  }
0x1ea: {  	[sflag:s11] =	ssyncset.done @!p0 $0x0  }
0x1eb: {  	[sflag:s11] =	ssyncadd.s32 @!p0 $0xFFFFFF80  }
0x1ec: {  	_ =	swait.ge @!p0 [sflag:s11], $0x180  }
0x1ed: {  	[sflag:s11] =	ssyncset.done @!p0 $0x0  }
0x1ee: {  	[sflag:s11] =	ssyncadd.s32 @!p0 $0xFFFFFE80;
	s11 =	simm.s32 @!p0 $0x400  }
0x1ef: {  	[tilespmem:s11], [sflag:$0x3] =	stream.indirect.gather @!p0 [hbm4b:s5+s15], $0x10, s14, s15, $0xb8;
	[tilespmem:$0x5400] =	vst v63  }
0x1f0: {  	s12 =	simm.s32 @!p0 $0x1400;
	s11 =	simm.s32 @!p0 $0x100  }
0x1f1: {  	[tilespmem:s12], [sflag:$0x3] =	stream.indirect.gather @!p0 [hbm4b:s6+s15], $0x10, s11, s15, $0xb8;
	[tilespmem:$0x5400] =	vst v63  }
0x1f2: {  	s11 =	simm.s32 @!p0 $0x180;
	s12 =	simm.s32 @!p0 $0x1C00  }
0x1f3: {  	[tilespmem:s12], [sflag:$0x3] =	stream.indirect.gather @!p0 [hbm4b:s6+s15], $0x10, s11, s15, $0xb8;
	[tilespmem:$0x5400] =	vst v63  }
0x1f4: {  	p1 =	seq.s32 @!p0 s16, $0x0;
	s11 =	simm.s32 @!p0 $0x200;
	s12 =	simm.s32 @!p0 $0x2400  }
0x1f5: {  	[tilespmem:s12], [sflag:$0x3] =	stream.indirect.gather @!p0 [hbm4b:s6+s15], $0x10, s11, s15, $0xb8;
	[tilespmem:$0x5400] =	vst v63  }
0x1f6: {  	p0 =	por p0, !p1  }
0x1f7: {  	_ =	swait.ge @p0 [sflag:s22], $0x800  }
0x1f8: {  	[sflag:s22] =	ssyncset.done @p0 $0x0  }
0x1f9: {  	s11 =	simm.s32 $0xC80;
	[sflag:s22] =	ssyncadd.s32 @p0 $0xFFFFF800  }
0x1fa: {  	s12 =	simm.s32 $0x2D80;
	v16 =	vld [tilespmem:s11+$0xFFFFFF80]  }
0x1fb: {  	v17 =	vld [tilespmem:s12+$0xFFFFFEA0]  }
0x1fc: {  	v18 =	vld [tilespmem:s12+$0xFFFFFE90]  }
0x1fd: {  	v19 =	vld [tilespmem:s12+$0xFFFFFE80];
	_ =	sdelay $0x3  }
0x1fe: {  	v20 =	vshll.u32 v16, $0x10;
	v46 =	vshll.u32 v18, $0x10;
	v18 =	vadd.f32 v17, v18  }
0x1ff: {  	v47 =	vshll.u32 v19, $0x10;
	v17 =	vshll.u32 v17, $0x10;
	v19 =	vadd.f32 v19, v16  }
0x200: {  	v16 =	vimm.s32 $0x0;
	v20 =	vadd.f32 v47, v20;
	v17 =	vadd.f32 v17, v46  }
0x201: {  	v48 =	vadd.s32 v0, v16  }
0x202: {  	v18 =	vadd.f32 v18, v19;
	v17 =	vadd.f32 v17, v20;
	_ =	sdelay $0x1  }
0x203: {  	v18 =	vand.u32 $0xFFFF0000, v18;
	v17 =	vshrl.u32 v17, $0x10  }
0x204: {  	v17 =	vor.u32 v18, v17  }
0x205: {  	[tilespmem:v48+s20+$0x0] =	vst.idx.msk $0xffff, v17  }
0x206: {  	v17 =	vld [tilespmem:s12+$0xFFFFFED0]  }
0x207: {  	v18 =	vld [tilespmem:s12+$0xFFFFFEC0]  }
0x208: {  	v19 =	vld [tilespmem:s12+$0xFFFFFEB0]  }
0x209: {  	v20 =	vld [tilespmem:s11+$0xFFFFFF90];
	_ =	sdelay $0x3  }
0x20a: {  	v49 =	vshll.u32 v17, $0x10;
	v50 =	vshll.u32 v18, $0x10;
	v17 =	vadd.f32 v17, v18  }
0x20b: {  	v51 =	vshll.u32 v20, $0x10;
	v52 =	vshll.u32 v19, $0x10;
	v19 =	vadd.f32 v19, v20  }
0x20c: {  	v18 =	vadd.f32 v49, v50;
	v20 =	vadd.f32 v52, v51  }
0x20d: {  	v53 =	vadd.s32 v1, v16  }
0x20e: {  	v17 =	vadd.f32 v17, v19;
	v18 =	vadd.f32 v18, v20;
	_ =	sdelay $0x1  }
0x20f: {  	v17 =	vand.u32 $0xFFFF0000, v17;
	v18 =	vshrl.u32 v18, $0x10  }
0x210: {  	v17 =	vor.u32 v17, v18  }
0x211: {  	[tilespmem:v53+s20+$0x0] =	vst.idx.msk $0xffff, v17  }
0x212: {  	v17 =	vld [tilespmem:s12+$0xFFFFFEF0]  }
0x213: {  	v18 =	vld [tilespmem:s12+$0xFFFFFEE0]  }
0x214: {  	v19 =	vld [tilespmem:s11+$0xFFFFFFA0]  }
0x215: {  	v20 =	vld [tilespmem:s12+$0xFFFFFF00];
	_ =	sdelay $0x3  }
0x216: {  	v54 =	vshll.u32 v18, $0x10;
	v55 =	vshll.u32 v19, $0x10;
	v56 =	vshll.u32 v17, $0x10  }
0x217: {  	v18 =	vadd.f32 v18, v19;
	v57 =	vshll.u32 v20, $0x10;
	v17 =	vadd.f32 v20, v17  }
0x218: {  	v19 =	vadd.f32 v54, v55;
	v20 =	vadd.f32 v57, v56  }
0x219: {  	v58 =	vadd.s32 v2, v16  }
0x21a: {  	v17 =	vadd.f32 v17, v18;
	v18 =	vadd.f32 v20, v19;
	_ =	sdelay $0x1  }
0x21b: {  	v17 =	vand.u32 $0xFFFF0000, v17;
	v18 =	vshrl.u32 v18, $0x10  }
0x21c: {  	v17 =	vor.u32 v17, v18  }
0x21d: {  	[tilespmem:v58+s20+$0x0] =	vst.idx.msk $0xffff, v17  }
0x21e: {  	v17 =	vld [tilespmem:s11+$0xFFFFFFB0]  }
0x21f: {  	v18 =	vld [tilespmem:s12+$0xFFFFFF10]  }
0x220: {  	v19 =	vld [tilespmem:s12+$0xFFFFFF20]  }
0x221: {  	v20 =	vld [tilespmem:s12+$0xFFFFFF30];
	_ =	sdelay $0x3  }
0x222: {  	v59 =	vshll.u32 v17, $0x10;
	v60 =	vshll.u32 v18, $0x10;
	v17 =	vadd.f32 v18, v17  }
0x223: {  	v61 =	vshll.u32 v19, $0x10;
	v62 =	vshll.u32 v20, $0x10;
	v19 =	vadd.f32 v20, v19  }
0x224: {  	v18 =	vadd.f32 v60, v59;
	v20 =	vadd.f32 v62, v61  }
0x225: {  	v63 =	vadd.s32 v3, v16  }
0x226: {  	v17 =	vadd.f32 v19, v17;
	v18 =	vadd.f32 v20, v18;
	_ =	sdelay $0x1  }
0x227: {  	v17 =	vand.u32 $0xFFFF0000, v17;
	v18 =	vshrl.u32 v18, $0x10  }
0x228: {  	v17 =	vor.u32 v17, v18  }
0x229: {  	[tilespmem:v63+s20+$0x0] =	vst.idx.msk $0xffff, v17  }
0x22a: {  	v17 =	vld [tilespmem:s12+$0xFFFFFF60]  }
0x22b: {  	v18 =	vld [tilespmem:s12+$0xFFFFFF40]  }
0x22c: {  	v19 =	vld [tilespmem:s11+$0xFFFFFFC0]  }
0x22d: {  	v20 =	vld [tilespmem:s12+$0xFFFFFF50];
	_ =	sdelay $0x3  }
0x22e: {  	v24 =	vshll.u32 v18, $0x10;
	v25 =	vshll.u32 v19, $0x10;
	v26 =	vshll.u32 v17, $0x10  }
0x22f: {  	v18 =	vadd.f32 v18, v19;
	v27 =	vshll.u32 v20, $0x10;
	v17 =	vadd.f32 v17, v20  }
0x230: {  	v19 =	vadd.f32 v24, v25;
	v20 =	vadd.f32 v26, v27  }
0x231: {  	v28 =	vadd.s32 v4, v16  }
0x232: {  	v17 =	vadd.f32 v17, v18;
	v18 =	vadd.f32 v20, v19;
	_ =	sdelay $0x1  }
0x233: {  	v17 =	vand.u32 $0xFFFF0000, v17;
	v18 =	vshrl.u32 v18, $0x10  }
0x234: {  	v17 =	vor.u32 v17, v18  }
0x235: {  	[tilespmem:v28+s20+$0x0] =	vst.idx.msk $0xffff, v17  }
0x236: {  	v17 =	vld [tilespmem:s12+$0xFFFFFF90]  }
0x237: {  	v18 =	vld [tilespmem:s12+$0xFFFFFF70]  }
0x238: {  	v19 =	vld [tilespmem:s11+$0xFFFFFFD0]  }
0x239: {  	v20 =	vld [tilespmem:s12+$0xFFFFFF80];
	_ =	sdelay $0x3  }
0x23a: {  	v29 =	vshll.u32 v18, $0x10;
	v30 =	vshll.u32 v19, $0x10;
	v31 =	vshll.u32 v17, $0x10  }
0x23b: {  	v18 =	vadd.f32 v18, v19;
	v32 =	vshll.u32 v20, $0x10;
	v17 =	vadd.f32 v17, v20  }
0x23c: {  	v19 =	vadd.f32 v29, v30;
	v20 =	vadd.f32 v31, v32  }
0x23d: {  	v33 =	vadd.s32 v5, v16  }
0x23e: {  	v17 =	vadd.f32 v17, v18;
	v18 =	vadd.f32 v20, v19;
	_ =	sdelay $0x1  }
0x23f: {  	v17 =	vand.u32 $0xFFFF0000, v17;
	v18 =	vshrl.u32 v18, $0x10  }
0x240: {  	v17 =	vor.u32 v17, v18  }
0x241: {  	[tilespmem:v33+s20+$0x0] =	vst.idx.msk $0xffff, v17  }
0x242: {  	v17 =	vld [tilespmem:s12+$0xFFFFFFA0]  }
0x243: {  	v18 =	vld [tilespmem:s12+$0xFFFFFFC0]  }
0x244: {  	v19 =	vld [tilespmem:s12+$0xFFFFFFB0]  }
0x245: {  	v20 =	vld [tilespmem:s11+$0xFFFFFFE0];
	_ =	sdelay $0x3  }
0x246: {  	v34 =	vshll.u32 v17, $0x10;
	v35 =	vshll.u32 v19, $0x10;
	v36 =	vshll.u32 v18, $0x10  }
0x247: {  	v18 =	vadd.f32 v18, v19;
	v19 =	vshll.u32 v20, $0x10;
	v17 =	vadd.f32 v17, v20  }
0x248: {  	v22 =	vadd.f32 v36, v35;
	v19 =	vadd.f32 v34, v19  }
0x249: {  	v20 =	vadd.s32 v6, v16  }
0x24a: {  	v17 =	vadd.f32 v18, v17;
	v18 =	vadd.f32 v22, v19;
	_ =	sdelay $0x1  }
0x24b: {  	v17 =	vand.u32 $0xFFFF0000, v17;
	v18 =	vshrl.u32 v18, $0x10  }
0x24c: {  	v17 =	vor.u32 v17, v18  }
0x24d: {  	[tilespmem:v20+s20+$0x0] =	vst.idx.msk $0xffff, v17  }
0x24e: {  	v17 =	vld [tilespmem:s12+$0xFFFFFFD0]  }
0x24f: {  	v18 =	vld [tilespmem:s12+$0xFFFFFFF0]  }
0x250: {  	v19 =	vld [tilespmem:s12+$0xFFFFFFE0]  }
0x251: {  	v20 =	vld [tilespmem:s11+$0xFFFFFFF0];
	_ =	sdelay $0x3  }
0x252: {  	v37 =	vshll.u32 v17, $0x10;
	v38 =	vshll.u32 v19, $0x10;
	v19 =	vadd.f32 v18, v19  }
0x253: {  	v39 =	vshll.u32 v20, $0x10;
	v18 =	vshll.u32 v18, $0x10;
	v17 =	vadd.f32 v17, v20  }
0x254: {  	v20 =	vadd.f32 v37, v39;
	v18 =	vadd.f32 v18, v38  }
0x255: {  	v40 =	vadd.s32 v7, v16  }
0x256: {  	v17 =	vadd.f32 v19, v17;
	v18 =	vadd.f32 v18, v20;
	_ =	sdelay $0x1  }
0x257: {  	v17 =	vand.u32 $0xFFFF0000, v17;
	v18 =	vshrl.u32 v18, $0x10  }
0x258: {  	v17 =	vor.u32 v17, v18  }
0x259: {  	[tilespmem:v40+s20+$0x0] =	vst.idx.msk $0xffff, v17  }
0x25a: {  	v17 =	vld [tilespmem:s12+$0x10]  }
0x25b: {  	v18 =	vld [tilespmem:s12+$0x0]  }
0x25c: {  	v19 =	vld [tilespmem:s11+$0x0]  }
0x25d: {  	v20 =	vld [tilespmem:s12+$0x20];
	_ =	sdelay $0x3  }
0x25e: {  	v41 =	vshll.u32 v18, $0x10;
	v42 =	vshll.u32 v19, $0x10;
	v43 =	vshll.u32 v17, $0x10  }
0x25f: {  	v18 =	vadd.f32 v18, v19;
	v44 =	vshll.u32 v20, $0x10;
	v17 =	vadd.f32 v20, v17  }
0x260: {  	v19 =	vadd.f32 v41, v42;
	v20 =	vadd.f32 v44, v43  }
0x261: {  	v45 =	vadd.s32 v8, v16  }
0x262: {  	v17 =	vadd.f32 v17, v18;
	v18 =	vadd.f32 v20, v19;
	_ =	sdelay $0x1  }
0x263: {  	v17 =	vand.u32 $0xFFFF0000, v17;
	v18 =	vshrl.u32 v18, $0x10  }
0x264: {  	v17 =	vor.u32 v17, v18  }
0x265: {  	[tilespmem:v45+s20+$0x0] =	vst.idx.msk $0xffff, v17  }
0x266: {  	v17 =	vld [tilespmem:s12+$0x30]  }
0x267: {  	v18 =	vld [tilespmem:s12+$0x50]  }
0x268: {  	v19 =	vld [tilespmem:s11+$0x10]  }
0x269: {  	v20 =	vld [tilespmem:s12+$0x40];
	_ =	sdelay $0x3  }
0x26a: {  	v46 =	vshll.u32 v17, $0x10;
	v47 =	vshll.u32 v18, $0x10;
	v48 =	vshll.u32 v19, $0x10  }
0x26b: {  	v49 =	vshll.u32 v20, $0x10;
	v18 =	vadd.f32 v18, v20;
	v17 =	vadd.f32 v17, v19  }
0x26c: {  	v21 =	vadd.f32 v46, v48;
	v20 =	vadd.f32 v47, v49  }
0x26d: {  	v19 =	vadd.s32 v9, v16  }
0x26e: {  	v17 =	vadd.f32 v18, v17;
	v20 =	vadd.f32 v20, v21;
	_ =	sdelay $0x1  }
0x26f: {  	v17 =	vand.u32 $0xFFFF0000, v17;
	v18 =	vshrl.u32 v20, $0x10  }
0x270: {  	v17 =	vor.u32 v17, v18  }
0x271: {  	[tilespmem:v19+s20+$0x0] =	vst.idx.msk $0xffff, v17  }
0x272: {  	v17 =	vld [tilespmem:s12+$0x70]  }
0x273: {  	v18 =	vld [tilespmem:s12+$0x60]  }
0x274: {  	v19 =	vld [tilespmem:s11+$0x20]  }
0x275: {  	v20 =	vld [tilespmem:s12+$0x80];
	_ =	sdelay $0x3  }
0x276: {  	v50 =	vshll.u32 v18, $0x10;
	v51 =	vshll.u32 v19, $0x10;
	v52 =	vshll.u32 v17, $0x10  }
0x277: {  	v18 =	vadd.f32 v18, v19;
	v53 =	vshll.u32 v20, $0x10;
	v17 =	vadd.f32 v20, v17  }
0x278: {  	v19 =	vadd.f32 v50, v51;
	v20 =	vadd.f32 v53, v52  }
0x279: {  	v54 =	vadd.s32 v10, v16  }
0x27a: {  	v17 =	vadd.f32 v17, v18;
	v18 =	vadd.f32 v20, v19;
	_ =	sdelay $0x1  }
0x27b: {  	v17 =	vand.u32 $0xFFFF0000, v17;
	v18 =	vshrl.u32 v18, $0x10  }
0x27c: {  	v17 =	vor.u32 v17, v18  }
0x27d: {  	[tilespmem:v54+s20+$0x0] =	vst.idx.msk $0xffff, v17  }
0x27e: {  	v17 =	vld [tilespmem:s11+$0x30]  }
0x27f: {  	v18 =	vld [tilespmem:s12+$0x90]  }
0x280: {  	v19 =	vld [tilespmem:s12+$0xB0]  }
0x281: {  	v20 =	vld [tilespmem:s12+$0xA0];
	_ =	sdelay $0x3  }
0x282: {  	v55 =	vshll.u32 v18, $0x10;
	v18 =	vadd.f32 v18, v17;
	v17 =	vshll.u32 v17, $0x10  }
0x283: {  	v56 =	vshll.u32 v19, $0x10;
	v57 =	vshll.u32 v20, $0x10;
	v19 =	vadd.f32 v19, v20  }
0x284: {  	v17 =	vadd.f32 v55, v17;
	v20 =	vadd.f32 v56, v57  }
0x285: {  	v58 =	vadd.s32 v11, v16  }
0x286: {  	v18 =	vadd.f32 v19, v18;
	v17 =	vadd.f32 v20, v17;
	_ =	sdelay $0x1  }
0x287: {  	v18 =	vand.u32 $0xFFFF0000, v18;
	v17 =	vshrl.u32 v17, $0x10  }
0x288: {  	v17 =	vor.u32 v18, v17  }
0x289: {  	[tilespmem:v58+s20+$0x0] =	vst.idx.msk $0xffff, v17  }
0x28a: {  	v17 =	vld [tilespmem:s12+$0xE0]  }
0x28b: {  	v18 =	vld [tilespmem:s12+$0xC0]  }
0x28c: {  	v19 =	vld [tilespmem:s11+$0x40]  }
0x28d: {  	v20 =	vld [tilespmem:s12+$0xD0];
	_ =	sdelay $0x3  }
0x28e: {  	v59 =	vshll.u32 v18, $0x10;
	v60 =	vshll.u32 v19, $0x10;
	v61 =	vshll.u32 v17, $0x10  }
0x28f: {  	v18 =	vadd.f32 v18, v19;
	v62 =	vshll.u32 v20, $0x10;
	v17 =	vadd.f32 v17, v20  }
0x290: {  	v19 =	vadd.f32 v59, v60;
	v20 =	vadd.f32 v61, v62  }
0x291: {  	v63 =	vadd.s32 v12, v16  }
0x292: {  	v17 =	vadd.f32 v17, v18;
	v18 =	vadd.f32 v20, v19;
	_ =	sdelay $0x1  }
0x293: {  	v17 =	vand.u32 $0xFFFF0000, v17;
	v18 =	vshrl.u32 v18, $0x10  }
0x294: {  	v17 =	vor.u32 v17, v18  }
0x295: {  	[tilespmem:v63+s20+$0x0] =	vst.idx.msk $0xffff, v17  }
0x296: {  	v18 =	vld [tilespmem:s12+$0x110]  }
0x297: {  	s21 =	simm.s32 $0x0;
	s14 =	simm.s32 $0x2D80;
	s15 =	simm.s32 $0xC80;
	v17 =	vimm.s32 $0x0;
	v19 =	vld [tilespmem:s12+$0x100]  }
.LBB2_5:
0x298: {  	s21 =	sadd.s32 $0x10, s21;
	v20 =	vld [tilespmem:s11+$0x50];
	v16 =	vadd.s32 $0x10, v16;
	s12 =	sadd.s32 $0x300, s12;
	s15 =	sadd.s32 $0x100, s15  }
0x299: {  	p0 =	slt.u32 s21, $0x70;
	v21 =	vld [tilespmem:s14+$0xF0];
	_ =	sdelay $0x2  }
0x29a: {  	v22 =	vshll.u32 v19, $0x10;
	v19 =	vadd.f32 v18, v19  }
0x29b: {  	v18 =	vshll.u32 v18, $0x10  }
0x29c: {  	v23 =	vshll.u32 v20, $0x10;
	v24 =	vshll.u32 v21, $0x10;
	v20 =	vadd.f32 v21, v20  }
0x29d: {  	v18 =	vadd.f32 v18, v22;
	v21 =	vadd.f32 v24, v23  }
0x29e: {  	v22 =	vadd.s32 v13, v17  }
0x29f: {  	v19 =	vadd.f32 v19, v20;
	v18 =	vadd.f32 v18, v21;
	_ =	sdelay $0x1  }
0x2a0: {  	v19 =	vand.u32 $0xFFFF0000, v19;
	v18 =	vshrl.u32 v18, $0x10  }
0x2a1: {  	v18 =	vor.u32 v19, v18  }
0x2a2: {  	[tilespmem:v22+s20+$0x0] =	vst.idx.msk $0xffff, v18  }
0x2a3: {  	v18 =	vld [tilespmem:s11+$0x60]  }
0x2a4: {  	v19 =	vld [tilespmem:s14+$0x120]  }
0x2a5: {  	v20 =	vld [tilespmem:s14+$0x130]  }
0x2a6: {  	v21 =	vld [tilespmem:s14+$0x140];
	_ =	sdelay $0x2  }
0x2a7: {  	v22 =	vshll.u32 v19, $0x10;
	v19 =	vadd.f32 v19, v18  }
0x2a8: {  	v18 =	vshll.u32 v18, $0x10;
	v23 =	vshll.u32 v20, $0x10  }
0x2a9: {  	v18 =	vadd.f32 v22, v18;
	v22 =	vshll.u32 v21, $0x10;
	v20 =	vadd.f32 v21, v20  }
0x2aa: {  	v21 =	vadd.f32 v22, v23  }
0x2ab: {  	v19 =	vadd.f32 v20, v19;
	v20 =	vadd.s32 v14, v17  }
0x2ac: {  	v18 =	vadd.f32 v21, v18;
	_ =	sdelay $0x1  }
0x2ad: {  	v19 =	vand.u32 $0xFFFF0000, v19;
	v18 =	vshrl.u32 v18, $0x10  }
0x2ae: {  	v18 =	vor.u32 v19, v18  }
0x2af: {  	[tilespmem:v20+s20+$0x0] =	vst.idx.msk $0xffff, v18  }
0x2b0: {  	v18 =	vld [tilespmem:s14+$0x150]  }
0x2b1: {  	v19 =	vld [tilespmem:s11+$0x70];
	s11 =	smov.u32 s15  }
0x2b2: {  	v20 =	vld [tilespmem:s14+$0x170]  }
0x2b3: {  	v21 =	vld [tilespmem:s14+$0x160];
	s14 =	smov.u32 s12;
	_ =	sdelay $0x2  }
0x2b4: {  	v23 =	vshll.u32 v18, $0x10;
	v22 =	vshll.u32 v19, $0x10;
	v18 =	vadd.f32 v18, v19  }
0x2b5: {  	v19 =	vadd.f32 v23, v22  }
0x2b6: {  	v23 =	vshll.u32 v20, $0x10;
	v22 =	vshll.u32 v21, $0x10;
	v20 =	vadd.f32 v20, v21  }
0x2b7: {  	v21 =	vadd.f32 v23, v22  }
0x2b8: {  	v18 =	vadd.f32 v20, v18;
	v20 =	vadd.s32 v15, v17;
	v17 =	vmov v16  }
0x2b9: {  	v19 =	vadd.f32 v21, v19;
	_ =	sdelay $0x1  }
0x2ba: {  	v18 =	vand.u32 $0xFFFF0000, v18;
	v19 =	vshrl.u32 v19, $0x10  }
0x2bb: {  	v18 =	vor.u32 v18, v19  }
0x2bc: {  	[tilespmem:v20+s20+$0x0] =	vst.idx.msk $0xffff, v18  }
0x2bd: {  	v18 =	vld [tilespmem:s15+$0xFFFFFF80]  }
0x2be: {  	v19 =	vld [tilespmem:s12+$0xFFFFFEA0]  }
0x2bf: {  	v20 =	vld [tilespmem:s12+$0xFFFFFE90]  }
0x2c0: {  	v21 =	vld [tilespmem:s12+$0xFFFFFE80];
	_ =	sdelay $0x3  }
0x2c1: {  	v22 =	vshll.u32 v18, $0x10;
	v23 =	vshll.u32 v20, $0x10;
	v20 =	vadd.f32 v19, v20  }
0x2c2: {  	v19 =	vshll.u32 v19, $0x10;
	v24 =	vshll.u32 v21, $0x10;
	v18 =	vadd.f32 v21, v18  }
0x2c3: {  	v19 =	vadd.f32 v19, v23;
	v21 =	vadd.f32 v24, v22  }
0x2c4: {  	v18 =	vadd.f32 v20, v18;
	v20 =	vadd.s32 v0, v16  }
0x2c5: {  	v19 =	vadd.f32 v19, v21;
	_ =	sdelay $0x1  }
0x2c6: {  	v18 =	vand.u32 $0xFFFF0000, v18;
	v19 =	vshrl.u32 v19, $0x10  }
0x2c7: {  	v18 =	vor.u32 v18, v19  }
0x2c8: {  	[tilespmem:v20+s20+$0x0] =	vst.idx.msk $0xffff, v18  }
0x2c9: {  	v18 =	vld [tilespmem:s12+$0xFFFFFED0]  }
0x2ca: {  	v19 =	vld [tilespmem:s12+$0xFFFFFEC0]  }
0x2cb: {  	v20 =	vld [tilespmem:s12+$0xFFFFFEB0]  }
0x2cc: {  	v21 =	vld [tilespmem:s15+$0xFFFFFF90];
	_ =	sdelay $0x1  }
0x2cd: {  	v22 =	vshll.u32 v18, $0x10  }
0x2ce: {  	v23 =	vshll.u32 v19, $0x10;
	v18 =	vadd.f32 v18, v19  }
0x2cf: {  	v19 =	vadd.f32 v22, v23  }
0x2d0: {  	v23 =	vshll.u32 v20, $0x10;
	v22 =	vshll.u32 v21, $0x10;
	v20 =	vadd.f32 v20, v21  }
0x2d1: {  	v21 =	vadd.f32 v23, v22  }
0x2d2: {  	v18 =	vadd.f32 v18, v20;
	v20 =	vadd.s32 v1, v16  }
0x2d3: {  	v19 =	vadd.f32 v19, v21;
	_ =	sdelay $0x1  }
0x2d4: {  	v18 =	vand.u32 $0xFFFF0000, v18;
	v19 =	vshrl.u32 v19, $0x10  }
0x2d5: {  	v18 =	vor.u32 v18, v19  }
0x2d6: {  	[tilespmem:v20+s20+$0x0] =	vst.idx.msk $0xffff, v18  }
0x2d7: {  	v18 =	vld [tilespmem:s12+$0xFFFFFEF0]  }
0x2d8: {  	v19 =	vld [tilespmem:s12+$0xFFFFFEE0]  }
0x2d9: {  	v20 =	vld [tilespmem:s15+$0xFFFFFFA0]  }
0x2da: {  	v21 =	vld [tilespmem:s12+$0xFFFFFF00];
	_ =	sdelay $0x2  }
0x2db: {  	v22 =	vshll.u32 v19, $0x10  }
0x2dc: {  	v24 =	vshll.u32 v18, $0x10;
	v23 =	vshll.u32 v20, $0x10;
	v19 =	vadd.f32 v19, v20  }
0x2dd: {  	v20 =	vadd.f32 v22, v23;
	v22 =	vshll.u32 v21, $0x10;
	v18 =	vadd.f32 v21, v18  }
0x2de: {  	v21 =	vadd.f32 v22, v24  }
0x2df: {  	v18 =	vadd.f32 v18, v19;
	v19 =	vadd.s32 v2, v16  }
0x2e0: {  	v20 =	vadd.f32 v21, v20;
	_ =	sdelay $0x1  }
0x2e1: {  	v18 =	vand.u32 $0xFFFF0000, v18;
	v20 =	vshrl.u32 v20, $0x10  }
0x2e2: {  	v18 =	vor.u32 v18, v20  }
0x2e3: {  	[tilespmem:v19+s20+$0x0] =	vst.idx.msk $0xffff, v18  }
0x2e4: {  	v18 =	vld [tilespmem:s15+$0xFFFFFFB0]  }
0x2e5: {  	v19 =	vld [tilespmem:s12+$0xFFFFFF10]  }
0x2e6: {  	v20 =	vld [tilespmem:s12+$0xFFFFFF20]  }
0x2e7: {  	v21 =	vld [tilespmem:s12+$0xFFFFFF30];
	_ =	sdelay $0x1  }
0x2e8: {  	v22 =	vshll.u32 v18, $0x10  }
0x2e9: {  	v23 =	vshll.u32 v19, $0x10;
	v18 =	vadd.f32 v19, v18  }
0x2ea: {  	v19 =	vadd.f32 v23, v22  }
0x2eb: {  	v22 =	vshll.u32 v20, $0x10;
	v23 =	vshll.u32 v21, $0x10;
	v20 =	vadd.f32 v21, v20  }
0x2ec: {  	v21 =	vadd.f32 v23, v22  }
0x2ed: {  	v18 =	vadd.f32 v20, v18;
	v20 =	vadd.s32 v3, v16  }
0x2ee: {  	v19 =	vadd.f32 v21, v19;
	_ =	sdelay $0x1  }
0x2ef: {  	v18 =	vand.u32 $0xFFFF0000, v18;
	v19 =	vshrl.u32 v19, $0x10  }
0x2f0: {  	v18 =	vor.u32 v18, v19  }
0x2f1: {  	[tilespmem:v20+s20+$0x0] =	vst.idx.msk $0xffff, v18  }
0x2f2: {  	v18 =	vld [tilespmem:s12+$0xFFFFFF60]  }
0x2f3: {  	v19 =	vld [tilespmem:s12+$0xFFFFFF40]  }
0x2f4: {  	v20 =	vld [tilespmem:s15+$0xFFFFFFC0]  }
0x2f5: {  	v21 =	vld [tilespmem:s12+$0xFFFFFF50];
	_ =	sdelay $0x2  }
0x2f6: {  	v22 =	vshll.u32 v19, $0x10  }
0x2f7: {  	v24 =	vshll.u32 v18, $0x10;
	v23 =	vshll.u32 v20, $0x10;
	v19 =	vadd.f32 v19, v20  }
0x2f8: {  	v20 =	vadd.f32 v22, v23;
	v22 =	vshll.u32 v21, $0x10;
	v18 =	vadd.f32 v18, v21  }
0x2f9: {  	v21 =	vadd.f32 v24, v22  }
0x2fa: {  	v18 =	vadd.f32 v18, v19;
	v19 =	vadd.s32 v4, v16  }
0x2fb: {  	v20 =	vadd.f32 v21, v20;
	_ =	sdelay $0x1  }
0x2fc: {  	v18 =	vand.u32 $0xFFFF0000, v18;
	v20 =	vshrl.u32 v20, $0x10  }
0x2fd: {  	v18 =	vor.u32 v18, v20  }
0x2fe: {  	[tilespmem:v19+s20+$0x0] =	vst.idx.msk $0xffff, v18  }
0x2ff: {  	v18 =	vld [tilespmem:s12+$0xFFFFFF90]  }
0x300: {  	v19 =	vld [tilespmem:s12+$0xFFFFFF70]  }
0x301: {  	v20 =	vld [tilespmem:s15+$0xFFFFFFD0]  }
0x302: {  	v21 =	vld [tilespmem:s12+$0xFFFFFF80];
	_ =	sdelay $0x2  }
0x303: {  	v22 =	vshll.u32 v19, $0x10  }
0x304: {  	v24 =	vshll.u32 v18, $0x10;
	v23 =	vshll.u32 v20, $0x10;
	v19 =	vadd.f32 v19, v20  }
0x305: {  	v20 =	vadd.f32 v22, v23;
	v22 =	vshll.u32 v21, $0x10;
	v18 =	vadd.f32 v18, v21  }
0x306: {  	v21 =	vadd.f32 v24, v22  }
0x307: {  	v18 =	vadd.f32 v18, v19;
	v19 =	vadd.s32 v5, v16  }
0x308: {  	v20 =	vadd.f32 v21, v20;
	_ =	sdelay $0x1  }
0x309: {  	v18 =	vand.u32 $0xFFFF0000, v18;
	v20 =	vshrl.u32 v20, $0x10  }
0x30a: {  	v18 =	vor.u32 v18, v20  }
0x30b: {  	[tilespmem:v19+s20+$0x0] =	vst.idx.msk $0xffff, v18  }
0x30c: {  	v18 =	vld [tilespmem:s12+$0xFFFFFFA0]  }
0x30d: {  	v19 =	vld [tilespmem:s12+$0xFFFFFFC0]  }
0x30e: {  	v20 =	vld [tilespmem:s12+$0xFFFFFFB0]  }
0x30f: {  	v21 =	vld [tilespmem:s15+$0xFFFFFFE0];
	_ =	sdelay $0x2  }
0x310: {  	v22 =	vshll.u32 v18, $0x10  }
0x311: {  	v24 =	vshll.u32 v19, $0x10;
	v23 =	vshll.u32 v20, $0x10;
	v19 =	vadd.f32 v19, v20  }
0x312: {  	v20 =	vshll.u32 v21, $0x10;
	v23 =	vadd.f32 v24, v23;
	v18 =	vadd.f32 v18, v21  }
0x313: {  	v20 =	vadd.f32 v22, v20  }
0x314: {  	v18 =	vadd.f32 v19, v18;
	v19 =	vadd.s32 v6, v16  }
0x315: {  	v20 =	vadd.f32 v23, v20;
	_ =	sdelay $0x1  }
0x316: {  	v18 =	vand.u32 $0xFFFF0000, v18;
	v20 =	vshrl.u32 v20, $0x10  }
0x317: {  	v18 =	vor.u32 v18, v20  }
0x318: {  	[tilespmem:v19+s20+$0x0] =	vst.idx.msk $0xffff, v18  }
0x319: {  	v18 =	vld [tilespmem:s12+$0xFFFFFFD0]  }
0x31a: {  	v19 =	vld [tilespmem:s12+$0xFFFFFFF0]  }
0x31b: {  	v20 =	vld [tilespmem:s12+$0xFFFFFFE0]  }
0x31c: {  	v21 =	vld [tilespmem:s15+$0xFFFFFFF0];
	_ =	sdelay $0x2  }
0x31d: {  	v22 =	vshll.u32 v18, $0x10  }
0x31e: {  	v23 =	vshll.u32 v20, $0x10;
	v20 =	vadd.f32 v19, v20  }
0x31f: {  	v19 =	vshll.u32 v19, $0x10;
	v24 =	vshll.u32 v21, $0x10;
	v18 =	vadd.f32 v18, v21  }
0x320: {  	v19 =	vadd.f32 v19, v23;
	v21 =	vadd.f32 v22, v24  }
0x321: {  	v18 =	vadd.f32 v20, v18;
	v20 =	vadd.s32 v7, v16  }
0x322: {  	v19 =	vadd.f32 v19, v21;
	_ =	sdelay $0x1  }
0x323: {  	v18 =	vand.u32 $0xFFFF0000, v18;
	v19 =	vshrl.u32 v19, $0x10  }
0x324: {  	v18 =	vor.u32 v18, v19  }
0x325: {  	[tilespmem:v20+s20+$0x0] =	vst.idx.msk $0xffff, v18  }
0x326: {  	v18 =	vld [tilespmem:s12+$0x10]  }
0x327: {  	v19 =	vld [tilespmem:s12+$0x0]  }
0x328: {  	v20 =	vld [tilespmem:s15+$0x0]  }
0x329: {  	v21 =	vld [tilespmem:s12+$0x20];
	_ =	sdelay $0x2  }
0x32a: {  	v22 =	vshll.u32 v19, $0x10  }
0x32b: {  	v24 =	vshll.u32 v18, $0x10;
	v23 =	vshll.u32 v20, $0x10;
	v19 =	vadd.f32 v19, v20  }
0x32c: {  	v20 =	vadd.f32 v22, v23;
	v22 =	vshll.u32 v21, $0x10;
	v18 =	vadd.f32 v21, v18  }
0x32d: {  	v21 =	vadd.f32 v22, v24  }
0x32e: {  	v18 =	vadd.f32 v18, v19;
	v19 =	vadd.s32 v8, v16  }
0x32f: {  	v20 =	vadd.f32 v21, v20;
	_ =	sdelay $0x1  }
0x330: {  	v18 =	vand.u32 $0xFFFF0000, v18;
	v20 =	vshrl.u32 v20, $0x10  }
0x331: {  	v18 =	vor.u32 v18, v20  }
0x332: {  	[tilespmem:v19+s20+$0x0] =	vst.idx.msk $0xffff, v18  }
0x333: {  	v18 =	vld [tilespmem:s12+$0x30]  }
0x334: {  	v19 =	vld [tilespmem:s12+$0x50]  }
0x335: {  	v20 =	vld [tilespmem:s15+$0x10]  }
0x336: {  	v21 =	vld [tilespmem:s12+$0x40];
	_ =	sdelay $0x2  }
0x337: {  	v22 =	vshll.u32 v18, $0x10;
	v23 =	vshll.u32 v19, $0x10  }
0x338: {  	v24 =	vshll.u32 v20, $0x10  }
0x339: {  	v22 =	vadd.f32 v22, v24;
	v24 =	vshll.u32 v21, $0x10;
	v19 =	vadd.f32 v19, v21  }
0x33a: {  	v18 =	vadd.f32 v18, v20;
	v21 =	vadd.f32 v23, v24  }
0x33b: {  	v20 =	vadd.s32 v9, v16  }
0x33c: {  	v18 =	vadd.f32 v19, v18;
	v21 =	vadd.f32 v21, v22;
	_ =	sdelay $0x1  }
0x33d: {  	v18 =	vand.u32 $0xFFFF0000, v18;
	v19 =	vshrl.u32 v21, $0x10  }
0x33e: {  	v18 =	vor.u32 v18, v19  }
0x33f: {  	[tilespmem:v20+s20+$0x0] =	vst.idx.msk $0xffff, v18  }
0x340: {  	v18 =	vld [tilespmem:s12+$0x70]  }
0x341: {  	v19 =	vld [tilespmem:s12+$0x60]  }
0x342: {  	v20 =	vld [tilespmem:s15+$0x20]  }
0x343: {  	v21 =	vld [tilespmem:s12+$0x80];
	_ =	sdelay $0x2  }
0x344: {  	v22 =	vshll.u32 v19, $0x10  }
0x345: {  	v24 =	vshll.u32 v18, $0x10;
	v23 =	vshll.u32 v20, $0x10;
	v19 =	vadd.f32 v19, v20  }
0x346: {  	v20 =	vadd.f32 v22, v23;
	v22 =	vshll.u32 v21, $0x10;
	v18 =	vadd.f32 v21, v18  }
0x347: {  	v21 =	vadd.f32 v22, v24  }
0x348: {  	v18 =	vadd.f32 v18, v19;
	v19 =	vadd.s32 v10, v16  }
0x349: {  	v20 =	vadd.f32 v21, v20;
	_ =	sdelay $0x1  }
0x34a: {  	v18 =	vand.u32 $0xFFFF0000, v18;
	v20 =	vshrl.u32 v20, $0x10  }
0x34b: {  	v18 =	vor.u32 v18, v20  }
0x34c: {  	[tilespmem:v19+s20+$0x0] =	vst.idx.msk $0xffff, v18  }
0x34d: {  	v18 =	vld [tilespmem:s15+$0x30]  }
0x34e: {  	v19 =	vld [tilespmem:s12+$0x90]  }
0x34f: {  	v20 =	vld [tilespmem:s12+$0xB0]  }
0x350: {  	v21 =	vld [tilespmem:s12+$0xA0];
	_ =	sdelay $0x2  }
0x351: {  	v22 =	vshll.u32 v19, $0x10;
	v19 =	vadd.f32 v19, v18  }
0x352: {  	v18 =	vshll.u32 v18, $0x10;
	v23 =	vshll.u32 v20, $0x10  }
0x353: {  	v18 =	vadd.f32 v22, v18;
	v22 =	vshll.u32 v21, $0x10;
	v20 =	vadd.f32 v20, v21  }
0x354: {  	v21 =	vadd.f32 v23, v22  }
0x355: {  	v19 =	vadd.f32 v20, v19;
	v20 =	vadd.s32 v11, v16  }
0x356: {  	v18 =	vadd.f32 v21, v18;
	_ =	sdelay $0x1  }
0x357: {  	v19 =	vand.u32 $0xFFFF0000, v19;
	v18 =	vshrl.u32 v18, $0x10  }
0x358: {  	v18 =	vor.u32 v19, v18  }
0x359: {  	[tilespmem:v20+s20+$0x0] =	vst.idx.msk $0xffff, v18  }
0x35a: {  	v18 =	vld [tilespmem:s12+$0xE0]  }
0x35b: {  	v19 =	vld [tilespmem:s12+$0xC0]  }
0x35c: {  	v20 =	vld [tilespmem:s15+$0x40]  }
0x35d: {  	v21 =	vld [tilespmem:s12+$0xD0];
	_ =	sdelay $0x2  }
0x35e: {  	v22 =	vshll.u32 v19, $0x10  }
0x35f: {  	v24 =	vshll.u32 v18, $0x10;
	v23 =	vshll.u32 v20, $0x10;
	v19 =	vadd.f32 v19, v20  }
0x360: {  	v20 =	vadd.f32 v22, v23;
	v22 =	vshll.u32 v21, $0x10;
	v18 =	vadd.f32 v18, v21  }
0x361: {  	v21 =	vadd.f32 v24, v22  }
0x362: {  	v18 =	vadd.f32 v18, v19;
	v19 =	vadd.s32 v12, v16  }
0x363: {  	v20 =	vadd.f32 v21, v20;
	_ =	sdelay $0x1  }
.Ltmp1:
0x364: {  	v18 =	vand.u32 $0xFFFF0000, v18;
	v20 =	vshrl.u32 v20, $0x10;
	(pc) =	sbr.rel @p0 .LBB2_5-.Ltmp1, $4  }
0x365: {  	v18 =	vor.u32 v18, v20  }
0x366: {  	[tilespmem:v19+s20+$0x0] =	vst.idx.msk $0xffff, v18  }
0x367: {  	v18 =	vld [tilespmem:s12+$0x110]  }
0x368: {  	v19 =	vld [tilespmem:s12+$0x100]  }
0x369: {  	v16 =	vld [tilespmem:s11+$0x50]  }
0x36a: {  	v20 =	vld [tilespmem:s14+$0xF0];
	_ =	sdelay $0x3  }
0x36b: {  	v44 =	vshll.u32 v18, $0x10;
	v21 =	vshll.u32 v19, $0x10;
	v43 =	vadd.f32 v18, v19  }
0x36c: {  	v22 =	vshll.u32 v16, $0x10;
	v23 =	vshll.u32 v20, $0x10;
	v16 =	vadd.f32 v20, v16  }
0x36d: {  	v18 =	vadd.f32 v44, v21;
	v45 =	vadd.f32 v23, v22  }
0x36e: {  	v46 =	vadd.s32 v13, v17  }
0x36f: {  	v16 =	vadd.f32 v43, v16;
	v18 =	vadd.f32 v18, v45;
	_ =	sdelay $0x1  }
0x370: {  	v16 =	vand.u32 $0xFFFF0000, v16;
	v18 =	vshrl.u32 v18, $0x10  }
0x371: {  	v16 =	vor.u32 v16, v18  }
0x372: {  	[tilespmem:v46+s20+$0x0] =	vst.idx.msk $0xffff, v16  }
0x373: {  	v16 =	vld [tilespmem:s11+$0x60]  }
0x374: {  	v47 =	vld [tilespmem:s14+$0x120]  }
0x375: {  	v48 =	vld [tilespmem:s14+$0x130]  }
0x376: {  	v49 =	vld [tilespmem:s14+$0x140];
	_ =	sdelay $0x3  }
0x377: {  	v50 =	vshll.u32 v47, $0x10;
	v18 =	vadd.f32 v47, v16;
	v16 =	vshll.u32 v16, $0x10  }
0x378: {  	v51 =	vshll.u32 v48, $0x10;
	v52 =	vshll.u32 v49, $0x10;
	v19 =	vadd.f32 v49, v48  }
0x379: {  	v16 =	vadd.f32 v50, v16;
	v53 =	vadd.f32 v52, v51  }
0x37a: {  	v54 =	vadd.s32 v14, v17  }
0x37b: {  	v18 =	vadd.f32 v19, v18;
	v16 =	vadd.f32 v53, v16;
	_ =	sdelay $0x1  }
0x37c: {  	v18 =	vand.u32 $0xFFFF0000, v18;
	v16 =	vshrl.u32 v16, $0x10  }
0x37d: {  	v16 =	vor.u32 v18, v16  }
0x37e: {  	[tilespmem:v54+s20+$0x0] =	vst.idx.msk $0xffff, v16  }
0x37f: {  	v16 =	vld [tilespmem:s14+$0x150]  }
0x380: {  	v55 =	vld [tilespmem:s11+$0x70]  }
0x381: {  	v56 =	vld [tilespmem:s14+$0x170]  }
0x382: {  	v57 =	vld [tilespmem:s14+$0x160];
	_ =	sdelay $0x3  }
0x383: {  	v58 =	vshll.u32 v55, $0x10;
	v59 =	vshll.u32 v16, $0x10;
	v16 =	vadd.f32 v16, v55  }
0x384: {  	v61 =	vshll.u32 v57, $0x10;
	v62 =	vshll.u32 v56, $0x10;
	v19 =	vadd.f32 v56, v57  }
0x385: {  	v60 =	vadd.f32 v59, v58;
	v63 =	vadd.f32 v62, v61  }
0x386: {  	v17 =	vadd.s32 v15, v17;
	s16 =	sadd.s32 $0x1, s16  }
0x387: {  	p0 =	sne.s32 s16, $0x80;
	v16 =	vadd.f32 v19, v16;
	v18 =	vadd.f32 v63, v60  }
.Ltmp2:
0x388: {  	_ = 	snop;
	(pc) =	sbr.rel @p0 .LBB2_2-.Ltmp2, $4  }
0x389: {  	s9 =	sshll.u32 s9, $0x8;
	v16 =	vand.u32 $0xFFFF0000, v16;
	v18 =	vshrl.u32 v18, $0x10  }
0x38a: {  	s10 =	sadd.s32 s7, s10;
	s9 =	sand.u32 $0x7F00, s9;
	v16 =	vor.u32 v16, v18  }
0x38b: {  	s9 =	sadd.s32 s9, s10;
	[tilespmem:v17+s20+$0x0] =	vst.idx.msk $0xffff, v16  }
0x38c: {  	[hbm4b:s9+s4] =	stream.linear.scatter [tilespmem:s20], [sflag:$0x6], $0x800, $0x38;
	[tilespmem:$0x5400] =	vst v63  }
0x38d: {  	s9 =	simm.s32 $0x5  }
0x38e: {  	_ =	swait.ge [sflag:s9], $0x800  }
0x38f: {  	[sflag:s9] =	ssyncset.done $0x0  }
0x390: {  	[sflag:s9] =	ssyncadd.s32 $0xFFFFF800  }
0x391: {  	_ =	swait.ge [sflag:s22], $0x800  }
0x392: {  	s23 =	sadd.s32 $0x1, s23;
	s21 =	rddreg [dreg:$0x8]  }
0x393: {  	p0 =	sne.s32 s23, s21  }
.Ltmp3:
0x394: {  	_ = 	snop;
	(pc) =	sbr.rel @p0 .LBB2_1-.Ltmp3, $3  }
0x395: {  	_ =	sdelay $0x1  }
0x396: {  	[sflag:s22] =	ssyncset.done $0x0  }
0x397: {  	[sflag:s22] =	ssyncadd.s32 $0xFFFFF800  }
0x398: {  	_ =	sfence.sel $0x180000  }
0x399: {  	[bflag:$0x0] =	sbarrier.arrive $0xFFFF  }
0x39a: {  	_ =	strace $0x90000047  }
0x39b: {  	s0 =	stileid.u32;
	[bflag:$0x2] =	sbarrier.arrive $0xFFFF  }
0x39c: {  	p0 =	sne.s32 s0, $0x0;
	s0 =	rddreg [dreg:$0x3]  }
0x39d: {  	s0 =	sadd.s32 @!p0 $0x100000, s0  }
0x39e: {  	[sflag:s0] =	ssyncadd.tile.s32 @!p0 $0x1;
	_ =	shalt  }
.Lfunc_end2:
_tile_overlayer_lowered:
.L_overlay_start_2:
0x39f: {  	(tag) =	ssettag $0x2  }
0x3a0: {  	s0 =	rddreg [dreg:$0x0];
	s2 =	stileid.u32  }
0x3a1: {  	s1 =	rddreg [dreg:$0x1];
	p0 =	sne.s32 s2, $0x0  }
0x3a2: {  	s3 =	rddreg [dreg:$0x2];
	[bflag:$0x3] =	sbarrier.arrive $0xFFFF;
	s2 =	simm.s32 @!p0 $0x1C07  }
0x3a3: {  	[timem:s3], [sflag:s2] =	dma.local @!p0 [hbm:s0], s1  }
0x3a4: {  	s0 =	simm.s32 @!p0 $0x7  }
0x3a5: {  	_ =	swait.ge @!p0 [sflag:s0], s1  }
0x3a6: {  	s1 =	ssub.s32 @!p0 $0x0, s1;
	[sflag:s0] =	ssyncset.done @!p0 $0x0  }
0x3a7: {  	[sflag:s0] =	ssyncadd.s32 @!p0 s1  }
0x3a8: {  	[bflag:$0x3] =	sbarrier.arrive $0xFFFF  }
0x3a9: {  	_ =	shalt  }

</sc_bundles>
